<compile_context>
chip_gen: v7x
topology: tpu7x:2x2x1
jax: 0.10.2.dev20260603
libtpu: 0.0.44.dev20260713+nightly
codegen_flags: <defaults>
</compile_context>

<pallas_src>
import functools

import jax
import jax.numpy as jnp
from jax import lax
from jax.experimental import pallas as pl
from jax.experimental.pallas import tpu as pltpu
from jax.experimental.pallas import tpu_sc as plsc

N = 10000
E = 320000
D = 128
L = 3

NC = 2
NS = 16
NW = NC * NS
CH = 128
K = 80
E_PAD = NW * K * CH
NPAD = 10240
ZROWS = NPAD // NS
OROWS = NPAD // NS

@functools.cache
def _build_sc_segment_sum():
    mesh = plsc.VectorSubcoreMesh(core_axis_name="c", subcore_axis_name="s")

    @functools.partial(
        pl.kernel,
        out_type=jax.ShapeDtypeStruct((NC, NPAD, D), jnp.float32),
        mesh=mesh,
        scratch_types=[
            pltpu.VMEM((K // 2, CH), jnp.int32),
            pltpu.VMEM((K // 2, CH), jnp.int32),
            pltpu.VMEM((CH, D), jnp.float32),
            pltpu.VMEM((CH, D), jnp.float32),
            pltpu.VMEM_SHARED((NPAD, D), jnp.float32),
            pltpu.SemaphoreType.DMA,
            pltpu.SemaphoreType.DMA,
        ],
    )
    def sc_segment_sum(h_hbm, src_hbm, dst_hbm, zeros_hbm, out_hbm,
                       src_v, dst_v, rows0_v, rows1_v, acc_sh, g0, g1):
        c = lax.axis_index("c")
        s = lax.axis_index("s")
        wid = s * NC + c

        KH = K // 2
        for half in range(2):
            pltpu.sync_copy(src_hbm.at[wid, pl.ds(half * KH, KH)], src_v)
            pltpu.sync_copy(dst_hbm.at[wid, pl.ds(half * KH, KH)], dst_v)

            pltpu.async_copy(h_hbm.at[src_v.at[0]], rows0_v, g0)
            pltpu.async_copy(h_hbm.at[src_v.at[1]], rows1_v, g1)

            if half == 0:
                pltpu.sync_copy(zeros_hbm.at[pl.ds(s * ZROWS, ZROWS)],
                                acc_sh.at[pl.ds(s * ZROWS, ZROWS)])
                plsc.subcore_barrier()

            def body(i, carry):
                j = 2 * i
                jn0 = jnp.minimum(j + 2, KH - 1)
                jn1 = jnp.minimum(j + 3, KH - 1)
                pltpu.make_async_copy(
                    h_hbm.at[src_v.at[j]], rows0_v, g0).wait()
                pltpu.sync_copy(rows0_v, acc_sh.at[dst_v.at[j]], add=True)
                pltpu.async_copy(h_hbm.at[src_v.at[jn0]], rows0_v, g0)
                pltpu.make_async_copy(
                    h_hbm.at[src_v.at[j + 1]], rows1_v, g1).wait()
                pltpu.sync_copy(rows1_v, acc_sh.at[dst_v.at[j + 1]],
                                add=True)
                pltpu.async_copy(h_hbm.at[src_v.at[jn1]], rows1_v, g1)
                return carry

            lax.fori_loop(0, KH // 2, body, 0)
            pltpu.make_async_copy(
                h_hbm.at[src_v.at[KH - 1]], rows0_v, g0).wait()
            pltpu.make_async_copy(
                h_hbm.at[src_v.at[KH - 1]], rows1_v, g1).wait()

        plsc.subcore_barrier()
        pltpu.sync_copy(acc_sh.at[pl.ds(s * OROWS, OROWS)],
                        out_hbm.at[c, pl.ds(s * OROWS, OROWS)])

    return sc_segment_sum


def _tc_dense(h_ref, agg_ref, w_ref, b_ref, eps_ref,
              g1_ref, b1_ref, g2_ref, b2_ref, out_ref):
    agg = agg_ref[0, 0:N, :] + agg_ref[1, 0:N, :]
    u = (1.0 + eps_ref[0, 0]) * h_ref[...] + agg
    y = jnp.dot(u, w_ref[...], preferred_element_type=jnp.float32) + b_ref[...]
    m = jnp.mean(y, axis=0, keepdims=True)
    v = jnp.mean(y * y, axis=0, keepdims=True) - m * m
    k = lax.rsqrt(v + 1e-5) * g1_ref[...]
    y = jnp.maximum(y * k + (b1_ref[...] - m * k), 0.0)
    m2 = jnp.mean(y, axis=0, keepdims=True)
    v2 = jnp.mean(y * y, axis=0, keepdims=True) - m2 * m2
    k2 = lax.rsqrt(v2 + 1e-5) * g2_ref[...]
    out_ref[...] = jnp.maximum(y * k2 + (b2_ref[...] - m2 * k2), 0.0)


_tc_call = pl.pallas_call(
    _tc_dense,
    out_shape=jax.ShapeDtypeStruct((N, D), jnp.float32),
)


def kernel(x, edge_index, W, b, eps, gamma1, beta1, gamma2, beta2):
    src = edge_index[0]
    dst = edge_index[1]
    pad = E_PAD - E
    r = jnp.arange(pad, dtype=jnp.int32)
    src_p = jnp.concatenate([src, r % N]).reshape(NW, K, CH)
    dst_p = jnp.concatenate([dst, N + r % (NPAD - N)]).reshape(NW, K, CH)
    zeros = jnp.zeros((NPAD, D), jnp.float32)

    sc_segment_sum = _build_sc_segment_sum()
    h = x
    for i in range(L):
        agg = sc_segment_sum(h, src_p, dst_p, zeros)
        h = _tc_call(h, agg, W[i], b[i].reshape(1, D),
                     eps[i].reshape(1, 1),
                     gamma1[i].reshape(1, D), beta1[i].reshape(1, D),
                     gamma2[i].reshape(1, D), beta2[i].reshape(1, D))
    return h

# --- scband reference (transcript-rebuilt; emitter-appended) ---
"""Pipeline reference for scband-sub-gi-5944234737772 (READ-ONLY COPY).

The authoritative reference and input builder live on the scoring server;
editing this copy changes nothing except your own understanding.
"""

import jax, jax.numpy as jnp
import numpy as np

N = 10000
E = 320000
D = 128
L = 3  # n_layers + 1 GIN layers (Encoder builds GIN with n_layers+1=3)


def setup_inputs(seed: int = 0) -> dict:
    key = jax.random.key(seed)
    ks = jax.random.split(key, 4)
    x = jax.random.normal(ks[0], (N, D), dtype=jnp.float32)
    edge_index = jax.random.randint(ks[1], (2, E), 0, N, dtype=jnp.int32)
    # Stacked per-layer parameters (all layers are D->D since num_mlp_layers=1,
    # input_dim == hidden_dim == 128).
    W = jax.random.normal(ks[2], (L, D, D), dtype=jnp.float32) * (1.0 / np.sqrt(D))
    b = jnp.zeros((L, D), dtype=jnp.float32)
    eps = jnp.zeros((L,), dtype=jnp.float32)          # learn_eps=True, init 0
    gamma1 = jnp.ones((L, D), dtype=jnp.float32)      # BN inside ApplyNodeFunc
    beta1 = jnp.zeros((L, D), dtype=jnp.float32)
    gamma2 = jnp.ones((L, D), dtype=jnp.float32)      # outer BN in GIN.forward
    beta2 = jnp.zeros((L, D), dtype=jnp.float32)
    return {"x": x, "edge_index": edge_index, "W": W, "b": b, "eps": eps,
            "gamma1": gamma1, "beta1": beta1, "gamma2": gamma2, "beta2": beta2}


def _batchnorm(h, gamma, beta):
    m = jnp.mean(h, axis=0)
    v = jnp.var(h, axis=0)
    return (h - m) / jnp.sqrt(v + 1e-5) * gamma + beta


def reference(x, edge_index, W, b, eps, gamma1, beta1, gamma2, beta2):
    # SubGI encoder: GIN with sum neighbor pooling, learnable eps,
    # 1-layer MLP (pure linear) per GINConv, BN+ReLU inside ApplyNodeFunc,
    # then BN+ReLU again in GIN.forward. Returns final-layer node embeddings.
    src = edge_index[0]
    dst = edge_index[1]
    h = x
    for i in range(L):
        # GINConv sum aggregation: (1 + eps) * h_v + sum_{u in N(v)} h_u
        agg = jax.ops.segment_sum(h[src], dst, num_segments=N)
        h = (1.0 + eps[i]) * h + agg
        # ApplyNodeFunc: MLP (single linear) -> BN -> ReLU
        h = h @ W[i] + b[i]
        h = _batchnorm(h, gamma1[i], beta1[i])
        h = jax.nn.relu(h)
        # outer GIN: BN -> ReLU
        h = _batchnorm(h, gamma2[i], beta2[i])
        h = jax.nn.relu(h)
    return h

if __name__ == "__main__":
    import jax
    _d = setup_inputs()
    print(jax.jit(kernel)(*tuple(_d.values())))

</pallas_src>

<mosaic_0001>
#map = affine_map<(d0, d1) -> (0, 0)>
#map1 = affine_map<(d0, d1) -> (0, 0, 0)>
module attributes {stable_mosaic.version = 14 : i64} {
  func.func @sc_segment_sum(%arg0: i32, %arg1: i32, %arg2: memref<10000x128xf32, #tpu.memory_space<hbm>>, %arg3: memref<32x80x128xi32, #tpu.memory_space<hbm>>, %arg4: memref<32x80x128xi32, #tpu.memory_space<hbm>>, %arg5: memref<10240x128xf32, #tpu.memory_space<hbm>>, %arg6: memref<2x10240x128xf32, #tpu.memory_space<hbm>>, %arg7: memref<40x128xi32, #tpu.memory_space<vmem>>, %arg8: memref<40x128xi32, #tpu.memory_space<vmem>>, %arg9: memref<128x128xf32, #tpu.memory_space<vmem>>, %arg10: memref<128x128xf32, #tpu.memory_space<vmem>>, %arg11: memref<10240x128xf32, #tpu.memory_space<vmem_shared>>, %arg12: memref<!tpu.dma_semaphore, #tpu.memory_space<semaphore_mem>>, %arg13: memref<!tpu.dma_semaphore, #tpu.memory_space<semaphore_mem>>) attributes {dimension_semantics = [#tpu.dimension_semantics<core_parallel>, #tpu.dimension_semantics<subcore_parallel>], iteration_bounds = array<i64: 2, 16>, scalar_prefetch = 0 : i64, scratch_operands = 7 : i64, tpu.core_type = #tpu.core_type<sc_vector_subcore>, window_params = [{transform_indices = #map}, {transform_indices = #map1}, {transform_indices = #map1}, {transform_indices = #map}, {transform_indices = #map1}]} {
    %mul3A = arith.constant 2 : i32
    %mul3A_0 = arith.muli %arg1, %mul3A : i32
    %add3A = arith.addi %mul3A_0, %arg0 : i32
    "tpu.region"() ({
      %run_scoped3A = tpu.sem_alloc : memref<!tpu.dma_semaphore, #tpu.memory_space<semaphore_mem>>
      %dma_start3A_75 = arith.constant 0 : i32
      %dma_start3A_76 = arith.constant 0 : i32
      %dma_start3A_77 = tpu.memref_slice %arg3[%add3A, %dma_start3A_75, %dma_start3A_76] : memref<32x80x128xi32, #tpu.memory_space<hbm>> -> memref<1x40x128xi32, #tpu.memory_space<hbm>>
      %dma_start3A_78 = tpu.memref_squeeze %dma_start3A_77 : memref<1x40x128xi32, #tpu.memory_space<hbm>> -> memref<40x128xi32, #tpu.memory_space<hbm>>
      %dma_start3A_79 = arith.constant 0 : i32
      %dma_start3A_80 = arith.constant 0 : i32
      %dma_start3A_81 = tpu.memref_slice %arg3[%add3A, %dma_start3A_79, %dma_start3A_80] : memref<32x80x128xi32, #tpu.memory_space<hbm>> -> memref<1x40x128xi32, #tpu.memory_space<hbm>>
      %dma_start3A_82 = tpu.memref_squeeze %dma_start3A_81 : memref<1x40x128xi32, #tpu.memory_space<hbm>> -> memref<40x128xi32, #tpu.memory_space<hbm>>
      tpu.enqueue_dma source(%dma_start3A_82 : memref<40x128xi32, #tpu.memory_space<hbm>>) target(%arg7 : memref<40x128xi32, #tpu.memory_space<vmem>>) target_semaphore(%run_scoped3A : memref<!tpu.dma_semaphore, #tpu.memory_space<semaphore_mem>>)
      %dma_wait3A_83 = arith.constant 0 : i32
      %dma_wait3A_84 = arith.constant 0 : i32
      %dma_wait3A_85 = tpu.memref_slice %arg3[%add3A, %dma_wait3A_83, %dma_wait3A_84] : memref<32x80x128xi32, #tpu.memory_space<hbm>> -> memref<1x40x128xi32, #tpu.memory_space<hbm>>
      %dma_wait3A_86 = tpu.memref_squeeze %dma_wait3A_85 : memref<1x40x128xi32, #tpu.memory_space<hbm>> -> memref<40x128xi32, #tpu.memory_space<hbm>>
      %dma_wait3A_87 = arith.constant 0 : i32
      %dma_wait3A_88 = arith.constant 0 : i32
      %dma_wait3A_89 = tpu.memref_slice %arg3[%add3A, %dma_wait3A_87, %dma_wait3A_88] : memref<32x80x128xi32, #tpu.memory_space<hbm>> -> memref<1x40x128xi32, #tpu.memory_space<hbm>>
      %dma_wait3A_90 = tpu.memref_squeeze %dma_wait3A_89 : memref<1x40x128xi32, #tpu.memory_space<hbm>> -> memref<40x128xi32, #tpu.memory_space<hbm>>
      tpu.wait_dma2 semaphore(%run_scoped3A : memref<!tpu.dma_semaphore, #tpu.memory_space<semaphore_mem>>) src(%dma_wait3A_90 : memref<40x128xi32, #tpu.memory_space<hbm>>) dst(%arg7 : memref<40x128xi32, #tpu.memory_space<vmem>>)
      tpu.yield
    }) : () -> ()
    "tpu.region"() ({
      %run_scoped3A = tpu.sem_alloc : memref<!tpu.dma_semaphore, #tpu.memory_space<semaphore_mem>>
      %dma_start3A_75 = arith.constant 0 : i32
      %dma_start3A_76 = arith.constant 0 : i32
      %dma_start3A_77 = tpu.memref_slice %arg4[%add3A, %dma_start3A_75, %dma_start3A_76] : memref<32x80x128xi32, #tpu.memory_space<hbm>> -> memref<1x40x128xi32, #tpu.memory_space<hbm>>
      %dma_start3A_78 = tpu.memref_squeeze %dma_start3A_77 : memref<1x40x128xi32, #tpu.memory_space<hbm>> -> memref<40x128xi32, #tpu.memory_space<hbm>>
      %dma_start3A_79 = arith.constant 0 : i32
      %dma_start3A_80 = arith.constant 0 : i32
      %dma_start3A_81 = tpu.memref_slice %arg4[%add3A, %dma_start3A_79, %dma_start3A_80] : memref<32x80x128xi32, #tpu.memory_space<hbm>> -> memref<1x40x128xi32, #tpu.memory_space<hbm>>
      %dma_start3A_82 = tpu.memref_squeeze %dma_start3A_81 : memref<1x40x128xi32, #tpu.memory_space<hbm>> -> memref<40x128xi32, #tpu.memory_space<hbm>>
      tpu.enqueue_dma source(%dma_start3A_82 : memref<40x128xi32, #tpu.memory_space<hbm>>) target(%arg8 : memref<40x128xi32, #tpu.memory_space<vmem>>) target_semaphore(%run_scoped3A : memref<!tpu.dma_semaphore, #tpu.memory_space<semaphore_mem>>)
      %dma_wait3A_83 = arith.constant 0 : i32
      %dma_wait3A_84 = arith.constant 0 : i32
      %dma_wait3A_85 = tpu.memref_slice %arg4[%add3A, %dma_wait3A_83, %dma_wait3A_84] : memref<32x80x128xi32, #tpu.memory_space<hbm>> -> memref<1x40x128xi32, #tpu.memory_space<hbm>>
      %dma_wait3A_86 = tpu.memref_squeeze %dma_wait3A_85 : memref<1x40x128xi32, #tpu.memory_space<hbm>> -> memref<40x128xi32, #tpu.memory_space<hbm>>
      %dma_wait3A_87 = arith.constant 0 : i32
      %dma_wait3A_88 = arith.constant 0 : i32
      %dma_wait3A_89 = tpu.memref_slice %arg4[%add3A, %dma_wait3A_87, %dma_wait3A_88] : memref<32x80x128xi32, #tpu.memory_space<hbm>> -> memref<1x40x128xi32, #tpu.memory_space<hbm>>
      %dma_wait3A_90 = tpu.memref_squeeze %dma_wait3A_89 : memref<1x40x128xi32, #tpu.memory_space<hbm>> -> memref<40x128xi32, #tpu.memory_space<hbm>>
      tpu.wait_dma2 semaphore(%run_scoped3A : memref<!tpu.dma_semaphore, #tpu.memory_space<semaphore_mem>>) src(%dma_wait3A_90 : memref<40x128xi32, #tpu.memory_space<hbm>>) dst(%arg8 : memref<40x128xi32, #tpu.memory_space<vmem>>)
      tpu.yield
    }) : () -> ()
    %dma_start3A = arith.constant 0 : i32
    %dma_start3A_1 = arith.constant 0 : i32
    %dma_start3A_2 = tpu.memref_slice %arg7[%dma_start3A, %dma_start3A_1] : memref<40x128xi32, #tpu.memory_space<vmem>> -> memref<1x128xi32, #tpu.memory_space<vmem>>
    %dma_start3A_3 = tpu.memref_squeeze %dma_start3A_2 : memref<1x128xi32, #tpu.memory_space<vmem>> -> memref<128xi32, #tpu.memory_space<vmem>>
    %dma_start3A_4 = arith.constant 0 : i32
    %dma_start3A_5 = arith.constant 0 : i32
    %dma_start3A_6 = tpu.memref_slice %arg2[%dma_start3A_4, %dma_start3A_5] : memref<10000x128xf32, #tpu.memory_space<hbm>> -> memref<10000x128xf32, #tpu.memory_space<hbm>>
    tpu.enqueue_indirect_dma source(%dma_start3A_6 : memref<10000x128xf32, #tpu.memory_space<hbm>>) target(%arg9 : memref<128x128xf32, #tpu.memory_space<vmem>>) offsets(%dma_start3A_3 : memref<128xi32, #tpu.memory_space<vmem>>) semaphore(%arg12 : memref<!tpu.dma_semaphore, #tpu.memory_space<semaphore_mem>>)
    %dma_start3A_7 = arith.constant 1 : i32
    %dma_start3A_8 = arith.constant 0 : i32
    %dma_start3A_9 = tpu.memref_slice %arg7[%dma_start3A_7, %dma_start3A_8] : memref<40x128xi32, #tpu.memory_space<vmem>> -> memref<1x128xi32, #tpu.memory_space<vmem>>
    %dma_start3A_10 = tpu.memref_squeeze %dma_start3A_9 : memref<1x128xi32, #tpu.memory_space<vmem>> -> memref<128xi32, #tpu.memory_space<vmem>>
    %dma_start3A_11 = arith.constant 0 : i32
    %dma_start3A_12 = arith.constant 0 : i32
    %dma_start3A_13 = tpu.memref_slice %arg2[%dma_start3A_11, %dma_start3A_12] : memref<10000x128xf32, #tpu.memory_space<hbm>> -> memref<10000x128xf32, #tpu.memory_space<hbm>>
    tpu.enqueue_indirect_dma source(%dma_start3A_13 : memref<10000x128xf32, #tpu.memory_space<hbm>>) target(%arg10 : memref<128x128xf32, #tpu.memory_space<vmem>>) offsets(%dma_start3A_10 : memref<128xi32, #tpu.memory_space<vmem>>) semaphore(%arg13 : memref<!tpu.dma_semaphore, #tpu.memory_space<semaphore_mem>>)
    %mul3A_14 = arith.constant 640 : i32
    %mul3A_15 = arith.muli %arg1, %mul3A_14 : i32
    %mul3A_16 = arith.constant 640 : i32
    %mul3A_17 = arith.muli %arg1, %mul3A_16 : i32
    "tpu.region"() ({
      %run_scoped3A = tpu.sem_alloc : memref<!tpu.dma_semaphore, #tpu.memory_space<semaphore_mem>>
      %dma_start3A_75 = arith.constant 0 : i32
      %dma_start3A_76 = tpu.memref_slice %arg11[%mul3A_17, %dma_start3A_75] : memref<10240x128xf32, #tpu.memory_space<vmem_shared>> -> memref<640x128xf32, #tpu.memory_space<vmem_shared>>
      %dma_start3A_77 = arith.constant 0 : i32
      %dma_start3A_78 = tpu.memref_slice %arg5[%mul3A_15, %dma_start3A_77] : memref<10240x128xf32, #tpu.memory_space<hbm>> -> memref<640x128xf32, #tpu.memory_space<hbm>>
      tpu.enqueue_dma source(%dma_start3A_78 : memref<640x128xf32, #tpu.memory_space<hbm>>) target(%dma_start3A_76 : memref<640x128xf32, #tpu.memory_space<vmem_shared>>) target_semaphore(%run_scoped3A : memref<!tpu.dma_semaphore, #tpu.memory_space<semaphore_mem>>)
      %dma_wait3A_79 = arith.constant 0 : i32
      %dma_wait3A_80 = tpu.memref_slice %arg11[%mul3A_17, %dma_wait3A_79] : memref<10240x128xf32, #tpu.memory_space<vmem_shared>> -> memref<640x128xf32, #tpu.memory_space<vmem_shared>>
      %dma_wait3A_81 = arith.constant 0 : i32
      %dma_wait3A_82 = tpu.memref_slice %arg5[%mul3A_15, %dma_wait3A_81] : memref<10240x128xf32, #tpu.memory_space<hbm>> -> memref<640x128xf32, #tpu.memory_space<hbm>>
      tpu.wait_dma2 semaphore(%run_scoped3A : memref<!tpu.dma_semaphore, #tpu.memory_space<semaphore_mem>>) src(%dma_wait3A_82 : memref<640x128xf32, #tpu.memory_space<hbm>>) dst(%dma_wait3A_80 : memref<640x128xf32, #tpu.memory_space<vmem_shared>>)
      tpu.yield
    }) : () -> ()
    %barrier3A = arith.constant 0 : index
    tpu.barrier barrier_id(%barrier3A)
    %scan3A = arith.constant 0 : i32
    %scan3A_18 = arith.constant 0 : i32
    %scan3A_19 = arith.constant 20 : i32
    %scan3A_20 = arith.addi %scan3A_18, %scan3A_19 : i32
    %scan3A_21 = arith.constant 1 : i32
    scf.for %scan3A_75 = %scan3A_18 to %scan3A_20 step %scan3A_21  : i32 {
      %mul3A_76 = arith.constant 2 : i32
      %mul3A_77 = arith.muli %mul3A_76, %scan3A_75 : i32
      %add3A_78 = arith.constant 2 : i32
      %add3A_79 = arith.addi %mul3A_77, %add3A_78 : i32
      %min3A = arith.constant 39 : i32
      %min3A_80 = arith.minsi %add3A_79, %min3A : i32
      %add3A_81 = arith.constant 3 : i32
      %add3A_82 = arith.addi %mul3A_77, %add3A_81 : i32
      %min3A_83 = arith.constant 39 : i32
      %min3A_84 = arith.minsi %add3A_82, %min3A_83 : i32
      %dma_wait3A_85 = arith.constant 0 : i32
      %dma_wait3A_86 = tpu.memref_slice %arg7[%mul3A_77, %dma_wait3A_85] : memref<40x128xi32, #tpu.memory_space<vmem>> -> memref<1x128xi32, #tpu.memory_space<vmem>>
      %dma_wait3A_87 = tpu.memref_squeeze %dma_wait3A_86 : memref<1x128xi32, #tpu.memory_space<vmem>> -> memref<128xi32, #tpu.memory_space<vmem>>
      %dma_wait3A_88 = arith.constant 0 : i32
      %dma_wait3A_89 = arith.constant 0 : i32
      %dma_wait3A_90 = tpu.memref_slice %arg2[%dma_wait3A_88, %dma_wait3A_89] : memref<10000x128xf32, #tpu.memory_space<hbm>> -> memref<10000x128xf32, #tpu.memory_space<hbm>>
      tpu.wait_indirect_dma semaphore(%arg12 : memref<!tpu.dma_semaphore, #tpu.memory_space<semaphore_mem>>) src(%dma_wait3A_90 : memref<10000x128xf32, #tpu.memory_space<hbm>>) dst(%arg9 : memref<128x128xf32, #tpu.memory_space<vmem>>)
      "tpu.region"() ({
        %run_scoped3A = tpu.sem_alloc : memref<!tpu.dma_semaphore, #tpu.memory_space<semaphore_mem>>
        %dma_start3A_113 = arith.constant 0 : i32
        %dma_start3A_114 = tpu.memref_slice %arg8[%mul3A_77, %dma_start3A_113] : memref<40x128xi32, #tpu.memory_space<vmem>> -> memref<1x128xi32, #tpu.memory_space<vmem>>
        %dma_start3A_115 = tpu.memref_squeeze %dma_start3A_114 : memref<1x128xi32, #tpu.memory_space<vmem>> -> memref<128xi32, #tpu.memory_space<vmem>>
        %dma_start3A_116 = arith.constant 0 : i32
        %dma_start3A_117 = arith.constant 0 : i32
        %dma_start3A_118 = tpu.memref_slice %arg11[%dma_start3A_116, %dma_start3A_117] : memref<10240x128xf32, #tpu.memory_space<vmem_shared>> -> memref<10240x128xf32, #tpu.memory_space<vmem_shared>>
        tpu.enqueue_indirect_dma source(%arg9 : memref<128x128xf32, #tpu.memory_space<vmem>>) target(%dma_start3A_118 : memref<10240x128xf32, #tpu.memory_space<vmem_shared>>) offsets(%dma_start3A_115 : memref<128xi32, #tpu.memory_space<vmem>>) semaphore(%run_scoped3A : memref<!tpu.dma_semaphore, #tpu.memory_space<semaphore_mem>>) {add = true}
        %dma_wait3A_119 = arith.constant 0 : i32
        %dma_wait3A_120 = tpu.memref_slice %arg8[%mul3A_77, %dma_wait3A_119] : memref<40x128xi32, #tpu.memory_space<vmem>> -> memref<1x128xi32, #tpu.memory_space<vmem>>
        %dma_wait3A_121 = tpu.memref_squeeze %dma_wait3A_120 : memref<1x128xi32, #tpu.memory_space<vmem>> -> memref<128xi32, #tpu.memory_space<vmem>>
        %dma_wait3A_122 = arith.constant 0 : i32
        %dma_wait3A_123 = arith.constant 0 : i32
        %dma_wait3A_124 = tpu.memref_slice %arg11[%dma_wait3A_122, %dma_wait3A_123] : memref<10240x128xf32, #tpu.memory_space<vmem_shared>> -> memref<10240x128xf32, #tpu.memory_space<vmem_shared>>
        tpu.wait_indirect_dma semaphore(%run_scoped3A : memref<!tpu.dma_semaphore, #tpu.memory_space<semaphore_mem>>) src(%arg9 : memref<128x128xf32, #tpu.memory_space<vmem>>) dst(%dma_wait3A_124 : memref<10240x128xf32, #tpu.memory_space<vmem_shared>>)
        tpu.yield
      }) : () -> ()
      %dma_start3A_91 = arith.constant 0 : i32
      %dma_start3A_92 = tpu.memref_slice %arg7[%min3A_80, %dma_start3A_91] : memref<40x128xi32, #tpu.memory_space<vmem>> -> memref<1x128xi32, #tpu.memory_space<vmem>>
      %dma_start3A_93 = tpu.memref_squeeze %dma_start3A_92 : memref<1x128xi32, #tpu.memory_space<vmem>> -> memref<128xi32, #tpu.memory_space<vmem>>
      %dma_start3A_94 = arith.constant 0 : i32
      %dma_start3A_95 = arith.constant 0 : i32
      %dma_start3A_96 = tpu.memref_slice %arg2[%dma_start3A_94, %dma_start3A_95] : memref<10000x128xf32, #tpu.memory_space<hbm>> -> memref<10000x128xf32, #tpu.memory_space<hbm>>
      tpu.enqueue_indirect_dma source(%dma_start3A_96 : memref<10000x128xf32, #tpu.memory_space<hbm>>) target(%arg9 : memref<128x128xf32, #tpu.memory_space<vmem>>) offsets(%dma_start3A_93 : memref<128xi32, #tpu.memory_space<vmem>>) semaphore(%arg12 : memref<!tpu.dma_semaphore, #tpu.memory_space<semaphore_mem>>)
      %add3A_97 = arith.constant 1 : i32
      %add3A_98 = arith.addi %mul3A_77, %add3A_97 : i32
      %dma_wait3A_99 = arith.constant 0 : i32
      %dma_wait3A_100 = tpu.memref_slice %arg7[%add3A_98, %dma_wait3A_99] : memref<40x128xi32, #tpu.memory_space<vmem>> -> memref<1x128xi32, #tpu.memory_space<vmem>>
      %dma_wait3A_101 = tpu.memref_squeeze %dma_wait3A_100 : memref<1x128xi32, #tpu.memory_space<vmem>> -> memref<128xi32, #tpu.memory_space<vmem>>
      %dma_wait3A_102 = arith.constant 0 : i32
      %dma_wait3A_103 = arith.constant 0 : i32
      %dma_wait3A_104 = tpu.memref_slice %arg2[%dma_wait3A_102, %dma_wait3A_103] : memref<10000x128xf32, #tpu.memory_space<hbm>> -> memref<10000x128xf32, #tpu.memory_space<hbm>>
      tpu.wait_indirect_dma semaphore(%arg13 : memref<!tpu.dma_semaphore, #tpu.memory_space<semaphore_mem>>) src(%dma_wait3A_104 : memref<10000x128xf32, #tpu.memory_space<hbm>>) dst(%arg10 : memref<128x128xf32, #tpu.memory_space<vmem>>)
      %add3A_105 = arith.constant 1 : i32
      %add3A_106 = arith.addi %mul3A_77, %add3A_105 : i32
      "tpu.region"() ({
        %run_scoped3A = tpu.sem_alloc : memref<!tpu.dma_semaphore, #tpu.memory_space<semaphore_mem>>
        %dma_start3A_113 = arith.constant 0 : i32
        %dma_start3A_114 = tpu.memref_slice %arg8[%add3A_106, %dma_start3A_113] : memref<40x128xi32, #tpu.memory_space<vmem>> -> memref<1x128xi32, #tpu.memory_space<vmem>>
        %dma_start3A_115 = tpu.memref_squeeze %dma_start3A_114 : memref<1x128xi32, #tpu.memory_space<vmem>> -> memref<128xi32, #tpu.memory_space<vmem>>
        %dma_start3A_116 = arith.constant 0 : i32
        %dma_start3A_117 = arith.constant 0 : i32
        %dma_start3A_118 = tpu.memref_slice %arg11[%dma_start3A_116, %dma_start3A_117] : memref<10240x128xf32, #tpu.memory_space<vmem_shared>> -> memref<10240x128xf32, #tpu.memory_space<vmem_shared>>
        tpu.enqueue_indirect_dma source(%arg10 : memref<128x128xf32, #tpu.memory_space<vmem>>) target(%dma_start3A_118 : memref<10240x128xf32, #tpu.memory_space<vmem_shared>>) offsets(%dma_start3A_115 : memref<128xi32, #tpu.memory_space<vmem>>) semaphore(%run_scoped3A : memref<!tpu.dma_semaphore, #tpu.memory_space<semaphore_mem>>) {add = true}
        %dma_wait3A_119 = arith.constant 0 : i32
        %dma_wait3A_120 = tpu.memref_slice %arg8[%add3A_106, %dma_wait3A_119] : memref<40x128xi32, #tpu.memory_space<vmem>> -> memref<1x128xi32, #tpu.memory_space<vmem>>
        %dma_wait3A_121 = tpu.memref_squeeze %dma_wait3A_120 : memref<1x128xi32, #tpu.memory_space<vmem>> -> memref<128xi32, #tpu.memory_space<vmem>>
        %dma_wait3A_122 = arith.constant 0 : i32
        %dma_wait3A_123 = arith.constant 0 : i32
        %dma_wait3A_124 = tpu.memref_slice %arg11[%dma_wait3A_122, %dma_wait3A_123] : memref<10240x128xf32, #tpu.memory_space<vmem_shared>> -> memref<10240x128xf32, #tpu.memory_space<vmem_shared>>
        tpu.wait_indirect_dma semaphore(%run_scoped3A : memref<!tpu.dma_semaphore, #tpu.memory_space<semaphore_mem>>) src(%arg10 : memref<128x128xf32, #tpu.memory_space<vmem>>) dst(%dma_wait3A_124 : memref<10240x128xf32, #tpu.memory_space<vmem_shared>>)
        tpu.yield
      }) : () -> ()
      %dma_start3A_107 = arith.constant 0 : i32
      %dma_start3A_108 = tpu.memref_slice %arg7[%min3A_84, %dma_start3A_107] : memref<40x128xi32, #tpu.memory_space<vmem>> -> memref<1x128xi32, #tpu.memory_space<vmem>>
      %dma_start3A_109 = tpu.memref_squeeze %dma_start3A_108 : memref<1x128xi32, #tpu.memory_space<vmem>> -> memref<128xi32, #tpu.memory_space<vmem>>
      %dma_start3A_110 = arith.constant 0 : i32
      %dma_start3A_111 = arith.constant 0 : i32
      %dma_start3A_112 = tpu.memref_slice %arg2[%dma_start3A_110, %dma_start3A_111] : memref<10000x128xf32, #tpu.memory_space<hbm>> -> memref<10000x128xf32, #tpu.memory_space<hbm>>
      tpu.enqueue_indirect_dma source(%dma_start3A_112 : memref<10000x128xf32, #tpu.memory_space<hbm>>) target(%arg10 : memref<128x128xf32, #tpu.memory_space<vmem>>) offsets(%dma_start3A_109 : memref<128xi32, #tpu.memory_space<vmem>>) semaphore(%arg13 : memref<!tpu.dma_semaphore, #tpu.memory_space<semaphore_mem>>)
    }
    %scan3A_22 = arith.constant 20 : i32
    %dma_wait3A = arith.constant 39 : i32
    %dma_wait3A_23 = arith.constant 0 : i32
    %dma_wait3A_24 = tpu.memref_slice %arg7[%dma_wait3A, %dma_wait3A_23] : memref<40x128xi32, #tpu.memory_space<vmem>> -> memref<1x128xi32, #tpu.memory_space<vmem>>
    %dma_wait3A_25 = tpu.memref_squeeze %dma_wait3A_24 : memref<1x128xi32, #tpu.memory_space<vmem>> -> memref<128xi32, #tpu.memory_space<vmem>>
    %dma_wait3A_26 = arith.constant 0 : i32
    %dma_wait3A_27 = arith.constant 0 : i32
    %dma_wait3A_28 = tpu.memref_slice %arg2[%dma_wait3A_26, %dma_wait3A_27] : memref<10000x128xf32, #tpu.memory_space<hbm>> -> memref<10000x128xf32, #tpu.memory_space<hbm>>
    tpu.wait_indirect_dma semaphore(%arg12 : memref<!tpu.dma_semaphore, #tpu.memory_space<semaphore_mem>>) src(%dma_wait3A_28 : memref<10000x128xf32, #tpu.memory_space<hbm>>) dst(%arg9 : memref<128x128xf32, #tpu.memory_space<vmem>>)
    %dma_wait3A_29 = arith.constant 39 : i32
    %dma_wait3A_30 = arith.constant 0 : i32
    %dma_wait3A_31 = tpu.memref_slice %arg7[%dma_wait3A_29, %dma_wait3A_30] : memref<40x128xi32, #tpu.memory_space<vmem>> -> memref<1x128xi32, #tpu.memory_space<vmem>>
    %dma_wait3A_32 = tpu.memref_squeeze %dma_wait3A_31 : memref<1x128xi32, #tpu.memory_space<vmem>> -> memref<128xi32, #tpu.memory_space<vmem>>
    %dma_wait3A_33 = arith.constant 0 : i32
    %dma_wait3A_34 = arith.constant 0 : i32
    %dma_wait3A_35 = tpu.memref_slice %arg2[%dma_wait3A_33, %dma_wait3A_34] : memref<10000x128xf32, #tpu.memory_space<hbm>> -> memref<10000x128xf32, #tpu.memory_space<hbm>>
    tpu.wait_indirect_dma semaphore(%arg13 : memref<!tpu.dma_semaphore, #tpu.memory_space<semaphore_mem>>) src(%dma_wait3A_35 : memref<10000x128xf32, #tpu.memory_space<hbm>>) dst(%arg10 : memref<128x128xf32, #tpu.memory_space<vmem>>)
    "tpu.region"() ({
      %run_scoped3A = tpu.sem_alloc : memref<!tpu.dma_semaphore, #tpu.memory_space<semaphore_mem>>
      %dma_start3A_75 = arith.constant 40 : i32
      %dma_start3A_76 = arith.constant 0 : i32
      %dma_start3A_77 = tpu.memref_slice %arg3[%add3A, %dma_start3A_75, %dma_start3A_76] : memref<32x80x128xi32, #tpu.memory_space<hbm>> -> memref<1x40x128xi32, #tpu.memory_space<hbm>>
      %dma_start3A_78 = tpu.memref_squeeze %dma_start3A_77 : memref<1x40x128xi32, #tpu.memory_space<hbm>> -> memref<40x128xi32, #tpu.memory_space<hbm>>
      %dma_start3A_79 = arith.constant 40 : i32
      %dma_start3A_80 = arith.constant 0 : i32
      %dma_start3A_81 = tpu.memref_slice %arg3[%add3A, %dma_start3A_79, %dma_start3A_80] : memref<32x80x128xi32, #tpu.memory_space<hbm>> -> memref<1x40x128xi32, #tpu.memory_space<hbm>>
      %dma_start3A_82 = tpu.memref_squeeze %dma_start3A_81 : memref<1x40x128xi32, #tpu.memory_space<hbm>> -> memref<40x128xi32, #tpu.memory_space<hbm>>
      tpu.enqueue_dma source(%dma_start3A_82 : memref<40x128xi32, #tpu.memory_space<hbm>>) target(%arg7 : memref<40x128xi32, #tpu.memory_space<vmem>>) target_semaphore(%run_scoped3A : memref<!tpu.dma_semaphore, #tpu.memory_space<semaphore_mem>>)
      %dma_wait3A_83 = arith.constant 40 : i32
      %dma_wait3A_84 = arith.constant 0 : i32
      %dma_wait3A_85 = tpu.memref_slice %arg3[%add3A, %dma_wait3A_83, %dma_wait3A_84] : memref<32x80x128xi32, #tpu.memory_space<hbm>> -> memref<1x40x128xi32, #tpu.memory_space<hbm>>
      %dma_wait3A_86 = tpu.memref_squeeze %dma_wait3A_85 : memref<1x40x128xi32, #tpu.memory_space<hbm>> -> memref<40x128xi32, #tpu.memory_space<hbm>>
      %dma_wait3A_87 = arith.constant 40 : i32
      %dma_wait3A_88 = arith.constant 0 : i32
      %dma_wait3A_89 = tpu.memref_slice %arg3[%add3A, %dma_wait3A_87, %dma_wait3A_88] : memref<32x80x128xi32, #tpu.memory_space<hbm>> -> memref<1x40x128xi32, #tpu.memory_space<hbm>>
      %dma_wait3A_90 = tpu.memref_squeeze %dma_wait3A_89 : memref<1x40x128xi32, #tpu.memory_space<hbm>> -> memref<40x128xi32, #tpu.memory_space<hbm>>
      tpu.wait_dma2 semaphore(%run_scoped3A : memref<!tpu.dma_semaphore, #tpu.memory_space<semaphore_mem>>) src(%dma_wait3A_90 : memref<40x128xi32, #tpu.memory_space<hbm>>) dst(%arg7 : memref<40x128xi32, #tpu.memory_space<vmem>>)
      tpu.yield
    }) : () -> ()
    "tpu.region"() ({
      %run_scoped3A = tpu.sem_alloc : memref<!tpu.dma_semaphore, #tpu.memory_space<semaphore_mem>>
      %dma_start3A_75 = arith.constant 40 : i32
      %dma_start3A_76 = arith.constant 0 : i32
      %dma_start3A_77 = tpu.memref_slice %arg4[%add3A, %dma_start3A_75, %dma_start3A_76] : memref<32x80x128xi32, #tpu.memory_space<hbm>> -> memref<1x40x128xi32, #tpu.memory_space<hbm>>
      %dma_start3A_78 = tpu.memref_squeeze %dma_start3A_77 : memref<1x40x128xi32, #tpu.memory_space<hbm>> -> memref<40x128xi32, #tpu.memory_space<hbm>>
      %dma_start3A_79 = arith.constant 40 : i32
      %dma_start3A_80 = arith.constant 0 : i32
      %dma_start3A_81 = tpu.memref_slice %arg4[%add3A, %dma_start3A_79, %dma_start3A_80] : memref<32x80x128xi32, #tpu.memory_space<hbm>> -> memref<1x40x128xi32, #tpu.memory_space<hbm>>
      %dma_start3A_82 = tpu.memref_squeeze %dma_start3A_81 : memref<1x40x128xi32, #tpu.memory_space<hbm>> -> memref<40x128xi32, #tpu.memory_space<hbm>>
      tpu.enqueue_dma source(%dma_start3A_82 : memref<40x128xi32, #tpu.memory_space<hbm>>) target(%arg8 : memref<40x128xi32, #tpu.memory_space<vmem>>) target_semaphore(%run_scoped3A : memref<!tpu.dma_semaphore, #tpu.memory_space<semaphore_mem>>)
      %dma_wait3A_83 = arith.constant 40 : i32
      %dma_wait3A_84 = arith.constant 0 : i32
      %dma_wait3A_85 = tpu.memref_slice %arg4[%add3A, %dma_wait3A_83, %dma_wait3A_84] : memref<32x80x128xi32, #tpu.memory_space<hbm>> -> memref<1x40x128xi32, #tpu.memory_space<hbm>>
      %dma_wait3A_86 = tpu.memref_squeeze %dma_wait3A_85 : memref<1x40x128xi32, #tpu.memory_space<hbm>> -> memref<40x128xi32, #tpu.memory_space<hbm>>
      %dma_wait3A_87 = arith.constant 40 : i32
      %dma_wait3A_88 = arith.constant 0 : i32
      %dma_wait3A_89 = tpu.memref_slice %arg4[%add3A, %dma_wait3A_87, %dma_wait3A_88] : memref<32x80x128xi32, #tpu.memory_space<hbm>> -> memref<1x40x128xi32, #tpu.memory_space<hbm>>
      %dma_wait3A_90 = tpu.memref_squeeze %dma_wait3A_89 : memref<1x40x128xi32, #tpu.memory_space<hbm>> -> memref<40x128xi32, #tpu.memory_space<hbm>>
      tpu.wait_dma2 semaphore(%run_scoped3A : memref<!tpu.dma_semaphore, #tpu.memory_space<semaphore_mem>>) src(%dma_wait3A_90 : memref<40x128xi32, #tpu.memory_space<hbm>>) dst(%arg8 : memref<40x128xi32, #tpu.memory_space<vmem>>)
      tpu.yield
    }) : () -> ()
    %dma_start3A_36 = arith.constant 0 : i32
    %dma_start3A_37 = arith.constant 0 : i32
    %dma_start3A_38 = tpu.memref_slice %arg7[%dma_start3A_36, %dma_start3A_37] : memref<40x128xi32, #tpu.memory_space<vmem>> -> memref<1x128xi32, #tpu.memory_space<vmem>>
    %dma_start3A_39 = tpu.memref_squeeze %dma_start3A_38 : memref<1x128xi32, #tpu.memory_space<vmem>> -> memref<128xi32, #tpu.memory_space<vmem>>
    %dma_start3A_40 = arith.constant 0 : i32
    %dma_start3A_41 = arith.constant 0 : i32
    %dma_start3A_42 = tpu.memref_slice %arg2[%dma_start3A_40, %dma_start3A_41] : memref<10000x128xf32, #tpu.memory_space<hbm>> -> memref<10000x128xf32, #tpu.memory_space<hbm>>
    tpu.enqueue_indirect_dma source(%dma_start3A_42 : memref<10000x128xf32, #tpu.memory_space<hbm>>) target(%arg9 : memref<128x128xf32, #tpu.memory_space<vmem>>) offsets(%dma_start3A_39 : memref<128xi32, #tpu.memory_space<vmem>>) semaphore(%arg12 : memref<!tpu.dma_semaphore, #tpu.memory_space<semaphore_mem>>)
    %dma_start3A_43 = arith.constant 1 : i32
    %dma_start3A_44 = arith.constant 0 : i32
    %dma_start3A_45 = tpu.memref_slice %arg7[%dma_start3A_43, %dma_start3A_44] : memref<40x128xi32, #tpu.memory_space<vmem>> -> memref<1x128xi32, #tpu.memory_space<vmem>>
    %dma_start3A_46 = tpu.memref_squeeze %dma_start3A_45 : memref<1x128xi32, #tpu.memory_space<vmem>> -> memref<128xi32, #tpu.memory_space<vmem>>
    %dma_start3A_47 = arith.constant 0 : i32
    %dma_start3A_48 = arith.constant 0 : i32
    %dma_start3A_49 = tpu.memref_slice %arg2[%dma_start3A_47, %dma_start3A_48] : memref<10000x128xf32, #tpu.memory_space<hbm>> -> memref<10000x128xf32, #tpu.memory_space<hbm>>
    tpu.enqueue_indirect_dma source(%dma_start3A_49 : memref<10000x128xf32, #tpu.memory_space<hbm>>) target(%arg10 : memref<128x128xf32, #tpu.memory_space<vmem>>) offsets(%dma_start3A_46 : memref<128xi32, #tpu.memory_space<vmem>>) semaphore(%arg13 : memref<!tpu.dma_semaphore, #tpu.memory_space<semaphore_mem>>)
    %scan3A_50 = arith.constant 0 : i32
    %scan3A_51 = arith.constant 0 : i32
    %scan3A_52 = arith.constant 20 : i32
    %scan3A_53 = arith.addi %scan3A_51, %scan3A_52 : i32
    %scan3A_54 = arith.constant 1 : i32
    scf.for %scan3A_75 = %scan3A_51 to %scan3A_53 step %scan3A_54  : i32 {
      %mul3A_76 = arith.constant 2 : i32
      %mul3A_77 = arith.muli %mul3A_76, %scan3A_75 : i32
      %add3A_78 = arith.constant 2 : i32
      %add3A_79 = arith.addi %mul3A_77, %add3A_78 : i32
      %min3A = arith.constant 39 : i32
      %min3A_80 = arith.minsi %add3A_79, %min3A : i32
      %add3A_81 = arith.constant 3 : i32
      %add3A_82 = arith.addi %mul3A_77, %add3A_81 : i32
      %min3A_83 = arith.constant 39 : i32
      %min3A_84 = arith.minsi %add3A_82, %min3A_83 : i32
      %dma_wait3A_85 = arith.constant 0 : i32
      %dma_wait3A_86 = tpu.memref_slice %arg7[%mul3A_77, %dma_wait3A_85] : memref<40x128xi32, #tpu.memory_space<vmem>> -> memref<1x128xi32, #tpu.memory_space<vmem>>
      %dma_wait3A_87 = tpu.memref_squeeze %dma_wait3A_86 : memref<1x128xi32, #tpu.memory_space<vmem>> -> memref<128xi32, #tpu.memory_space<vmem>>
      %dma_wait3A_88 = arith.constant 0 : i32
      %dma_wait3A_89 = arith.constant 0 : i32
      %dma_wait3A_90 = tpu.memref_slice %arg2[%dma_wait3A_88, %dma_wait3A_89] : memref<10000x128xf32, #tpu.memory_space<hbm>> -> memref<10000x128xf32, #tpu.memory_space<hbm>>
      tpu.wait_indirect_dma semaphore(%arg12 : memref<!tpu.dma_semaphore, #tpu.memory_space<semaphore_mem>>) src(%dma_wait3A_90 : memref<10000x128xf32, #tpu.memory_space<hbm>>) dst(%arg9 : memref<128x128xf32, #tpu.memory_space<vmem>>)
      "tpu.region"() ({
        %run_scoped3A = tpu.sem_alloc : memref<!tpu.dma_semaphore, #tpu.memory_space<semaphore_mem>>
        %dma_start3A_113 = arith.constant 0 : i32
        %dma_start3A_114 = tpu.memref_slice %arg8[%mul3A_77, %dma_start3A_113] : memref<40x128xi32, #tpu.memory_space<vmem>> -> memref<1x128xi32, #tpu.memory_space<vmem>>
        %dma_start3A_115 = tpu.memref_squeeze %dma_start3A_114 : memref<1x128xi32, #tpu.memory_space<vmem>> -> memref<128xi32, #tpu.memory_space<vmem>>
        %dma_start3A_116 = arith.constant 0 : i32
        %dma_start3A_117 = arith.constant 0 : i32
        %dma_start3A_118 = tpu.memref_slice %arg11[%dma_start3A_116, %dma_start3A_117] : memref<10240x128xf32, #tpu.memory_space<vmem_shared>> -> memref<10240x128xf32, #tpu.memory_space<vmem_shared>>
        tpu.enqueue_indirect_dma source(%arg9 : memref<128x128xf32, #tpu.memory_space<vmem>>) target(%dma_start3A_118 : memref<10240x128xf32, #tpu.memory_space<vmem_shared>>) offsets(%dma_start3A_115 : memref<128xi32, #tpu.memory_space<vmem>>) semaphore(%run_scoped3A : memref<!tpu.dma_semaphore, #tpu.memory_space<semaphore_mem>>) {add = true}
        %dma_wait3A_119 = arith.constant 0 : i32
        %dma_wait3A_120 = tpu.memref_slice %arg8[%mul3A_77, %dma_wait3A_119] : memref<40x128xi32, #tpu.memory_space<vmem>> -> memref<1x128xi32, #tpu.memory_space<vmem>>
        %dma_wait3A_121 = tpu.memref_squeeze %dma_wait3A_120 : memref<1x128xi32, #tpu.memory_space<vmem>> -> memref<128xi32, #tpu.memory_space<vmem>>
        %dma_wait3A_122 = arith.constant 0 : i32
        %dma_wait3A_123 = arith.constant 0 : i32
        %dma_wait3A_124 = tpu.memref_slice %arg11[%dma_wait3A_122, %dma_wait3A_123] : memref<10240x128xf32, #tpu.memory_space<vmem_shared>> -> memref<10240x128xf32, #tpu.memory_space<vmem_shared>>
        tpu.wait_indirect_dma semaphore(%run_scoped3A : memref<!tpu.dma_semaphore, #tpu.memory_space<semaphore_mem>>) src(%arg9 : memref<128x128xf32, #tpu.memory_space<vmem>>) dst(%dma_wait3A_124 : memref<10240x128xf32, #tpu.memory_space<vmem_shared>>)
        tpu.yield
      }) : () -> ()
      %dma_start3A_91 = arith.constant 0 : i32
      %dma_start3A_92 = tpu.memref_slice %arg7[%min3A_80, %dma_start3A_91] : memref<40x128xi32, #tpu.memory_space<vmem>> -> memref<1x128xi32, #tpu.memory_space<vmem>>
      %dma_start3A_93 = tpu.memref_squeeze %dma_start3A_92 : memref<1x128xi32, #tpu.memory_space<vmem>> -> memref<128xi32, #tpu.memory_space<vmem>>
      %dma_start3A_94 = arith.constant 0 : i32
      %dma_start3A_95 = arith.constant 0 : i32
      %dma_start3A_96 = tpu.memref_slice %arg2[%dma_start3A_94, %dma_start3A_95] : memref<10000x128xf32, #tpu.memory_space<hbm>> -> memref<10000x128xf32, #tpu.memory_space<hbm>>
      tpu.enqueue_indirect_dma source(%dma_start3A_96 : memref<10000x128xf32, #tpu.memory_space<hbm>>) target(%arg9 : memref<128x128xf32, #tpu.memory_space<vmem>>) offsets(%dma_start3A_93 : memref<128xi32, #tpu.memory_space<vmem>>) semaphore(%arg12 : memref<!tpu.dma_semaphore, #tpu.memory_space<semaphore_mem>>)
      %add3A_97 = arith.constant 1 : i32
      %add3A_98 = arith.addi %mul3A_77, %add3A_97 : i32
      %dma_wait3A_99 = arith.constant 0 : i32
      %dma_wait3A_100 = tpu.memref_slice %arg7[%add3A_98, %dma_wait3A_99] : memref<40x128xi32, #tpu.memory_space<vmem>> -> memref<1x128xi32, #tpu.memory_space<vmem>>
      %dma_wait3A_101 = tpu.memref_squeeze %dma_wait3A_100 : memref<1x128xi32, #tpu.memory_space<vmem>> -> memref<128xi32, #tpu.memory_space<vmem>>
      %dma_wait3A_102 = arith.constant 0 : i32
      %dma_wait3A_103 = arith.constant 0 : i32
      %dma_wait3A_104 = tpu.memref_slice %arg2[%dma_wait3A_102, %dma_wait3A_103] : memref<10000x128xf32, #tpu.memory_space<hbm>> -> memref<10000x128xf32, #tpu.memory_space<hbm>>
      tpu.wait_indirect_dma semaphore(%arg13 : memref<!tpu.dma_semaphore, #tpu.memory_space<semaphore_mem>>) src(%dma_wait3A_104 : memref<10000x128xf32, #tpu.memory_space<hbm>>) dst(%arg10 : memref<128x128xf32, #tpu.memory_space<vmem>>)
      %add3A_105 = arith.constant 1 : i32
      %add3A_106 = arith.addi %mul3A_77, %add3A_105 : i32
      "tpu.region"() ({
        %run_scoped3A = tpu.sem_alloc : memref<!tpu.dma_semaphore, #tpu.memory_space<semaphore_mem>>
        %dma_start3A_113 = arith.constant 0 : i32
        %dma_start3A_114 = tpu.memref_slice %arg8[%add3A_106, %dma_start3A_113] : memref<40x128xi32, #tpu.memory_space<vmem>> -> memref<1x128xi32, #tpu.memory_space<vmem>>
        %dma_start3A_115 = tpu.memref_squeeze %dma_start3A_114 : memref<1x128xi32, #tpu.memory_space<vmem>> -> memref<128xi32, #tpu.memory_space<vmem>>
        %dma_start3A_116 = arith.constant 0 : i32
        %dma_start3A_117 = arith.constant 0 : i32
        %dma_start3A_118 = tpu.memref_slice %arg11[%dma_start3A_116, %dma_start3A_117] : memref<10240x128xf32, #tpu.memory_space<vmem_shared>> -> memref<10240x128xf32, #tpu.memory_space<vmem_shared>>
        tpu.enqueue_indirect_dma source(%arg10 : memref<128x128xf32, #tpu.memory_space<vmem>>) target(%dma_start3A_118 : memref<10240x128xf32, #tpu.memory_space<vmem_shared>>) offsets(%dma_start3A_115 : memref<128xi32, #tpu.memory_space<vmem>>) semaphore(%run_scoped3A : memref<!tpu.dma_semaphore, #tpu.memory_space<semaphore_mem>>) {add = true}
        %dma_wait3A_119 = arith.constant 0 : i32
        %dma_wait3A_120 = tpu.memref_slice %arg8[%add3A_106, %dma_wait3A_119] : memref<40x128xi32, #tpu.memory_space<vmem>> -> memref<1x128xi32, #tpu.memory_space<vmem>>
        %dma_wait3A_121 = tpu.memref_squeeze %dma_wait3A_120 : memref<1x128xi32, #tpu.memory_space<vmem>> -> memref<128xi32, #tpu.memory_space<vmem>>
        %dma_wait3A_122 = arith.constant 0 : i32
        %dma_wait3A_123 = arith.constant 0 : i32
        %dma_wait3A_124 = tpu.memref_slice %arg11[%dma_wait3A_122, %dma_wait3A_123] : memref<10240x128xf32, #tpu.memory_space<vmem_shared>> -> memref<10240x128xf32, #tpu.memory_space<vmem_shared>>
        tpu.wait_indirect_dma semaphore(%run_scoped3A : memref<!tpu.dma_semaphore, #tpu.memory_space<semaphore_mem>>) src(%arg10 : memref<128x128xf32, #tpu.memory_space<vmem>>) dst(%dma_wait3A_124 : memref<10240x128xf32, #tpu.memory_space<vmem_shared>>)
        tpu.yield
      }) : () -> ()
      %dma_start3A_107 = arith.constant 0 : i32
      %dma_start3A_108 = tpu.memref_slice %arg7[%min3A_84, %dma_start3A_107] : memref<40x128xi32, #tpu.memory_space<vmem>> -> memref<1x128xi32, #tpu.memory_space<vmem>>
      %dma_start3A_109 = tpu.memref_squeeze %dma_start3A_108 : memref<1x128xi32, #tpu.memory_space<vmem>> -> memref<128xi32, #tpu.memory_space<vmem>>
      %dma_start3A_110 = arith.constant 0 : i32
      %dma_start3A_111 = arith.constant 0 : i32
      %dma_start3A_112 = tpu.memref_slice %arg2[%dma_start3A_110, %dma_start3A_111] : memref<10000x128xf32, #tpu.memory_space<hbm>> -> memref<10000x128xf32, #tpu.memory_space<hbm>>
      tpu.enqueue_indirect_dma source(%dma_start3A_112 : memref<10000x128xf32, #tpu.memory_space<hbm>>) target(%arg10 : memref<128x128xf32, #tpu.memory_space<vmem>>) offsets(%dma_start3A_109 : memref<128xi32, #tpu.memory_space<vmem>>) semaphore(%arg13 : memref<!tpu.dma_semaphore, #tpu.memory_space<semaphore_mem>>)
    }
    %scan3A_55 = arith.constant 20 : i32
    %dma_wait3A_56 = arith.constant 39 : i32
    %dma_wait3A_57 = arith.constant 0 : i32
    %dma_wait3A_58 = tpu.memref_slice %arg7[%dma_wait3A_56, %dma_wait3A_57] : memref<40x128xi32, #tpu.memory_space<vmem>> -> memref<1x128xi32, #tpu.memory_space<vmem>>
    %dma_wait3A_59 = tpu.memref_squeeze %dma_wait3A_58 : memref<1x128xi32, #tpu.memory_space<vmem>> -> memref<128xi32, #tpu.memory_space<vmem>>
    %dma_wait3A_60 = arith.constant 0 : i32
    %dma_wait3A_61 = arith.constant 0 : i32
    %dma_wait3A_62 = tpu.memref_slice %arg2[%dma_wait3A_60, %dma_wait3A_61] : memref<10000x128xf32, #tpu.memory_space<hbm>> -> memref<10000x128xf32, #tpu.memory_space<hbm>>
    tpu.wait_indirect_dma semaphore(%arg12 : memref<!tpu.dma_semaphore, #tpu.memory_space<semaphore_mem>>) src(%dma_wait3A_62 : memref<10000x128xf32, #tpu.memory_space<hbm>>) dst(%arg9 : memref<128x128xf32, #tpu.memory_space<vmem>>)
    %dma_wait3A_63 = arith.constant 39 : i32
    %dma_wait3A_64 = arith.constant 0 : i32
    %dma_wait3A_65 = tpu.memref_slice %arg7[%dma_wait3A_63, %dma_wait3A_64] : memref<40x128xi32, #tpu.memory_space<vmem>> -> memref<1x128xi32, #tpu.memory_space<vmem>>
    %dma_wait3A_66 = tpu.memref_squeeze %dma_wait3A_65 : memref<1x128xi32, #tpu.memory_space<vmem>> -> memref<128xi32, #tpu.memory_space<vmem>>
    %dma_wait3A_67 = arith.constant 0 : i32
    %dma_wait3A_68 = arith.constant 0 : i32
    %dma_wait3A_69 = tpu.memref_slice %arg2[%dma_wait3A_67, %dma_wait3A_68] : memref<10000x128xf32, #tpu.memory_space<hbm>> -> memref<10000x128xf32, #tpu.memory_space<hbm>>
    tpu.wait_indirect_dma semaphore(%arg13 : memref<!tpu.dma_semaphore, #tpu.memory_space<semaphore_mem>>) src(%dma_wait3A_69 : memref<10000x128xf32, #tpu.memory_space<hbm>>) dst(%arg10 : memref<128x128xf32, #tpu.memory_space<vmem>>)
    %barrier3A_70 = arith.constant 0 : index
    tpu.barrier barrier_id(%barrier3A_70)
    %mul3A_71 = arith.constant 640 : i32
    %mul3A_72 = arith.muli %arg1, %mul3A_71 : i32
    %mul3A_73 = arith.constant 640 : i32
    %mul3A_74 = arith.muli %arg1, %mul3A_73 : i32
    "tpu.region"() ({
      %run_scoped3A = tpu.sem_alloc : memref<!tpu.dma_semaphore, #tpu.memory_space<semaphore_mem>>
      %dma_start3A_75 = arith.constant 0 : i32
      %dma_start3A_76 = tpu.memref_slice %arg6[%arg0, %mul3A_74, %dma_start3A_75] : memref<2x10240x128xf32, #tpu.memory_space<hbm>> -> memref<1x640x128xf32, #tpu.memory_space<hbm>>
      %dma_start3A_77 = tpu.memref_squeeze %dma_start3A_76 : memref<1x640x128xf32, #tpu.memory_space<hbm>> -> memref<640x128xf32, #tpu.memory_space<hbm>>
      %dma_start3A_78 = arith.constant 0 : i32
      %dma_start3A_79 = tpu.memref_slice %arg11[%mul3A_72, %dma_start3A_78] : memref<10240x128xf32, #tpu.memory_space<vmem_shared>> -> memref<640x128xf32, #tpu.memory_space<vmem_shared>>
      tpu.enqueue_dma source(%dma_start3A_79 : memref<640x128xf32, #tpu.memory_space<vmem_shared>>) target(%dma_start3A_77 : memref<640x128xf32, #tpu.memory_space<hbm>>) target_semaphore(%run_scoped3A : memref<!tpu.dma_semaphore, #tpu.memory_space<semaphore_mem>>)
      %dma_wait3A_80 = arith.constant 0 : i32
      %dma_wait3A_81 = tpu.memref_slice %arg6[%arg0, %mul3A_74, %dma_wait3A_80] : memref<2x10240x128xf32, #tpu.memory_space<hbm>> -> memref<1x640x128xf32, #tpu.memory_space<hbm>>
      %dma_wait3A_82 = tpu.memref_squeeze %dma_wait3A_81 : memref<1x640x128xf32, #tpu.memory_space<hbm>> -> memref<640x128xf32, #tpu.memory_space<hbm>>
      %dma_wait3A_83 = arith.constant 0 : i32
      %dma_wait3A_84 = tpu.memref_slice %arg11[%mul3A_72, %dma_wait3A_83] : memref<10240x128xf32, #tpu.memory_space<vmem_shared>> -> memref<640x128xf32, #tpu.memory_space<vmem_shared>>
      tpu.wait_dma2 semaphore(%run_scoped3A : memref<!tpu.dma_semaphore, #tpu.memory_space<semaphore_mem>>) src(%dma_wait3A_84 : memref<640x128xf32, #tpu.memory_space<vmem_shared>>) dst(%dma_wait3A_82 : memref<640x128xf32, #tpu.memory_space<hbm>>)
      tpu.yield
    }) : () -> ()
    return
  }
}

#map = affine_map<(d0, d1) -> (0, 0)>
#map1 = affine_map<(d0, d1) -> (0, 0, 0)>
module attributes {stable_mosaic.version = 14 : i64} {
  func.func @sc_segment_sum(%arg0: i32, %arg1: i32, %arg2: memref<10000x128xf32, #tpu.memory_space<hbm>>, %arg3: memref<32x80x128xi32, #tpu.memory_space<hbm>>, %arg4: memref<32x80x128xi32, #tpu.memory_space<hbm>>, %arg5: memref<10240x128xf32, #tpu.memory_space<hbm>>, %arg6: memref<2x10240x128xf32, #tpu.memory_space<hbm>>, %arg7: memref<40x128xi32, #tpu.memory_space<vmem>>, %arg8: memref<40x128xi32, #tpu.memory_space<vmem>>, %arg9: memref<128x128xf32, #tpu.memory_space<vmem>>, %arg10: memref<128x128xf32, #tpu.memory_space<vmem>>, %arg11: memref<10240x128xf32, #tpu.memory_space<vmem_shared>>, %arg12: memref<!tpu.dma_semaphore, #tpu.memory_space<semaphore_mem>>, %arg13: memref<!tpu.dma_semaphore, #tpu.memory_space<semaphore_mem>>) attributes {dimension_semantics = [#tpu.dimension_semantics<core_parallel>, #tpu.dimension_semantics<subcore_parallel>], iteration_bounds = array<i64: 2, 16>, scalar_prefetch = 0 : i64, scratch_operands = 7 : i64, tpu.core_type = #tpu.core_type<sc_vector_subcore>, window_params = [{transform_indices = #map}, {transform_indices = #map1}, {transform_indices = #map1}, {transform_indices = #map}, {transform_indices = #map1}]} {
    %mul3A = arith.constant 2 : i32
    %mul3A_0 = arith.muli %arg1, %mul3A : i32
    %add3A = arith.addi %mul3A_0, %arg0 : i32
    "tpu.region"() ({
      %run_scoped3A = tpu.sem_alloc : memref<!tpu.dma_semaphore, #tpu.memory_space<semaphore_mem>>
      %dma_start3A_75 = arith.constant 0 : i32
      %dma_start3A_76 = arith.constant 0 : i32
      %dma_start3A_77 = tpu.memref_slice %arg3[%add3A, %dma_start3A_75, %dma_start3A_76] : memref<32x80x128xi32, #tpu.memory_space<hbm>> -> memref<1x40x128xi32, #tpu.memory_space<hbm>>
      %dma_start3A_78 = tpu.memref_squeeze %dma_start3A_77 : memref<1x40x128xi32, #tpu.memory_space<hbm>> -> memref<40x128xi32, #tpu.memory_space<hbm>>
      %dma_start3A_79 = arith.constant 0 : i32
      %dma_start3A_80 = arith.constant 0 : i32
      %dma_start3A_81 = tpu.memref_slice %arg3[%add3A, %dma_start3A_79, %dma_start3A_80] : memref<32x80x128xi32, #tpu.memory_space<hbm>> -> memref<1x40x128xi32, #tpu.memory_space<hbm>>
      %dma_start3A_82 = tpu.memref_squeeze %dma_start3A_81 : memref<1x40x128xi32, #tpu.memory_space<hbm>> -> memref<40x128xi32, #tpu.memory_space<hbm>>
      tpu.enqueue_dma source(%dma_start3A_82 : memref<40x128xi32, #tpu.memory_space<hbm>>) target(%arg7 : memref<40x128xi32, #tpu.memory_space<vmem>>) target_semaphore(%run_scoped3A : memref<!tpu.dma_semaphore, #tpu.memory_space<semaphore_mem>>)
      %dma_wait3A_83 = arith.constant 0 : i32
      %dma_wait3A_84 = arith.constant 0 : i32
      %dma_wait3A_85 = tpu.memref_slice %arg3[%add3A, %dma_wait3A_83, %dma_wait3A_84] : memref<32x80x128xi32, #tpu.memory_space<hbm>> -> memref<1x40x128xi32, #tpu.memory_space<hbm>>
      %dma_wait3A_86 = tpu.memref_squeeze %dma_wait3A_85 : memref<1x40x128xi32, #tpu.memory_space<hbm>> -> memref<40x128xi32, #tpu.memory_space<hbm>>
      %dma_wait3A_87 = arith.constant 0 : i32
      %dma_wait3A_88 = arith.constant 0 : i32
      %dma_wait3A_89 = tpu.memref_slice %arg3[%add3A, %dma_wait3A_87, %dma_wait3A_88] : memref<32x80x128xi32, #tpu.memory_space<hbm>> -> memref<1x40x128xi32, #tpu.memory_space<hbm>>
      %dma_wait3A_90 = tpu.memref_squeeze %dma_wait3A_89 : memref<1x40x128xi32, #tpu.memory_space<hbm>> -> memref<40x128xi32, #tpu.memory_space<hbm>>
      tpu.wait_dma2 semaphore(%run_scoped3A : memref<!tpu.dma_semaphore, #tpu.memory_space<semaphore_mem>>) src(%dma_wait3A_90 : memref<40x128xi32, #tpu.memory_space<hbm>>) dst(%arg7 : memref<40x128xi32, #tpu.memory_space<vmem>>)
      tpu.yield
    }) : () -> ()
    "tpu.region"() ({
      %run_scoped3A = tpu.sem_alloc : memref<!tpu.dma_semaphore, #tpu.memory_space<semaphore_mem>>
      %dma_start3A_75 = arith.constant 0 : i32
      %dma_start3A_76 = arith.constant 0 : i32
      %dma_start3A_77 = tpu.memref_slice %arg4[%add3A, %dma_start3A_75, %dma_start3A_76] : memref<32x80x128xi32, #tpu.memory_space<hbm>> -> memref<1x40x128xi32, #tpu.memory_space<hbm>>
      %dma_start3A_78 = tpu.memref_squeeze %dma_start3A_77 : memref<1x40x128xi32, #tpu.memory_space<hbm>> -> memref<40x128xi32, #tpu.memory_space<hbm>>
      %dma_start3A_79 = arith.constant 0 : i32
      %dma_start3A_80 = arith.constant 0 : i32
      %dma_start3A_81 = tpu.memref_slice %arg4[%add3A, %dma_start3A_79, %dma_start3A_80] : memref<32x80x128xi32, #tpu.memory_space<hbm>> -> memref<1x40x128xi32, #tpu.memory_space<hbm>>
      %dma_start3A_82 = tpu.memref_squeeze %dma_start3A_81 : memref<1x40x128xi32, #tpu.memory_space<hbm>> -> memref<40x128xi32, #tpu.memory_space<hbm>>
      tpu.enqueue_dma source(%dma_start3A_82 : memref<40x128xi32, #tpu.memory_space<hbm>>) target(%arg8 : memref<40x128xi32, #tpu.memory_space<vmem>>) target_semaphore(%run_scoped3A : memref<!tpu.dma_semaphore, #tpu.memory_space<semaphore_mem>>)
      %dma_wait3A_83 = arith.constant 0 : i32
      %dma_wait3A_84 = arith.constant 0 : i32
      %dma_wait3A_85 = tpu.memref_slice %arg4[%add3A, %dma_wait3A_83, %dma_wait3A_84] : memref<32x80x128xi32, #tpu.memory_space<hbm>> -> memref<1x40x128xi32, #tpu.memory_space<hbm>>
      %dma_wait3A_86 = tpu.memref_squeeze %dma_wait3A_85 : memref<1x40x128xi32, #tpu.memory_space<hbm>> -> memref<40x128xi32, #tpu.memory_space<hbm>>
      %dma_wait3A_87 = arith.constant 0 : i32
      %dma_wait3A_88 = arith.constant 0 : i32
      %dma_wait3A_89 = tpu.memref_slice %arg4[%add3A, %dma_wait3A_87, %dma_wait3A_88] : memref<32x80x128xi32, #tpu.memory_space<hbm>> -> memref<1x40x128xi32, #tpu.memory_space<hbm>>
      %dma_wait3A_90 = tpu.memref_squeeze %dma_wait3A_89 : memref<1x40x128xi32, #tpu.memory_space<hbm>> -> memref<40x128xi32, #tpu.memory_space<hbm>>
      tpu.wait_dma2 semaphore(%run_scoped3A : memref<!tpu.dma_semaphore, #tpu.memory_space<semaphore_mem>>) src(%dma_wait3A_90 : memref<40x128xi32, #tpu.memory_space<hbm>>) dst(%arg8 : memref<40x128xi32, #tpu.memory_space<vmem>>)
      tpu.yield
    }) : () -> ()
    %dma_start3A = arith.constant 0 : i32
    %dma_start3A_1 = arith.constant 0 : i32
    %dma_start3A_2 = tpu.memref_slice %arg7[%dma_start3A, %dma_start3A_1] : memref<40x128xi32, #tpu.memory_space<vmem>> -> memref<1x128xi32, #tpu.memory_space<vmem>>
    %dma_start3A_3 = tpu.memref_squeeze %dma_start3A_2 : memref<1x128xi32, #tpu.memory_space<vmem>> -> memref<128xi32, #tpu.memory_space<vmem>>
    %dma_start3A_4 = arith.constant 0 : i32
    %dma_start3A_5 = arith.constant 0 : i32
    %dma_start3A_6 = tpu.memref_slice %arg2[%dma_start3A_4, %dma_start3A_5] : memref<10000x128xf32, #tpu.memory_space<hbm>> -> memref<10000x128xf32, #tpu.memory_space<hbm>>
    tpu.enqueue_indirect_dma source(%dma_start3A_6 : memref<10000x128xf32, #tpu.memory_space<hbm>>) target(%arg9 : memref<128x128xf32, #tpu.memory_space<vmem>>) offsets(%dma_start3A_3 : memref<128xi32, #tpu.memory_space<vmem>>) semaphore(%arg12 : memref<!tpu.dma_semaphore, #tpu.memory_space<semaphore_mem>>)
    %dma_start3A_7 = arith.constant 1 : i32
    %dma_start3A_8 = arith.constant 0 : i32
    %dma_start3A_9 = tpu.memref_slice %arg7[%dma_start3A_7, %dma_start3A_8] : memref<40x128xi32, #tpu.memory_space<vmem>> -> memref<1x128xi32, #tpu.memory_space<vmem>>
    %dma_start3A_10 = tpu.memref_squeeze %dma_start3A_9 : memref<1x128xi32, #tpu.memory_space<vmem>> -> memref<128xi32, #tpu.memory_space<vmem>>
    %dma_start3A_11 = arith.constant 0 : i32
    %dma_start3A_12 = arith.constant 0 : i32
    %dma_start3A_13 = tpu.memref_slice %arg2[%dma_start3A_11, %dma_start3A_12] : memref<10000x128xf32, #tpu.memory_space<hbm>> -> memref<10000x128xf32, #tpu.memory_space<hbm>>
    tpu.enqueue_indirect_dma source(%dma_start3A_13 : memref<10000x128xf32, #tpu.memory_space<hbm>>) target(%arg10 : memref<128x128xf32, #tpu.memory_space<vmem>>) offsets(%dma_start3A_10 : memref<128xi32, #tpu.memory_space<vmem>>) semaphore(%arg13 : memref<!tpu.dma_semaphore, #tpu.memory_space<semaphore_mem>>)
    %mul3A_14 = arith.constant 640 : i32
    %mul3A_15 = arith.muli %arg1, %mul3A_14 : i32
    %mul3A_16 = arith.constant 640 : i32
    %mul3A_17 = arith.muli %arg1, %mul3A_16 : i32
    "tpu.region"() ({
      %run_scoped3A = tpu.sem_alloc : memref<!tpu.dma_semaphore, #tpu.memory_space<semaphore_mem>>
      %dma_start3A_75 = arith.constant 0 : i32
      %dma_start3A_76 = tpu.memref_slice %arg11[%mul3A_17, %dma_start3A_75] : memref<10240x128xf32, #tpu.memory_space<vmem_shared>> -> memref<640x128xf32, #tpu.memory_space<vmem_shared>>
      %dma_start3A_77 = arith.constant 0 : i32
      %dma_start3A_78 = tpu.memref_slice %arg5[%mul3A_15, %dma_start3A_77] : memref<10240x128xf32, #tpu.memory_space<hbm>> -> memref<640x128xf32, #tpu.memory_space<hbm>>
      tpu.enqueue_dma source(%dma_start3A_78 : memref<640x128xf32, #tpu.memory_space<hbm>>) target(%dma_start3A_76 : memref<640x128xf32, #tpu.memory_space<vmem_shared>>) target_semaphore(%run_scoped3A : memref<!tpu.dma_semaphore, #tpu.memory_space<semaphore_mem>>)
      %dma_wait3A_79 = arith.constant 0 : i32
      %dma_wait3A_80 = tpu.memref_slice %arg11[%mul3A_17, %dma_wait3A_79] : memref<10240x128xf32, #tpu.memory_space<vmem_shared>> -> memref<640x128xf32, #tpu.memory_space<vmem_shared>>
      %dma_wait3A_81 = arith.constant 0 : i32
      %dma_wait3A_82 = tpu.memref_slice %arg5[%mul3A_15, %dma_wait3A_81] : memref<10240x128xf32, #tpu.memory_space<hbm>> -> memref<640x128xf32, #tpu.memory_space<hbm>>
      tpu.wait_dma2 semaphore(%run_scoped3A : memref<!tpu.dma_semaphore, #tpu.memory_space<semaphore_mem>>) src(%dma_wait3A_82 : memref<640x128xf32, #tpu.memory_space<hbm>>) dst(%dma_wait3A_80 : memref<640x128xf32, #tpu.memory_space<vmem_shared>>)
      tpu.yield
    }) : () -> ()
    %barrier3A = arith.constant 0 : index
    tpu.barrier barrier_id(%barrier3A)
    %scan3A = arith.constant 0 : i32
    %scan3A_18 = arith.constant 0 : i32
    %scan3A_19 = arith.constant 20 : i32
    %scan3A_20 = arith.addi %scan3A_18, %scan3A_19 : i32
    %scan3A_21 = arith.constant 1 : i32
    scf.for %scan3A_75 = %scan3A_18 to %scan3A_20 step %scan3A_21  : i32 {
      %mul3A_76 = arith.constant 2 : i32
      %mul3A_77 = arith.muli %mul3A_76, %scan3A_75 : i32
      %add3A_78 = arith.constant 2 : i32
      %add3A_79 = arith.addi %mul3A_77, %add3A_78 : i32
      %min3A = arith.constant 39 : i32
      %min3A_80 = arith.minsi %add3A_79, %min3A : i32
      %add3A_81 = arith.constant 3 : i32
      %add3A_82 = arith.addi %mul3A_77, %add3A_81 : i32
      %min3A_83 = arith.constant 39 : i32
      %min3A_84 = arith.minsi %add3A_82, %min3A_83 : i32
      %dma_wait3A_85 = arith.constant 0 : i32
      %dma_wait3A_86 = tpu.memref_slice %arg7[%mul3A_77, %dma_wait3A_85] : memref<40x128xi32, #tpu.memory_space<vmem>> -> memref<1x128xi32, #tpu.memory_space<vmem>>
      %dma_wait3A_87 = tpu.memref_squeeze %dma_wait3A_86 : memref<1x128xi32, #tpu.memory_space<vmem>> -> memref<128xi32, #tpu.memory_space<vmem>>
      %dma_wait3A_88 = arith.constant 0 : i32
      %dma_wait3A_89 = arith.constant 0 : i32
      %dma_wait3A_90 = tpu.memref_slice %arg2[%dma_wait3A_88, %dma_wait3A_89] : memref<10000x128xf32, #tpu.memory_space<hbm>> -> memref<10000x128xf32, #tpu.memory_space<hbm>>
      tpu.wait_indirect_dma semaphore(%arg12 : memref<!tpu.dma_semaphore, #tpu.memory_space<semaphore_mem>>) src(%dma_wait3A_90 : memref<10000x128xf32, #tpu.memory_space<hbm>>) dst(%arg9 : memref<128x128xf32, #tpu.memory_space<vmem>>)
      "tpu.region"() ({
        %run_scoped3A = tpu.sem_alloc : memref<!tpu.dma_semaphore, #tpu.memory_space<semaphore_mem>>
        %dma_start3A_113 = arith.constant 0 : i32
        %dma_start3A_114 = tpu.memref_slice %arg8[%mul3A_77, %dma_start3A_113] : memref<40x128xi32, #tpu.memory_space<vmem>> -> memref<1x128xi32, #tpu.memory_space<vmem>>
        %dma_start3A_115 = tpu.memref_squeeze %dma_start3A_114 : memref<1x128xi32, #tpu.memory_space<vmem>> -> memref<128xi32, #tpu.memory_space<vmem>>
        %dma_start3A_116 = arith.constant 0 : i32
        %dma_start3A_117 = arith.constant 0 : i32
        %dma_start3A_118 = tpu.memref_slice %arg11[%dma_start3A_116, %dma_start3A_117] : memref<10240x128xf32, #tpu.memory_space<vmem_shared>> -> memref<10240x128xf32, #tpu.memory_space<vmem_shared>>
        tpu.enqueue_indirect_dma source(%arg9 : memref<128x128xf32, #tpu.memory_space<vmem>>) target(%dma_start3A_118 : memref<10240x128xf32, #tpu.memory_space<vmem_shared>>) offsets(%dma_start3A_115 : memref<128xi32, #tpu.memory_space<vmem>>) semaphore(%run_scoped3A : memref<!tpu.dma_semaphore, #tpu.memory_space<semaphore_mem>>) {add = true}
        %dma_wait3A_119 = arith.constant 0 : i32
        %dma_wait3A_120 = tpu.memref_slice %arg8[%mul3A_77, %dma_wait3A_119] : memref<40x128xi32, #tpu.memory_space<vmem>> -> memref<1x128xi32, #tpu.memory_space<vmem>>
        %dma_wait3A_121 = tpu.memref_squeeze %dma_wait3A_120 : memref<1x128xi32, #tpu.memory_space<vmem>> -> memref<128xi32, #tpu.memory_space<vmem>>
        %dma_wait3A_122 = arith.constant 0 : i32
        %dma_wait3A_123 = arith.constant 0 : i32
        %dma_wait3A_124 = tpu.memref_slice %arg11[%dma_wait3A_122, %dma_wait3A_123] : memref<10240x128xf32, #tpu.memory_space<vmem_shared>> -> memref<10240x128xf32, #tpu.memory_space<vmem_shared>>
        tpu.wait_indirect_dma semaphore(%run_scoped3A : memref<!tpu.dma_semaphore, #tpu.memory_space<semaphore_mem>>) src(%arg9 : memref<128x128xf32, #tpu.memory_space<vmem>>) dst(%dma_wait3A_124 : memref<10240x128xf32, #tpu.memory_space<vmem_shared>>)
        tpu.yield
      }) : () -> ()
      %dma_start3A_91 = arith.constant 0 : i32
      %dma_start3A_92 = tpu.memref_slice %arg7[%min3A_80, %dma_start3A_91] : memref<40x128xi32, #tpu.memory_space<vmem>> -> memref<1x128xi32, #tpu.memory_space<vmem>>
      %dma_start3A_93 = tpu.memref_squeeze %dma_start3A_92 : memref<1x128xi32, #tpu.memory_space<vmem>> -> memref<128xi32, #tpu.memory_space<vmem>>
      %dma_start3A_94 = arith.constant 0 : i32
      %dma_start3A_95 = arith.constant 0 : i32
      %dma_start3A_96 = tpu.memref_slice %arg2[%dma_start3A_94, %dma_start3A_95] : memref<10000x128xf32, #tpu.memory_space<hbm>> -> memref<10000x128xf32, #tpu.memory_space<hbm>>
      tpu.enqueue_indirect_dma source(%dma_start3A_96 : memref<10000x128xf32, #tpu.memory_space<hbm>>) target(%arg9 : memref<128x128xf32, #tpu.memory_space<vmem>>) offsets(%dma_start3A_93 : memref<128xi32, #tpu.memory_space<vmem>>) semaphore(%arg12 : memref<!tpu.dma_semaphore, #tpu.memory_space<semaphore_mem>>)
      %add3A_97 = arith.constant 1 : i32
      %add3A_98 = arith.addi %mul3A_77, %add3A_97 : i32
      %dma_wait3A_99 = arith.constant 0 : i32
      %dma_wait3A_100 = tpu.memref_slice %arg7[%add3A_98, %dma_wait3A_99] : memref<40x128xi32, #tpu.memory_space<vmem>> -> memref<1x128xi32, #tpu.memory_space<vmem>>
      %dma_wait3A_101 = tpu.memref_squeeze %dma_wait3A_100 : memref<1x128xi32, #tpu.memory_space<vmem>> -> memref<128xi32, #tpu.memory_space<vmem>>
      %dma_wait3A_102 = arith.constant 0 : i32
      %dma_wait3A_103 = arith.constant 0 : i32
      %dma_wait3A_104 = tpu.memref_slice %arg2[%dma_wait3A_102, %dma_wait3A_103] : memref<10000x128xf32, #tpu.memory_space<hbm>> -> memref<10000x128xf32, #tpu.memory_space<hbm>>
      tpu.wait_indirect_dma semaphore(%arg13 : memref<!tpu.dma_semaphore, #tpu.memory_space<semaphore_mem>>) src(%dma_wait3A_104 : memref<10000x128xf32, #tpu.memory_space<hbm>>) dst(%arg10 : memref<128x128xf32, #tpu.memory_space<vmem>>)
      %add3A_105 = arith.constant 1 : i32
      %add3A_106 = arith.addi %mul3A_77, %add3A_105 : i32
      "tpu.region"() ({
        %run_scoped3A = tpu.sem_alloc : memref<!tpu.dma_semaphore, #tpu.memory_space<semaphore_mem>>
        %dma_start3A_113 = arith.constant 0 : i32
        %dma_start3A_114 = tpu.memref_slice %arg8[%add3A_106, %dma_start3A_113] : memref<40x128xi32, #tpu.memory_space<vmem>> -> memref<1x128xi32, #tpu.memory_space<vmem>>
        %dma_start3A_115 = tpu.memref_squeeze %dma_start3A_114 : memref<1x128xi32, #tpu.memory_space<vmem>> -> memref<128xi32, #tpu.memory_space<vmem>>
        %dma_start3A_116 = arith.constant 0 : i32
        %dma_start3A_117 = arith.constant 0 : i32
        %dma_start3A_118 = tpu.memref_slice %arg11[%dma_start3A_116, %dma_start3A_117] : memref<10240x128xf32, #tpu.memory_space<vmem_shared>> -> memref<10240x128xf32, #tpu.memory_space<vmem_shared>>
        tpu.enqueue_indirect_dma source(%arg10 : memref<128x128xf32, #tpu.memory_space<vmem>>) target(%dma_start3A_118 : memref<10240x128xf32, #tpu.memory_space<vmem_shared>>) offsets(%dma_start3A_115 : memref<128xi32, #tpu.memory_space<vmem>>) semaphore(%run_scoped3A : memref<!tpu.dma_semaphore, #tpu.memory_space<semaphore_mem>>) {add = true}
        %dma_wait3A_119 = arith.constant 0 : i32
        %dma_wait3A_120 = tpu.memref_slice %arg8[%add3A_106, %dma_wait3A_119] : memref<40x128xi32, #tpu.memory_space<vmem>> -> memref<1x128xi32, #tpu.memory_space<vmem>>
        %dma_wait3A_121 = tpu.memref_squeeze %dma_wait3A_120 : memref<1x128xi32, #tpu.memory_space<vmem>> -> memref<128xi32, #tpu.memory_space<vmem>>
        %dma_wait3A_122 = arith.constant 0 : i32
        %dma_wait3A_123 = arith.constant 0 : i32
        %dma_wait3A_124 = tpu.memref_slice %arg11[%dma_wait3A_122, %dma_wait3A_123] : memref<10240x128xf32, #tpu.memory_space<vmem_shared>> -> memref<10240x128xf32, #tpu.memory_space<vmem_shared>>
        tpu.wait_indirect_dma semaphore(%run_scoped3A : memref<!tpu.dma_semaphore, #tpu.memory_space<semaphore_mem>>) src(%arg10 : memref<128x128xf32, #tpu.memory_space<vmem>>) dst(%dma_wait3A_124 : memref<10240x128xf32, #tpu.memory_space<vmem_shared>>)
        tpu.yield
      }) : () -> ()
      %dma_start3A_107 = arith.constant 0 : i32
      %dma_start3A_108 = tpu.memref_slice %arg7[%min3A_84, %dma_start3A_107] : memref<40x128xi32, #tpu.memory_space<vmem>> -> memref<1x128xi32, #tpu.memory_space<vmem>>
      %dma_start3A_109 = tpu.memref_squeeze %dma_start3A_108 : memref<1x128xi32, #tpu.memory_space<vmem>> -> memref<128xi32, #tpu.memory_space<vmem>>
      %dma_start3A_110 = arith.constant 0 : i32
      %dma_start3A_111 = arith.constant 0 : i32
      %dma_start3A_112 = tpu.memref_slice %arg2[%dma_start3A_110, %dma_start3A_111] : memref<10000x128xf32, #tpu.memory_space<hbm>> -> memref<10000x128xf32, #tpu.memory_space<hbm>>
      tpu.enqueue_indirect_dma source(%dma_start3A_112 : memref<10000x128xf32, #tpu.memory_space<hbm>>) target(%arg10 : memref<128x128xf32, #tpu.memory_space<vmem>>) offsets(%dma_start3A_109 : memref<128xi32, #tpu.memory_space<vmem>>) semaphore(%arg13 : memref<!tpu.dma_semaphore, #tpu.memory_space<semaphore_mem>>)
    }
    %scan3A_22 = arith.constant 20 : i32
    %dma_wait3A = arith.constant 39 : i32
    %dma_wait3A_23 = arith.constant 0 : i32
    %dma_wait3A_24 = tpu.memref_slice %arg7[%dma_wait3A, %dma_wait3A_23] : memref<40x128xi32, #tpu.memory_space<vmem>> -> memref<1x128xi32, #tpu.memory_space<vmem>>
    %dma_wait3A_25 = tpu.memref_squeeze %dma_wait3A_24 : memref<1x128xi32, #tpu.memory_space<vmem>> -> memref<128xi32, #tpu.memory_space<vmem>>
    %dma_wait3A_26 = arith.constant 0 : i32
    %dma_wait3A_27 = arith.constant 0 : i32
    %dma_wait3A_28 = tpu.memref_slice %arg2[%dma_wait3A_26, %dma_wait3A_27] : memref<10000x128xf32, #tpu.memory_space<hbm>> -> memref<10000x128xf32, #tpu.memory_space<hbm>>
    tpu.wait_indirect_dma semaphore(%arg12 : memref<!tpu.dma_semaphore, #tpu.memory_space<semaphore_mem>>) src(%dma_wait3A_28 : memref<10000x128xf32, #tpu.memory_space<hbm>>) dst(%arg9 : memref<128x128xf32, #tpu.memory_space<vmem>>)
    %dma_wait3A_29 = arith.constant 39 : i32
    %dma_wait3A_30 = arith.constant 0 : i32
    %dma_wait3A_31 = tpu.memref_slice %arg7[%dma_wait3A_29, %dma_wait3A_30] : memref<40x128xi32, #tpu.memory_space<vmem>> -> memref<1x128xi32, #tpu.memory_space<vmem>>
    %dma_wait3A_32 = tpu.memref_squeeze %dma_wait3A_31 : memref<1x128xi32, #tpu.memory_space<vmem>> -> memref<128xi32, #tpu.memory_space<vmem>>
    %dma_wait3A_33 = arith.constant 0 : i32
    %dma_wait3A_34 = arith.constant 0 : i32
    %dma_wait3A_35 = tpu.memref_slice %arg2[%dma_wait3A_33, %dma_wait3A_34] : memref<10000x128xf32, #tpu.memory_space<hbm>> -> memref<10000x128xf32, #tpu.memory_space<hbm>>
    tpu.wait_indirect_dma semaphore(%arg13 : memref<!tpu.dma_semaphore, #tpu.memory_space<semaphore_mem>>) src(%dma_wait3A_35 : memref<10000x128xf32, #tpu.memory_space<hbm>>) dst(%arg10 : memref<128x128xf32, #tpu.memory_space<vmem>>)
    "tpu.region"() ({
      %run_scoped3A = tpu.sem_alloc : memref<!tpu.dma_semaphore, #tpu.memory_space<semaphore_mem>>
      %dma_start3A_75 = arith.constant 40 : i32
      %dma_start3A_76 = arith.constant 0 : i32
      %dma_start3A_77 = tpu.memref_slice %arg3[%add3A, %dma_start3A_75, %dma_start3A_76] : memref<32x80x128xi32, #tpu.memory_space<hbm>> -> memref<1x40x128xi32, #tpu.memory_space<hbm>>
      %dma_start3A_78 = tpu.memref_squeeze %dma_start3A_77 : memref<1x40x128xi32, #tpu.memory_space<hbm>> -> memref<40x128xi32, #tpu.memory_space<hbm>>
      %dma_start3A_79 = arith.constant 40 : i32
      %dma_start3A_80 = arith.constant 0 : i32
      %dma_start3A_81 = tpu.memref_slice %arg3[%add3A, %dma_start3A_79, %dma_start3A_80] : memref<32x80x128xi32, #tpu.memory_space<hbm>> -> memref<1x40x128xi32, #tpu.memory_space<hbm>>
      %dma_start3A_82 = tpu.memref_squeeze %dma_start3A_81 : memref<1x40x128xi32, #tpu.memory_space<hbm>> -> memref<40x128xi32, #tpu.memory_space<hbm>>
      tpu.enqueue_dma source(%dma_start3A_82 : memref<40x128xi32, #tpu.memory_space<hbm>>) target(%arg7 : memref<40x128xi32, #tpu.memory_space<vmem>>) target_semaphore(%run_scoped3A : memref<!tpu.dma_semaphore, #tpu.memory_space<semaphore_mem>>)
      %dma_wait3A_83 = arith.constant 40 : i32
      %dma_wait3A_84 = arith.constant 0 : i32
      %dma_wait3A_85 = tpu.memref_slice %arg3[%add3A, %dma_wait3A_83, %dma_wait3A_84] : memref<32x80x128xi32, #tpu.memory_space<hbm>> -> memref<1x40x128xi32, #tpu.memory_space<hbm>>
      %dma_wait3A_86 = tpu.memref_squeeze %dma_wait3A_85 : memref<1x40x128xi32, #tpu.memory_space<hbm>> -> memref<40x128xi32, #tpu.memory_space<hbm>>
      %dma_wait3A_87 = arith.constant 40 : i32
      %dma_wait3A_88 = arith.constant 0 : i32
      %dma_wait3A_89 = tpu.memref_slice %arg3[%add3A, %dma_wait3A_87, %dma_wait3A_88] : memref<32x80x128xi32, #tpu.memory_space<hbm>> -> memref<1x40x128xi32, #tpu.memory_space<hbm>>
      %dma_wait3A_90 = tpu.memref_squeeze %dma_wait3A_89 : memref<1x40x128xi32, #tpu.memory_space<hbm>> -> memref<40x128xi32, #tpu.memory_space<hbm>>
      tpu.wait_dma2 semaphore(%run_scoped3A : memref<!tpu.dma_semaphore, #tpu.memory_space<semaphore_mem>>) src(%dma_wait3A_90 : memref<40x128xi32, #tpu.memory_space<hbm>>) dst(%arg7 : memref<40x128xi32, #tpu.memory_space<vmem>>)
      tpu.yield
    }) : () -> ()
    "tpu.region"() ({
      %run_scoped3A = tpu.sem_alloc : memref<!tpu.dma_semaphore, #tpu.memory_space<semaphore_mem>>
      %dma_start3A_75 = arith.constant 40 : i32
      %dma_start3A_76 = arith.constant 0 : i32
      %dma_start3A_77 = tpu.memref_slice %arg4[%add3A, %dma_start3A_75, %dma_start3A_76] : memref<32x80x128xi32, #tpu.memory_space<hbm>> -> memref<1x40x128xi32, #tpu.memory_space<hbm>>
      %dma_start3A_78 = tpu.memref_squeeze %dma_start3A_77 : memref<1x40x128xi32, #tpu.memory_space<hbm>> -> memref<40x128xi32, #tpu.memory_space<hbm>>
      %dma_start3A_79 = arith.constant 40 : i32
      %dma_start3A_80 = arith.constant 0 : i32
      %dma_start3A_81 = tpu.memref_slice %arg4[%add3A, %dma_start3A_79, %dma_start3A_80] : memref<32x80x128xi32, #tpu.memory_space<hbm>> -> memref<1x40x128xi32, #tpu.memory_space<hbm>>
      %dma_start3A_82 = tpu.memref_squeeze %dma_start3A_81 : memref<1x40x128xi32, #tpu.memory_space<hbm>> -> memref<40x128xi32, #tpu.memory_space<hbm>>
      tpu.enqueue_dma source(%dma_start3A_82 : memref<40x128xi32, #tpu.memory_space<hbm>>) target(%arg8 : memref<40x128xi32, #tpu.memory_space<vmem>>) target_semaphore(%run_scoped3A : memref<!tpu.dma_semaphore, #tpu.memory_space<semaphore_mem>>)
      %dma_wait3A_83 = arith.constant 40 : i32
      %dma_wait3A_84 = arith.constant 0 : i32
      %dma_wait3A_85 = tpu.memref_slice %arg4[%add3A, %dma_wait3A_83, %dma_wait3A_84] : memref<32x80x128xi32, #tpu.memory_space<hbm>> -> memref<1x40x128xi32, #tpu.memory_space<hbm>>
      %dma_wait3A_86 = tpu.memref_squeeze %dma_wait3A_85 : memref<1x40x128xi32, #tpu.memory_space<hbm>> -> memref<40x128xi32, #tpu.memory_space<hbm>>
      %dma_wait3A_87 = arith.constant 40 : i32
      %dma_wait3A_88 = arith.constant 0 : i32
      %dma_wait3A_89 = tpu.memref_slice %arg4[%add3A, %dma_wait3A_87, %dma_wait3A_88] : memref<32x80x128xi32, #tpu.memory_space<hbm>> -> memref<1x40x128xi32, #tpu.memory_space<hbm>>
      %dma_wait3A_90 = tpu.memref_squeeze %dma_wait3A_89 : memref<1x40x128xi32, #tpu.memory_space<hbm>> -> memref<40x128xi32, #tpu.memory_space<hbm>>
      tpu.wait_dma2 semaphore(%run_scoped3A : memref<!tpu.dma_semaphore, #tpu.memory_space<semaphore_mem>>) src(%dma_wait3A_90 : memref<40x128xi32, #tpu.memory_space<hbm>>) dst(%arg8 : memref<40x128xi32, #tpu.memory_space<vmem>>)
      tpu.yield
    }) : () -> ()
    %dma_start3A_36 = arith.constant 0 : i32
    %dma_start3A_37 = arith.constant 0 : i32
    %dma_start3A_38 = tpu.memref_slice %arg7[%dma_start3A_36, %dma_start3A_37] : memref<40x128xi32, #tpu.memory_space<vmem>> -> memref<1x128xi32, #tpu.memory_space<vmem>>
    %dma_start3A_39 = tpu.memref_squeeze %dma_start3A_38 : memref<1x128xi32, #tpu.memory_space<vmem>> -> memref<128xi32, #tpu.memory_space<vmem>>
    %dma_start3A_40 = arith.constant 0 : i32
    %dma_start3A_41 = arith.constant 0 : i32
    %dma_start3A_42 = tpu.memref_slice %arg2[%dma_start3A_40, %dma_start3A_41] : memref<10000x128xf32, #tpu.memory_space<hbm>> -> memref<10000x128xf32, #tpu.memory_space<hbm>>
    tpu.enqueue_indirect_dma source(%dma_start3A_42 : memref<10000x128xf32, #tpu.memory_space<hbm>>) target(%arg9 : memref<128x128xf32, #tpu.memory_space<vmem>>) offsets(%dma_start3A_39 : memref<128xi32, #tpu.memory_space<vmem>>) semaphore(%arg12 : memref<!tpu.dma_semaphore, #tpu.memory_space<semaphore_mem>>)
    %dma_start3A_43 = arith.constant 1 : i32
    %dma_start3A_44 = arith.constant 0 : i32
    %dma_start3A_45 = tpu.memref_slice %arg7[%dma_start3A_43, %dma_start3A_44] : memref<40x128xi32, #tpu.memory_space<vmem>> -> memref<1x128xi32, #tpu.memory_space<vmem>>
    %dma_start3A_46 = tpu.memref_squeeze %dma_start3A_45 : memref<1x128xi32, #tpu.memory_space<vmem>> -> memref<128xi32, #tpu.memory_space<vmem>>
    %dma_start3A_47 = arith.constant 0 : i32
    %dma_start3A_48 = arith.constant 0 : i32
    %dma_start3A_49 = tpu.memref_slice %arg2[%dma_start3A_47, %dma_start3A_48] : memref<10000x128xf32, #tpu.memory_space<hbm>> -> memref<10000x128xf32, #tpu.memory_space<hbm>>
    tpu.enqueue_indirect_dma source(%dma_start3A_49 : memref<10000x128xf32, #tpu.memory_space<hbm>>) target(%arg10 : memref<128x128xf32, #tpu.memory_space<vmem>>) offsets(%dma_start3A_46 : memref<128xi32, #tpu.memory_space<vmem>>) semaphore(%arg13 : memref<!tpu.dma_semaphore, #tpu.memory_space<semaphore_mem>>)
    %scan3A_50 = arith.constant 0 : i32
    %scan3A_51 = arith.constant 0 : i32
    %scan3A_52 = arith.constant 20 : i32
    %scan3A_53 = arith.addi %scan3A_51, %scan3A_52 : i32
    %scan3A_54 = arith.constant 1 : i32
    scf.for %scan3A_75 = %scan3A_51 to %scan3A_53 step %scan3A_54  : i32 {
      %mul3A_76 = arith.constant 2 : i32
      %mul3A_77 = arith.muli %mul3A_76, %scan3A_75 : i32
      %add3A_78 = arith.constant 2 : i32
      %add3A_79 = arith.addi %mul3A_77, %add3A_78 : i32
      %min3A = arith.constant 39 : i32
      %min3A_80 = arith.minsi %add3A_79, %min3A : i32
      %add3A_81 = arith.constant 3 : i32
      %add3A_82 = arith.addi %mul3A_77, %add3A_81 : i32
      %min3A_83 = arith.constant 39 : i32
      %min3A_84 = arith.minsi %add3A_82, %min3A_83 : i32
      %dma_wait3A_85 = arith.constant 0 : i32
      %dma_wait3A_86 = tpu.memref_slice %arg7[%mul3A_77, %dma_wait3A_85] : memref<40x128xi32, #tpu.memory_space<vmem>> -> memref<1x128xi32, #tpu.memory_space<vmem>>
      %dma_wait3A_87 = tpu.memref_squeeze %dma_wait3A_86 : memref<1x128xi32, #tpu.memory_space<vmem>> -> memref<128xi32, #tpu.memory_space<vmem>>
      %dma_wait3A_88 = arith.constant 0 : i32
      %dma_wait3A_89 = arith.constant 0 : i32
      %dma_wait3A_90 = tpu.memref_slice %arg2[%dma_wait3A_88, %dma_wait3A_89] : memref<10000x128xf32, #tpu.memory_space<hbm>> -> memref<10000x128xf32, #tpu.memory_space<hbm>>
      tpu.wait_indirect_dma semaphore(%arg12 : memref<!tpu.dma_semaphore, #tpu.memory_space<semaphore_mem>>) src(%dma_wait3A_90 : memref<10000x128xf32, #tpu.memory_space<hbm>>) dst(%arg9 : memref<128x128xf32, #tpu.memory_space<vmem>>)
      "tpu.region"() ({
        %run_scoped3A = tpu.sem_alloc : memref<!tpu.dma_semaphore, #tpu.memory_space<semaphore_mem>>
        %dma_start3A_113 = arith.constant 0 : i32
        %dma_start3A_114 = tpu.memref_slice %arg8[%mul3A_77, %dma_start3A_113] : memref<40x128xi32, #tpu.memory_space<vmem>> -> memref<1x128xi32, #tpu.memory_space<vmem>>
        %dma_start3A_115 = tpu.memref_squeeze %dma_start3A_114 : memref<1x128xi32, #tpu.memory_space<vmem>> -> memref<128xi32, #tpu.memory_space<vmem>>
        %dma_start3A_116 = arith.constant 0 : i32
        %dma_start3A_117 = arith.constant 0 : i32
        %dma_start3A_118 = tpu.memref_slice %arg11[%dma_start3A_116, %dma_start3A_117] : memref<10240x128xf32, #tpu.memory_space<vmem_shared>> -> memref<10240x128xf32, #tpu.memory_space<vmem_shared>>
        tpu.enqueue_indirect_dma source(%arg9 : memref<128x128xf32, #tpu.memory_space<vmem>>) target(%dma_start3A_118 : memref<10240x128xf32, #tpu.memory_space<vmem_shared>>) offsets(%dma_start3A_115 : memref<128xi32, #tpu.memory_space<vmem>>) semaphore(%run_scoped3A : memref<!tpu.dma_semaphore, #tpu.memory_space<semaphore_mem>>) {add = true}
        %dma_wait3A_119 = arith.constant 0 : i32
        %dma_wait3A_120 = tpu.memref_slice %arg8[%mul3A_77, %dma_wait3A_119] : memref<40x128xi32, #tpu.memory_space<vmem>> -> memref<1x128xi32, #tpu.memory_space<vmem>>
        %dma_wait3A_121 = tpu.memref_squeeze %dma_wait3A_120 : memref<1x128xi32, #tpu.memory_space<vmem>> -> memref<128xi32, #tpu.memory_space<vmem>>
        %dma_wait3A_122 = arith.constant 0 : i32
        %dma_wait3A_123 = arith.constant 0 : i32
        %dma_wait3A_124 = tpu.memref_slice %arg11[%dma_wait3A_122, %dma_wait3A_123] : memref<10240x128xf32, #tpu.memory_space<vmem_shared>> -> memref<10240x128xf32, #tpu.memory_space<vmem_shared>>
        tpu.wait_indirect_dma semaphore(%run_scoped3A : memref<!tpu.dma_semaphore, #tpu.memory_space<semaphore_mem>>) src(%arg9 : memref<128x128xf32, #tpu.memory_space<vmem>>) dst(%dma_wait3A_124 : memref<10240x128xf32, #tpu.memory_space<vmem_shared>>)
        tpu.yield
      }) : () -> ()
      %dma_start3A_91 = arith.constant 0 : i32
      %dma_start3A_92 = tpu.memref_slice %arg7[%min3A_80, %dma_start3A_91] : memref<40x128xi32, #tpu.memory_space<vmem>> -> memref<1x128xi32, #tpu.memory_space<vmem>>
      %dma_start3A_93 = tpu.memref_squeeze %dma_start3A_92 : memref<1x128xi32, #tpu.memory_space<vmem>> -> memref<128xi32, #tpu.memory_space<vmem>>
      %dma_start3A_94 = arith.constant 0 : i32
      %dma_start3A_95 = arith.constant 0 : i32
      %dma_start3A_96 = tpu.memref_slice %arg2[%dma_start3A_94, %dma_start3A_95] : memref<10000x128xf32, #tpu.memory_space<hbm>> -> memref<10000x128xf32, #tpu.memory_space<hbm>>
      tpu.enqueue_indirect_dma source(%dma_start3A_96 : memref<10000x128xf32, #tpu.memory_space<hbm>>) target(%arg9 : memref<128x128xf32, #tpu.memory_space<vmem>>) offsets(%dma_start3A_93 : memref<128xi32, #tpu.memory_space<vmem>>) semaphore(%arg12 : memref<!tpu.dma_semaphore, #tpu.memory_space<semaphore_mem>>)
      %add3A_97 = arith.constant 1 : i32
      %add3A_98 = arith.addi %mul3A_77, %add3A_97 : i32
      %dma_wait3A_99 = arith.constant 0 : i32
      %dma_wait3A_100 = tpu.memref_slice %arg7[%add3A_98, %dma_wait3A_99] : memref<40x128xi32, #tpu.memory_space<vmem>> -> memref<1x128xi32, #tpu.memory_space<vmem>>
      %dma_wait3A_101 = tpu.memref_squeeze %dma_wait3A_100 : memref<1x128xi32, #tpu.memory_space<vmem>> -> memref<128xi32, #tpu.memory_space<vmem>>
      %dma_wait3A_102 = arith.constant 0 : i32
      %dma_wait3A_103 = arith.constant 0 : i32
      %dma_wait3A_104 = tpu.memref_slice %arg2[%dma_wait3A_102, %dma_wait3A_103] : memref<10000x128xf32, #tpu.memory_space<hbm>> -> memref<10000x128xf32, #tpu.memory_space<hbm>>
      tpu.wait_indirect_dma semaphore(%arg13 : memref<!tpu.dma_semaphore, #tpu.memory_space<semaphore_mem>>) src(%dma_wait3A_104 : memref<10000x128xf32, #tpu.memory_space<hbm>>) dst(%arg10 : memref<128x128xf32, #tpu.memory_space<vmem>>)
      %add3A_105 = arith.constant 1 : i32
      %add3A_106 = arith.addi %mul3A_77, %add3A_105 : i32
      "tpu.region"() ({
        %run_scoped3A = tpu.sem_alloc : memref<!tpu.dma_semaphore, #tpu.memory_space<semaphore_mem>>
        %dma_start3A_113 = arith.constant 0 : i32
        %dma_start3A_114 = tpu.memref_slice %arg8[%add3A_106, %dma_start3A_113] : memref<40x128xi32, #tpu.memory_space<vmem>> -> memref<1x128xi32, #tpu.memory_space<vmem>>
        %dma_start3A_115 = tpu.memref_squeeze %dma_start3A_114 : memref<1x128xi32, #tpu.memory_space<vmem>> -> memref<128xi32, #tpu.memory_space<vmem>>
        %dma_start3A_116 = arith.constant 0 : i32
        %dma_start3A_117 = arith.constant 0 : i32
        %dma_start3A_118 = tpu.memref_slice %arg11[%dma_start3A_116, %dma_start3A_117] : memref<10240x128xf32, #tpu.memory_space<vmem_shared>> -> memref<10240x128xf32, #tpu.memory_space<vmem_shared>>
        tpu.enqueue_indirect_dma source(%arg10 : memref<128x128xf32, #tpu.memory_space<vmem>>) target(%dma_start3A_118 : memref<10240x128xf32, #tpu.memory_space<vmem_shared>>) offsets(%dma_start3A_115 : memref<128xi32, #tpu.memory_space<vmem>>) semaphore(%run_scoped3A : memref<!tpu.dma_semaphore, #tpu.memory_space<semaphore_mem>>) {add = true}
        %dma_wait3A_119 = arith.constant 0 : i32
        %dma_wait3A_120 = tpu.memref_slice %arg8[%add3A_106, %dma_wait3A_119] : memref<40x128xi32, #tpu.memory_space<vmem>> -> memref<1x128xi32, #tpu.memory_space<vmem>>
        %dma_wait3A_121 = tpu.memref_squeeze %dma_wait3A_120 : memref<1x128xi32, #tpu.memory_space<vmem>> -> memref<128xi32, #tpu.memory_space<vmem>>
        %dma_wait3A_122 = arith.constant 0 : i32
        %dma_wait3A_123 = arith.constant 0 : i32
        %dma_wait3A_124 = tpu.memref_slice %arg11[%dma_wait3A_122, %dma_wait3A_123] : memref<10240x128xf32, #tpu.memory_space<vmem_shared>> -> memref<10240x128xf32, #tpu.memory_space<vmem_shared>>
        tpu.wait_indirect_dma semaphore(%run_scoped3A : memref<!tpu.dma_semaphore, #tpu.memory_space<semaphore_mem>>) src(%arg10 : memref<128x128xf32, #tpu.memory_space<vmem>>) dst(%dma_wait3A_124 : memref<10240x128xf32, #tpu.memory_space<vmem_shared>>)
        tpu.yield
      }) : () -> ()
      %dma_start3A_107 = arith.constant 0 : i32
      %dma_start3A_108 = tpu.memref_slice %arg7[%min3A_84, %dma_start3A_107] : memref<40x128xi32, #tpu.memory_space<vmem>> -> memref<1x128xi32, #tpu.memory_space<vmem>>
      %dma_start3A_109 = tpu.memref_squeeze %dma_start3A_108 : memref<1x128xi32, #tpu.memory_space<vmem>> -> memref<128xi32, #tpu.memory_space<vmem>>
      %dma_start3A_110 = arith.constant 0 : i32
      %dma_start3A_111 = arith.constant 0 : i32
      %dma_start3A_112 = tpu.memref_slice %arg2[%dma_start3A_110, %dma_start3A_111] : memref<10000x128xf32, #tpu.memory_space<hbm>> -> memref<10000x128xf32, #tpu.memory_space<hbm>>
      tpu.enqueue_indirect_dma source(%dma_start3A_112 : memref<10000x128xf32, #tpu.memory_space<hbm>>) target(%arg10 : memref<128x128xf32, #tpu.memory_space<vmem>>) offsets(%dma_start3A_109 : memref<128xi32, #tpu.memory_space<vmem>>) semaphore(%arg13 : memref<!tpu.dma_semaphore, #tpu.memory_space<semaphore_mem>>)
    }
    %scan3A_55 = arith.constant 20 : i32
    %dma_wait3A_56 = arith.constant 39 : i32
    %dma_wait3A_57 = arith.constant 0 : i32
    %dma_wait3A_58 = tpu.memref_slice %arg7[%dma_wait3A_56, %dma_wait3A_57] : memref<40x128xi32, #tpu.memory_space<vmem>> -> memref<1x128xi32, #tpu.memory_space<vmem>>
    %dma_wait3A_59 = tpu.memref_squeeze %dma_wait3A_58 : memref<1x128xi32, #tpu.memory_space<vmem>> -> memref<128xi32, #tpu.memory_space<vmem>>
    %dma_wait3A_60 = arith.constant 0 : i32
    %dma_wait3A_61 = arith.constant 0 : i32
    %dma_wait3A_62 = tpu.memref_slice %arg2[%dma_wait3A_60, %dma_wait3A_61] : memref<10000x128xf32, #tpu.memory_space<hbm>> -> memref<10000x128xf32, #tpu.memory_space<hbm>>
    tpu.wait_indirect_dma semaphore(%arg12 : memref<!tpu.dma_semaphore, #tpu.memory_space<semaphore_mem>>) src(%dma_wait3A_62 : memref<10000x128xf32, #tpu.memory_space<hbm>>) dst(%arg9 : memref<128x128xf32, #tpu.memory_space<vmem>>)
    %dma_wait3A_63 = arith.constant 39 : i32
    %dma_wait3A_64 = arith.constant 0 : i32
    %dma_wait3A_65 = tpu.memref_slice %arg7[%dma_wait3A_63, %dma_wait3A_64] : memref<40x128xi32, #tpu.memory_space<vmem>> -> memref<1x128xi32, #tpu.memory_space<vmem>>
    %dma_wait3A_66 = tpu.memref_squeeze %dma_wait3A_65 : memref<1x128xi32, #tpu.memory_space<vmem>> -> memref<128xi32, #tpu.memory_space<vmem>>
    %dma_wait3A_67 = arith.constant 0 : i32
    %dma_wait3A_68 = arith.constant 0 : i32
    %dma_wait3A_69 = tpu.memref_slice %arg2[%dma_wait3A_67, %dma_wait3A_68] : memref<10000x128xf32, #tpu.memory_space<hbm>> -> memref<10000x128xf32, #tpu.memory_space<hbm>>
    tpu.wait_indirect_dma semaphore(%arg13 : memref<!tpu.dma_semaphore, #tpu.memory_space<semaphore_mem>>) src(%dma_wait3A_69 : memref<10000x128xf32, #tpu.memory_space<hbm>>) dst(%arg10 : memref<128x128xf32, #tpu.memory_space<vmem>>)
    %barrier3A_70 = arith.constant 0 : index
    tpu.barrier barrier_id(%barrier3A_70)
    %mul3A_71 = arith.constant 640 : i32
    %mul3A_72 = arith.muli %arg1, %mul3A_71 : i32
    %mul3A_73 = arith.constant 640 : i32
    %mul3A_74 = arith.muli %arg1, %mul3A_73 : i32
    "tpu.region"() ({
      %run_scoped3A = tpu.sem_alloc : memref<!tpu.dma_semaphore, #tpu.memory_space<semaphore_mem>>
      %dma_start3A_75 = arith.constant 0 : i32
      %dma_start3A_76 = tpu.memref_slice %arg6[%arg0, %mul3A_74, %dma_start3A_75] : memref<2x10240x128xf32, #tpu.memory_space<hbm>> -> memref<1x640x128xf32, #tpu.memory_space<hbm>>
      %dma_start3A_77 = tpu.memref_squeeze %dma_start3A_76 : memref<1x640x128xf32, #tpu.memory_space<hbm>> -> memref<640x128xf32, #tpu.memory_space<hbm>>
      %dma_start3A_78 = arith.constant 0 : i32
      %dma_start3A_79 = tpu.memref_slice %arg11[%mul3A_72, %dma_start3A_78] : memref<10240x128xf32, #tpu.memory_space<vmem_shared>> -> memref<640x128xf32, #tpu.memory_space<vmem_shared>>
      tpu.enqueue_dma source(%dma_start3A_79 : memref<640x128xf32, #tpu.memory_space<vmem_shared>>) target(%dma_start3A_77 : memref<640x128xf32, #tpu.memory_space<hbm>>) target_semaphore(%run_scoped3A : memref<!tpu.dma_semaphore, #tpu.memory_space<semaphore_mem>>)
      %dma_wait3A_80 = arith.constant 0 : i32
      %dma_wait3A_81 = tpu.memref_slice %arg6[%arg0, %mul3A_74, %dma_wait3A_80] : memref<2x10240x128xf32, #tpu.memory_space<hbm>> -> memref<1x640x128xf32, #tpu.memory_space<hbm>>
      %dma_wait3A_82 = tpu.memref_squeeze %dma_wait3A_81 : memref<1x640x128xf32, #tpu.memory_space<hbm>> -> memref<640x128xf32, #tpu.memory_space<hbm>>
      %dma_wait3A_83 = arith.constant 0 : i32
      %dma_wait3A_84 = tpu.memref_slice %arg11[%mul3A_72, %dma_wait3A_83] : memref<10240x128xf32, #tpu.memory_space<vmem_shared>> -> memref<640x128xf32, #tpu.memory_space<vmem_shared>>
      tpu.wait_dma2 semaphore(%run_scoped3A : memref<!tpu.dma_semaphore, #tpu.memory_space<semaphore_mem>>) src(%dma_wait3A_84 : memref<640x128xf32, #tpu.memory_space<vmem_shared>>) dst(%dma_wait3A_82 : memref<640x128xf32, #tpu.memory_space<hbm>>)
      tpu.yield
    }) : () -> ()
    return
  }
}

#map = affine_map<(d0, d1) -> (0, 0)>
#map1 = affine_map<(d0, d1) -> (0, 0, 0)>
module attributes {stable_mosaic.version = 14 : i64} {
  func.func @sc_segment_sum(%arg0: i32, %arg1: i32, %arg2: memref<10000x128xf32, #tpu.memory_space<hbm>>, %arg3: memref<32x80x128xi32, #tpu.memory_space<hbm>>, %arg4: memref<32x80x128xi32, #tpu.memory_space<hbm>>, %arg5: memref<10240x128xf32, #tpu.memory_space<hbm>>, %arg6: memref<2x10240x128xf32, #tpu.memory_space<hbm>>, %arg7: memref<40x128xi32, #tpu.memory_space<vmem>>, %arg8: memref<40x128xi32, #tpu.memory_space<vmem>>, %arg9: memref<128x128xf32, #tpu.memory_space<vmem>>, %arg10: memref<128x128xf32, #tpu.memory_space<vmem>>, %arg11: memref<10240x128xf32, #tpu.memory_space<vmem_shared>>, %arg12: memref<!tpu.dma_semaphore, #tpu.memory_space<semaphore_mem>>, %arg13: memref<!tpu.dma_semaphore, #tpu.memory_space<semaphore_mem>>) attributes {dimension_semantics = [#tpu.dimension_semantics<core_parallel>, #tpu.dimension_semantics<subcore_parallel>], iteration_bounds = array<i64: 2, 16>, scalar_prefetch = 0 : i64, scratch_operands = 7 : i64, tpu.core_type = #tpu.core_type<sc_vector_subcore>, window_params = [{transform_indices = #map}, {transform_indices = #map1}, {transform_indices = #map1}, {transform_indices = #map}, {transform_indices = #map1}]} {
    %mul3A = arith.constant 2 : i32
    %mul3A_0 = arith.muli %arg1, %mul3A : i32
    %add3A = arith.addi %mul3A_0, %arg0 : i32
    "tpu.region"() ({
      %run_scoped3A = tpu.sem_alloc : memref<!tpu.dma_semaphore, #tpu.memory_space<semaphore_mem>>
      %dma_start3A_75 = arith.constant 0 : i32
      %dma_start3A_76 = arith.constant 0 : i32
      %dma_start3A_77 = tpu.memref_slice %arg3[%add3A, %dma_start3A_75, %dma_start3A_76] : memref<32x80x128xi32, #tpu.memory_space<hbm>> -> memref<1x40x128xi32, #tpu.memory_space<hbm>>
      %dma_start3A_78 = tpu.memref_squeeze %dma_start3A_77 : memref<1x40x128xi32, #tpu.memory_space<hbm>> -> memref<40x128xi32, #tpu.memory_space<hbm>>
      %dma_start3A_79 = arith.constant 0 : i32
      %dma_start3A_80 = arith.constant 0 : i32
      %dma_start3A_81 = tpu.memref_slice %arg3[%add3A, %dma_start3A_79, %dma_start3A_80] : memref<32x80x128xi32, #tpu.memory_space<hbm>> -> memref<1x40x128xi32, #tpu.memory_space<hbm>>
      %dma_start3A_82 = tpu.memref_squeeze %dma_start3A_81 : memref<1x40x128xi32, #tpu.memory_space<hbm>> -> memref<40x128xi32, #tpu.memory_space<hbm>>
      tpu.enqueue_dma source(%dma_start3A_82 : memref<40x128xi32, #tpu.memory_space<hbm>>) target(%arg7 : memref<40x128xi32, #tpu.memory_space<vmem>>) target_semaphore(%run_scoped3A : memref<!tpu.dma_semaphore, #tpu.memory_space<semaphore_mem>>)
      %dma_wait3A_83 = arith.constant 0 : i32
      %dma_wait3A_84 = arith.constant 0 : i32
      %dma_wait3A_85 = tpu.memref_slice %arg3[%add3A, %dma_wait3A_83, %dma_wait3A_84] : memref<32x80x128xi32, #tpu.memory_space<hbm>> -> memref<1x40x128xi32, #tpu.memory_space<hbm>>
      %dma_wait3A_86 = tpu.memref_squeeze %dma_wait3A_85 : memref<1x40x128xi32, #tpu.memory_space<hbm>> -> memref<40x128xi32, #tpu.memory_space<hbm>>
      %dma_wait3A_87 = arith.constant 0 : i32
      %dma_wait3A_88 = arith.constant 0 : i32
      %dma_wait3A_89 = tpu.memref_slice %arg3[%add3A, %dma_wait3A_87, %dma_wait3A_88] : memref<32x80x128xi32, #tpu.memory_space<hbm>> -> memref<1x40x128xi32, #tpu.memory_space<hbm>>
      %dma_wait3A_90 = tpu.memref_squeeze %dma_wait3A_89 : memref<1x40x128xi32, #tpu.memory_space<hbm>> -> memref<40x128xi32, #tpu.memory_space<hbm>>
      tpu.wait_dma2 semaphore(%run_scoped3A : memref<!tpu.dma_semaphore, #tpu.memory_space<semaphore_mem>>) src(%dma_wait3A_90 : memref<40x128xi32, #tpu.memory_space<hbm>>) dst(%arg7 : memref<40x128xi32, #tpu.memory_space<vmem>>)
      tpu.yield
    }) : () -> ()
    "tpu.region"() ({
      %run_scoped3A = tpu.sem_alloc : memref<!tpu.dma_semaphore, #tpu.memory_space<semaphore_mem>>
      %dma_start3A_75 = arith.constant 0 : i32
      %dma_start3A_76 = arith.constant 0 : i32
      %dma_start3A_77 = tpu.memref_slice %arg4[%add3A, %dma_start3A_75, %dma_start3A_76] : memref<32x80x128xi32, #tpu.memory_space<hbm>> -> memref<1x40x128xi32, #tpu.memory_space<hbm>>
      %dma_start3A_78 = tpu.memref_squeeze %dma_start3A_77 : memref<1x40x128xi32, #tpu.memory_space<hbm>> -> memref<40x128xi32, #tpu.memory_space<hbm>>
      %dma_start3A_79 = arith.constant 0 : i32
      %dma_start3A_80 = arith.constant 0 : i32
      %dma_start3A_81 = tpu.memref_slice %arg4[%add3A, %dma_start3A_79, %dma_start3A_80] : memref<32x80x128xi32, #tpu.memory_space<hbm>> -> memref<1x40x128xi32, #tpu.memory_space<hbm>>
      %dma_start3A_82 = tpu.memref_squeeze %dma_start3A_81 : memref<1x40x128xi32, #tpu.memory_space<hbm>> -> memref<40x128xi32, #tpu.memory_space<hbm>>
      tpu.enqueue_dma source(%dma_start3A_82 : memref<40x128xi32, #tpu.memory_space<hbm>>) target(%arg8 : memref<40x128xi32, #tpu.memory_space<vmem>>) target_semaphore(%run_scoped3A : memref<!tpu.dma_semaphore, #tpu.memory_space<semaphore_mem>>)
      %dma_wait3A_83 = arith.constant 0 : i32
      %dma_wait3A_84 = arith.constant 0 : i32
      %dma_wait3A_85 = tpu.memref_slice %arg4[%add3A, %dma_wait3A_83, %dma_wait3A_84] : memref<32x80x128xi32, #tpu.memory_space<hbm>> -> memref<1x40x128xi32, #tpu.memory_space<hbm>>
      %dma_wait3A_86 = tpu.memref_squeeze %dma_wait3A_85 : memref<1x40x128xi32, #tpu.memory_space<hbm>> -> memref<40x128xi32, #tpu.memory_space<hbm>>
      %dma_wait3A_87 = arith.constant 0 : i32
      %dma_wait3A_88 = arith.constant 0 : i32
      %dma_wait3A_89 = tpu.memref_slice %arg4[%add3A, %dma_wait3A_87, %dma_wait3A_88] : memref<32x80x128xi32, #tpu.memory_space<hbm>> -> memref<1x40x128xi32, #tpu.memory_space<hbm>>
      %dma_wait3A_90 = tpu.memref_squeeze %dma_wait3A_89 : memref<1x40x128xi32, #tpu.memory_space<hbm>> -> memref<40x128xi32, #tpu.memory_space<hbm>>
      tpu.wait_dma2 semaphore(%run_scoped3A : memref<!tpu.dma_semaphore, #tpu.memory_space<semaphore_mem>>) src(%dma_wait3A_90 : memref<40x128xi32, #tpu.memory_space<hbm>>) dst(%arg8 : memref<40x128xi32, #tpu.memory_space<vmem>>)
      tpu.yield
    }) : () -> ()
    %dma_start3A = arith.constant 0 : i32
    %dma_start3A_1 = arith.constant 0 : i32
    %dma_start3A_2 = tpu.memref_slice %arg7[%dma_start3A, %dma_start3A_1] : memref<40x128xi32, #tpu.memory_space<vmem>> -> memref<1x128xi32, #tpu.memory_space<vmem>>
    %dma_start3A_3 = tpu.memref_squeeze %dma_start3A_2 : memref<1x128xi32, #tpu.memory_space<vmem>> -> memref<128xi32, #tpu.memory_space<vmem>>
    %dma_start3A_4 = arith.constant 0 : i32
    %dma_start3A_5 = arith.constant 0 : i32
    %dma_start3A_6 = tpu.memref_slice %arg2[%dma_start3A_4, %dma_start3A_5] : memref<10000x128xf32, #tpu.memory_space<hbm>> -> memref<10000x128xf32, #tpu.memory_space<hbm>>
    tpu.enqueue_indirect_dma source(%dma_start3A_6 : memref<10000x128xf32, #tpu.memory_space<hbm>>) target(%arg9 : memref<128x128xf32, #tpu.memory_space<vmem>>) offsets(%dma_start3A_3 : memref<128xi32, #tpu.memory_space<vmem>>) semaphore(%arg12 : memref<!tpu.dma_semaphore, #tpu.memory_space<semaphore_mem>>)
    %dma_start3A_7 = arith.constant 1 : i32
    %dma_start3A_8 = arith.constant 0 : i32
    %dma_start3A_9 = tpu.memref_slice %arg7[%dma_start3A_7, %dma_start3A_8] : memref<40x128xi32, #tpu.memory_space<vmem>> -> memref<1x128xi32, #tpu.memory_space<vmem>>
    %dma_start3A_10 = tpu.memref_squeeze %dma_start3A_9 : memref<1x128xi32, #tpu.memory_space<vmem>> -> memref<128xi32, #tpu.memory_space<vmem>>
    %dma_start3A_11 = arith.constant 0 : i32
    %dma_start3A_12 = arith.constant 0 : i32
    %dma_start3A_13 = tpu.memref_slice %arg2[%dma_start3A_11, %dma_start3A_12] : memref<10000x128xf32, #tpu.memory_space<hbm>> -> memref<10000x128xf32, #tpu.memory_space<hbm>>
    tpu.enqueue_indirect_dma source(%dma_start3A_13 : memref<10000x128xf32, #tpu.memory_space<hbm>>) target(%arg10 : memref<128x128xf32, #tpu.memory_space<vmem>>) offsets(%dma_start3A_10 : memref<128xi32, #tpu.memory_space<vmem>>) semaphore(%arg13 : memref<!tpu.dma_semaphore, #tpu.memory_space<semaphore_mem>>)
    %mul3A_14 = arith.constant 640 : i32
    %mul3A_15 = arith.muli %arg1, %mul3A_14 : i32
    %mul3A_16 = arith.constant 640 : i32
    %mul3A_17 = arith.muli %arg1, %mul3A_16 : i32
    "tpu.region"() ({
      %run_scoped3A = tpu.sem_alloc : memref<!tpu.dma_semaphore, #tpu.memory_space<semaphore_mem>>
      %dma_start3A_75 = arith.constant 0 : i32
      %dma_start3A_76 = tpu.memref_slice %arg11[%mul3A_17, %dma_start3A_75] : memref<10240x128xf32, #tpu.memory_space<vmem_shared>> -> memref<640x128xf32, #tpu.memory_space<vmem_shared>>
      %dma_start3A_77 = arith.constant 0 : i32
      %dma_start3A_78 = tpu.memref_slice %arg5[%mul3A_15, %dma_start3A_77] : memref<10240x128xf32, #tpu.memory_space<hbm>> -> memref<640x128xf32, #tpu.memory_space<hbm>>
      tpu.enqueue_dma source(%dma_start3A_78 : memref<640x128xf32, #tpu.memory_space<hbm>>) target(%dma_start3A_76 : memref<640x128xf32, #tpu.memory_space<vmem_shared>>) target_semaphore(%run_scoped3A : memref<!tpu.dma_semaphore, #tpu.memory_space<semaphore_mem>>)
      %dma_wait3A_79 = arith.constant 0 : i32
      %dma_wait3A_80 = tpu.memref_slice %arg11[%mul3A_17, %dma_wait3A_79] : memref<10240x128xf32, #tpu.memory_space<vmem_shared>> -> memref<640x128xf32, #tpu.memory_space<vmem_shared>>
      %dma_wait3A_81 = arith.constant 0 : i32
      %dma_wait3A_82 = tpu.memref_slice %arg5[%mul3A_15, %dma_wait3A_81] : memref<10240x128xf32, #tpu.memory_space<hbm>> -> memref<640x128xf32, #tpu.memory_space<hbm>>
      tpu.wait_dma2 semaphore(%run_scoped3A : memref<!tpu.dma_semaphore, #tpu.memory_space<semaphore_mem>>) src(%dma_wait3A_82 : memref<640x128xf32, #tpu.memory_space<hbm>>) dst(%dma_wait3A_80 : memref<640x128xf32, #tpu.memory_space<vmem_shared>>)
      tpu.yield
    }) : () -> ()
    %barrier3A = arith.constant 0 : index
    tpu.barrier barrier_id(%barrier3A)
    %scan3A = arith.constant 0 : i32
    %scan3A_18 = arith.constant 0 : i32
    %scan3A_19 = arith.constant 20 : i32
    %scan3A_20 = arith.addi %scan3A_18, %scan3A_19 : i32
    %scan3A_21 = arith.constant 1 : i32
    scf.for %scan3A_75 = %scan3A_18 to %scan3A_20 step %scan3A_21  : i32 {
      %mul3A_76 = arith.constant 2 : i32
      %mul3A_77 = arith.muli %mul3A_76, %scan3A_75 : i32
      %add3A_78 = arith.constant 2 : i32
      %add3A_79 = arith.addi %mul3A_77, %add3A_78 : i32
      %min3A = arith.constant 39 : i32
      %min3A_80 = arith.minsi %add3A_79, %min3A : i32
      %add3A_81 = arith.constant 3 : i32
      %add3A_82 = arith.addi %mul3A_77, %add3A_81 : i32
      %min3A_83 = arith.constant 39 : i32
      %min3A_84 = arith.minsi %add3A_82, %min3A_83 : i32
      %dma_wait3A_85 = arith.constant 0 : i32
      %dma_wait3A_86 = tpu.memref_slice %arg7[%mul3A_77, %dma_wait3A_85] : memref<40x128xi32, #tpu.memory_space<vmem>> -> memref<1x128xi32, #tpu.memory_space<vmem>>
      %dma_wait3A_87 = tpu.memref_squeeze %dma_wait3A_86 : memref<1x128xi32, #tpu.memory_space<vmem>> -> memref<128xi32, #tpu.memory_space<vmem>>
      %dma_wait3A_88 = arith.constant 0 : i32
      %dma_wait3A_89 = arith.constant 0 : i32
      %dma_wait3A_90 = tpu.memref_slice %arg2[%dma_wait3A_88, %dma_wait3A_89] : memref<10000x128xf32, #tpu.memory_space<hbm>> -> memref<10000x128xf32, #tpu.memory_space<hbm>>
      tpu.wait_indirect_dma semaphore(%arg12 : memref<!tpu.dma_semaphore, #tpu.memory_space<semaphore_mem>>) src(%dma_wait3A_90 : memref<10000x128xf32, #tpu.memory_space<hbm>>) dst(%arg9 : memref<128x128xf32, #tpu.memory_space<vmem>>)
      "tpu.region"() ({
        %run_scoped3A = tpu.sem_alloc : memref<!tpu.dma_semaphore, #tpu.memory_space<semaphore_mem>>
        %dma_start3A_113 = arith.constant 0 : i32
        %dma_start3A_114 = tpu.memref_slice %arg8[%mul3A_77, %dma_start3A_113] : memref<40x128xi32, #tpu.memory_space<vmem>> -> memref<1x128xi32, #tpu.memory_space<vmem>>
        %dma_start3A_115 = tpu.memref_squeeze %dma_start3A_114 : memref<1x128xi32, #tpu.memory_space<vmem>> -> memref<128xi32, #tpu.memory_space<vmem>>
        %dma_start3A_116 = arith.constant 0 : i32
        %dma_start3A_117 = arith.constant 0 : i32
        %dma_start3A_118 = tpu.memref_slice %arg11[%dma_start3A_116, %dma_start3A_117] : memref<10240x128xf32, #tpu.memory_space<vmem_shared>> -> memref<10240x128xf32, #tpu.memory_space<vmem_shared>>
        tpu.enqueue_indirect_dma source(%arg9 : memref<128x128xf32, #tpu.memory_space<vmem>>) target(%dma_start3A_118 : memref<10240x128xf32, #tpu.memory_space<vmem_shared>>) offsets(%dma_start3A_115 : memref<128xi32, #tpu.memory_space<vmem>>) semaphore(%run_scoped3A : memref<!tpu.dma_semaphore, #tpu.memory_space<semaphore_mem>>) {add = true}
        %dma_wait3A_119 = arith.constant 0 : i32
        %dma_wait3A_120 = tpu.memref_slice %arg8[%mul3A_77, %dma_wait3A_119] : memref<40x128xi32, #tpu.memory_space<vmem>> -> memref<1x128xi32, #tpu.memory_space<vmem>>
        %dma_wait3A_121 = tpu.memref_squeeze %dma_wait3A_120 : memref<1x128xi32, #tpu.memory_space<vmem>> -> memref<128xi32, #tpu.memory_space<vmem>>
        %dma_wait3A_122 = arith.constant 0 : i32
        %dma_wait3A_123 = arith.constant 0 : i32
        %dma_wait3A_124 = tpu.memref_slice %arg11[%dma_wait3A_122, %dma_wait3A_123] : memref<10240x128xf32, #tpu.memory_space<vmem_shared>> -> memref<10240x128xf32, #tpu.memory_space<vmem_shared>>
        tpu.wait_indirect_dma semaphore(%run_scoped3A : memref<!tpu.dma_semaphore, #tpu.memory_space<semaphore_mem>>) src(%arg9 : memref<128x128xf32, #tpu.memory_space<vmem>>) dst(%dma_wait3A_124 : memref<10240x128xf32, #tpu.memory_space<vmem_shared>>)
        tpu.yield
      }) : () -> ()
      %dma_start3A_91 = arith.constant 0 : i32
      %dma_start3A_92 = tpu.memref_slice %arg7[%min3A_80, %dma_start3A_91] : memref<40x128xi32, #tpu.memory_space<vmem>> -> memref<1x128xi32, #tpu.memory_space<vmem>>
      %dma_start3A_93 = tpu.memref_squeeze %dma_start3A_92 : memref<1x128xi32, #tpu.memory_space<vmem>> -> memref<128xi32, #tpu.memory_space<vmem>>
      %dma_start3A_94 = arith.constant 0 : i32
      %dma_start3A_95 = arith.constant 0 : i32
      %dma_start3A_96 = tpu.memref_slice %arg2[%dma_start3A_94, %dma_start3A_95] : memref<10000x128xf32, #tpu.memory_space<hbm>> -> memref<10000x128xf32, #tpu.memory_space<hbm>>
      tpu.enqueue_indirect_dma source(%dma_start3A_96 : memref<10000x128xf32, #tpu.memory_space<hbm>>) target(%arg9 : memref<128x128xf32, #tpu.memory_space<vmem>>) offsets(%dma_start3A_93 : memref<128xi32, #tpu.memory_space<vmem>>) semaphore(%arg12 : memref<!tpu.dma_semaphore, #tpu.memory_space<semaphore_mem>>)
      %add3A_97 = arith.constant 1 : i32
      %add3A_98 = arith.addi %mul3A_77, %add3A_97 : i32
      %dma_wait3A_99 = arith.constant 0 : i32
      %dma_wait3A_100 = tpu.memref_slice %arg7[%add3A_98, %dma_wait3A_99] : memref<40x128xi32, #tpu.memory_space<vmem>> -> memref<1x128xi32, #tpu.memory_space<vmem>>
      %dma_wait3A_101 = tpu.memref_squeeze %dma_wait3A_100 : memref<1x128xi32, #tpu.memory_space<vmem>> -> memref<128xi32, #tpu.memory_space<vmem>>
      %dma_wait3A_102 = arith.constant 0 : i32
      %dma_wait3A_103 = arith.constant 0 : i32
      %dma_wait3A_104 = tpu.memref_slice %arg2[%dma_wait3A_102, %dma_wait3A_103] : memref<10000x128xf32, #tpu.memory_space<hbm>> -> memref<10000x128xf32, #tpu.memory_space<hbm>>
      tpu.wait_indirect_dma semaphore(%arg13 : memref<!tpu.dma_semaphore, #tpu.memory_space<semaphore_mem>>) src(%dma_wait3A_104 : memref<10000x128xf32, #tpu.memory_space<hbm>>) dst(%arg10 : memref<128x128xf32, #tpu.memory_space<vmem>>)
      %add3A_105 = arith.constant 1 : i32
      %add3A_106 = arith.addi %mul3A_77, %add3A_105 : i32
      "tpu.region"() ({
        %run_scoped3A = tpu.sem_alloc : memref<!tpu.dma_semaphore, #tpu.memory_space<semaphore_mem>>
        %dma_start3A_113 = arith.constant 0 : i32
        %dma_start3A_114 = tpu.memref_slice %arg8[%add3A_106, %dma_start3A_113] : memref<40x128xi32, #tpu.memory_space<vmem>> -> memref<1x128xi32, #tpu.memory_space<vmem>>
        %dma_start3A_115 = tpu.memref_squeeze %dma_start3A_114 : memref<1x128xi32, #tpu.memory_space<vmem>> -> memref<128xi32, #tpu.memory_space<vmem>>
        %dma_start3A_116 = arith.constant 0 : i32
        %dma_start3A_117 = arith.constant 0 : i32
        %dma_start3A_118 = tpu.memref_slice %arg11[%dma_start3A_116, %dma_start3A_117] : memref<10240x128xf32, #tpu.memory_space<vmem_shared>> -> memref<10240x128xf32, #tpu.memory_space<vmem_shared>>
        tpu.enqueue_indirect_dma source(%arg10 : memref<128x128xf32, #tpu.memory_space<vmem>>) target(%dma_start3A_118 : memref<10240x128xf32, #tpu.memory_space<vmem_shared>>) offsets(%dma_start3A_115 : memref<128xi32, #tpu.memory_space<vmem>>) semaphore(%run_scoped3A : memref<!tpu.dma_semaphore, #tpu.memory_space<semaphore_mem>>) {add = true}
        %dma_wait3A_119 = arith.constant 0 : i32
        %dma_wait3A_120 = tpu.memref_slice %arg8[%add3A_106, %dma_wait3A_119] : memref<40x128xi32, #tpu.memory_space<vmem>> -> memref<1x128xi32, #tpu.memory_space<vmem>>
        %dma_wait3A_121 = tpu.memref_squeeze %dma_wait3A_120 : memref<1x128xi32, #tpu.memory_space<vmem>> -> memref<128xi32, #tpu.memory_space<vmem>>
        %dma_wait3A_122 = arith.constant 0 : i32
        %dma_wait3A_123 = arith.constant 0 : i32
        %dma_wait3A_124 = tpu.memref_slice %arg11[%dma_wait3A_122, %dma_wait3A_123] : memref<10240x128xf32, #tpu.memory_space<vmem_shared>> -> memref<10240x128xf32, #tpu.memory_space<vmem_shared>>
        tpu.wait_indirect_dma semaphore(%run_scoped3A : memref<!tpu.dma_semaphore, #tpu.memory_space<semaphore_mem>>) src(%arg10 : memref<128x128xf32, #tpu.memory_space<vmem>>) dst(%dma_wait3A_124 : memref<10240x128xf32, #tpu.memory_space<vmem_shared>>)
        tpu.yield
      }) : () -> ()
      %dma_start3A_107 = arith.constant 0 : i32
      %dma_start3A_108 = tpu.memref_slice %arg7[%min3A_84, %dma_start3A_107] : memref<40x128xi32, #tpu.memory_space<vmem>> -> memref<1x128xi32, #tpu.memory_space<vmem>>
      %dma_start3A_109 = tpu.memref_squeeze %dma_start3A_108 : memref<1x128xi32, #tpu.memory_space<vmem>> -> memref<128xi32, #tpu.memory_space<vmem>>
      %dma_start3A_110 = arith.constant 0 : i32
      %dma_start3A_111 = arith.constant 0 : i32
      %dma_start3A_112 = tpu.memref_slice %arg2[%dma_start3A_110, %dma_start3A_111] : memref<10000x128xf32, #tpu.memory_space<hbm>> -> memref<10000x128xf32, #tpu.memory_space<hbm>>
      tpu.enqueue_indirect_dma source(%dma_start3A_112 : memref<10000x128xf32, #tpu.memory_space<hbm>>) target(%arg10 : memref<128x128xf32, #tpu.memory_space<vmem>>) offsets(%dma_start3A_109 : memref<128xi32, #tpu.memory_space<vmem>>) semaphore(%arg13 : memref<!tpu.dma_semaphore, #tpu.memory_space<semaphore_mem>>)
    }
    %scan3A_22 = arith.constant 20 : i32
    %dma_wait3A = arith.constant 39 : i32
    %dma_wait3A_23 = arith.constant 0 : i32
    %dma_wait3A_24 = tpu.memref_slice %arg7[%dma_wait3A, %dma_wait3A_23] : memref<40x128xi32, #tpu.memory_space<vmem>> -> memref<1x128xi32, #tpu.memory_space<vmem>>
    %dma_wait3A_25 = tpu.memref_squeeze %dma_wait3A_24 : memref<1x128xi32, #tpu.memory_space<vmem>> -> memref<128xi32, #tpu.memory_space<vmem>>
    %dma_wait3A_26 = arith.constant 0 : i32
    %dma_wait3A_27 = arith.constant 0 : i32
    %dma_wait3A_28 = tpu.memref_slice %arg2[%dma_wait3A_26, %dma_wait3A_27] : memref<10000x128xf32, #tpu.memory_space<hbm>> -> memref<10000x128xf32, #tpu.memory_space<hbm>>
    tpu.wait_indirect_dma semaphore(%arg12 : memref<!tpu.dma_semaphore, #tpu.memory_space<semaphore_mem>>) src(%dma_wait3A_28 : memref<10000x128xf32, #tpu.memory_space<hbm>>) dst(%arg9 : memref<128x128xf32, #tpu.memory_space<vmem>>)
    %dma_wait3A_29 = arith.constant 39 : i32
    %dma_wait3A_30 = arith.constant 0 : i32
    %dma_wait3A_31 = tpu.memref_slice %arg7[%dma_wait3A_29, %dma_wait3A_30] : memref<40x128xi32, #tpu.memory_space<vmem>> -> memref<1x128xi32, #tpu.memory_space<vmem>>
    %dma_wait3A_32 = tpu.memref_squeeze %dma_wait3A_31 : memref<1x128xi32, #tpu.memory_space<vmem>> -> memref<128xi32, #tpu.memory_space<vmem>>
    %dma_wait3A_33 = arith.constant 0 : i32
    %dma_wait3A_34 = arith.constant 0 : i32
    %dma_wait3A_35 = tpu.memref_slice %arg2[%dma_wait3A_33, %dma_wait3A_34] : memref<10000x128xf32, #tpu.memory_space<hbm>> -> memref<10000x128xf32, #tpu.memory_space<hbm>>
    tpu.wait_indirect_dma semaphore(%arg13 : memref<!tpu.dma_semaphore, #tpu.memory_space<semaphore_mem>>) src(%dma_wait3A_35 : memref<10000x128xf32, #tpu.memory_space<hbm>>) dst(%arg10 : memref<128x128xf32, #tpu.memory_space<vmem>>)
    "tpu.region"() ({
      %run_scoped3A = tpu.sem_alloc : memref<!tpu.dma_semaphore, #tpu.memory_space<semaphore_mem>>
      %dma_start3A_75 = arith.constant 40 : i32
      %dma_start3A_76 = arith.constant 0 : i32
      %dma_start3A_77 = tpu.memref_slice %arg3[%add3A, %dma_start3A_75, %dma_start3A_76] : memref<32x80x128xi32, #tpu.memory_space<hbm>> -> memref<1x40x128xi32, #tpu.memory_space<hbm>>
      %dma_start3A_78 = tpu.memref_squeeze %dma_start3A_77 : memref<1x40x128xi32, #tpu.memory_space<hbm>> -> memref<40x128xi32, #tpu.memory_space<hbm>>
      %dma_start3A_79 = arith.constant 40 : i32
      %dma_start3A_80 = arith.constant 0 : i32
      %dma_start3A_81 = tpu.memref_slice %arg3[%add3A, %dma_start3A_79, %dma_start3A_80] : memref<32x80x128xi32, #tpu.memory_space<hbm>> -> memref<1x40x128xi32, #tpu.memory_space<hbm>>
      %dma_start3A_82 = tpu.memref_squeeze %dma_start3A_81 : memref<1x40x128xi32, #tpu.memory_space<hbm>> -> memref<40x128xi32, #tpu.memory_space<hbm>>
      tpu.enqueue_dma source(%dma_start3A_82 : memref<40x128xi32, #tpu.memory_space<hbm>>) target(%arg7 : memref<40x128xi32, #tpu.memory_space<vmem>>) target_semaphore(%run_scoped3A : memref<!tpu.dma_semaphore, #tpu.memory_space<semaphore_mem>>)
      %dma_wait3A_83 = arith.constant 40 : i32
      %dma_wait3A_84 = arith.constant 0 : i32
      %dma_wait3A_85 = tpu.memref_slice %arg3[%add3A, %dma_wait3A_83, %dma_wait3A_84] : memref<32x80x128xi32, #tpu.memory_space<hbm>> -> memref<1x40x128xi32, #tpu.memory_space<hbm>>
      %dma_wait3A_86 = tpu.memref_squeeze %dma_wait3A_85 : memref<1x40x128xi32, #tpu.memory_space<hbm>> -> memref<40x128xi32, #tpu.memory_space<hbm>>
      %dma_wait3A_87 = arith.constant 40 : i32
      %dma_wait3A_88 = arith.constant 0 : i32
      %dma_wait3A_89 = tpu.memref_slice %arg3[%add3A, %dma_wait3A_87, %dma_wait3A_88] : memref<32x80x128xi32, #tpu.memory_space<hbm>> -> memref<1x40x128xi32, #tpu.memory_space<hbm>>
      %dma_wait3A_90 = tpu.memref_squeeze %dma_wait3A_89 : memref<1x40x128xi32, #tpu.memory_space<hbm>> -> memref<40x128xi32, #tpu.memory_space<hbm>>
      tpu.wait_dma2 semaphore(%run_scoped3A : memref<!tpu.dma_semaphore, #tpu.memory_space<semaphore_mem>>) src(%dma_wait3A_90 : memref<40x128xi32, #tpu.memory_space<hbm>>) dst(%arg7 : memref<40x128xi32, #tpu.memory_space<vmem>>)
      tpu.yield
    }) : () -> ()
    "tpu.region"() ({
      %run_scoped3A = tpu.sem_alloc : memref<!tpu.dma_semaphore, #tpu.memory_space<semaphore_mem>>
      %dma_start3A_75 = arith.constant 40 : i32
      %dma_start3A_76 = arith.constant 0 : i32
      %dma_start3A_77 = tpu.memref_slice %arg4[%add3A, %dma_start3A_75, %dma_start3A_76] : memref<32x80x128xi32, #tpu.memory_space<hbm>> -> memref<1x40x128xi32, #tpu.memory_space<hbm>>
      %dma_start3A_78 = tpu.memref_squeeze %dma_start3A_77 : memref<1x40x128xi32, #tpu.memory_space<hbm>> -> memref<40x128xi32, #tpu.memory_space<hbm>>
      %dma_start3A_79 = arith.constant 40 : i32
      %dma_start3A_80 = arith.constant 0 : i32
      %dma_start3A_81 = tpu.memref_slice %arg4[%add3A, %dma_start3A_79, %dma_start3A_80] : memref<32x80x128xi32, #tpu.memory_space<hbm>> -> memref<1x40x128xi32, #tpu.memory_space<hbm>>
      %dma_start3A_82 = tpu.memref_squeeze %dma_start3A_81 : memref<1x40x128xi32, #tpu.memory_space<hbm>> -> memref<40x128xi32, #tpu.memory_space<hbm>>
      tpu.enqueue_dma source(%dma_start3A_82 : memref<40x128xi32, #tpu.memory_space<hbm>>) target(%arg8 : memref<40x128xi32, #tpu.memory_space<vmem>>) target_semaphore(%run_scoped3A : memref<!tpu.dma_semaphore, #tpu.memory_space<semaphore_mem>>)
      %dma_wait3A_83 = arith.constant 40 : i32
      %dma_wait3A_84 = arith.constant 0 : i32
      %dma_wait3A_85 = tpu.memref_slice %arg4[%add3A, %dma_wait3A_83, %dma_wait3A_84] : memref<32x80x128xi32, #tpu.memory_space<hbm>> -> memref<1x40x128xi32, #tpu.memory_space<hbm>>
      %dma_wait3A_86 = tpu.memref_squeeze %dma_wait3A_85 : memref<1x40x128xi32, #tpu.memory_space<hbm>> -> memref<40x128xi32, #tpu.memory_space<hbm>>
      %dma_wait3A_87 = arith.constant 40 : i32
      %dma_wait3A_88 = arith.constant 0 : i32
      %dma_wait3A_89 = tpu.memref_slice %arg4[%add3A, %dma_wait3A_87, %dma_wait3A_88] : memref<32x80x128xi32, #tpu.memory_space<hbm>> -> memref<1x40x128xi32, #tpu.memory_space<hbm>>
      %dma_wait3A_90 = tpu.memref_squeeze %dma_wait3A_89 : memref<1x40x128xi32, #tpu.memory_space<hbm>> -> memref<40x128xi32, #tpu.memory_space<hbm>>
      tpu.wait_dma2 semaphore(%run_scoped3A : memref<!tpu.dma_semaphore, #tpu.memory_space<semaphore_mem>>) src(%dma_wait3A_90 : memref<40x128xi32, #tpu.memory_space<hbm>>) dst(%arg8 : memref<40x128xi32, #tpu.memory_space<vmem>>)
      tpu.yield
    }) : () -> ()
    %dma_start3A_36 = arith.constant 0 : i32
    %dma_start3A_37 = arith.constant 0 : i32
    %dma_start3A_38 = tpu.memref_slice %arg7[%dma_start3A_36, %dma_start3A_37] : memref<40x128xi32, #tpu.memory_space<vmem>> -> memref<1x128xi32, #tpu.memory_space<vmem>>
    %dma_start3A_39 = tpu.memref_squeeze %dma_start3A_38 : memref<1x128xi32, #tpu.memory_space<vmem>> -> memref<128xi32, #tpu.memory_space<vmem>>
    %dma_start3A_40 = arith.constant 0 : i32
    %dma_start3A_41 = arith.constant 0 : i32
    %dma_start3A_42 = tpu.memref_slice %arg2[%dma_start3A_40, %dma_start3A_41] : memref<10000x128xf32, #tpu.memory_space<hbm>> -> memref<10000x128xf32, #tpu.memory_space<hbm>>
    tpu.enqueue_indirect_dma source(%dma_start3A_42 : memref<10000x128xf32, #tpu.memory_space<hbm>>) target(%arg9 : memref<128x128xf32, #tpu.memory_space<vmem>>) offsets(%dma_start3A_39 : memref<128xi32, #tpu.memory_space<vmem>>) semaphore(%arg12 : memref<!tpu.dma_semaphore, #tpu.memory_space<semaphore_mem>>)
    %dma_start3A_43 = arith.constant 1 : i32
    %dma_start3A_44 = arith.constant 0 : i32
    %dma_start3A_45 = tpu.memref_slice %arg7[%dma_start3A_43, %dma_start3A_44] : memref<40x128xi32, #tpu.memory_space<vmem>> -> memref<1x128xi32, #tpu.memory_space<vmem>>
    %dma_start3A_46 = tpu.memref_squeeze %dma_start3A_45 : memref<1x128xi32, #tpu.memory_space<vmem>> -> memref<128xi32, #tpu.memory_space<vmem>>
    %dma_start3A_47 = arith.constant 0 : i32
    %dma_start3A_48 = arith.constant 0 : i32
    %dma_start3A_49 = tpu.memref_slice %arg2[%dma_start3A_47, %dma_start3A_48] : memref<10000x128xf32, #tpu.memory_space<hbm>> -> memref<10000x128xf32, #tpu.memory_space<hbm>>
    tpu.enqueue_indirect_dma source(%dma_start3A_49 : memref<10000x128xf32, #tpu.memory_space<hbm>>) target(%arg10 : memref<128x128xf32, #tpu.memory_space<vmem>>) offsets(%dma_start3A_46 : memref<128xi32, #tpu.memory_space<vmem>>) semaphore(%arg13 : memref<!tpu.dma_semaphore, #tpu.memory_space<semaphore_mem>>)
    %scan3A_50 = arith.constant 0 : i32
    %scan3A_51 = arith.constant 0 : i32
    %scan3A_52 = arith.constant 20 : i32
    %scan3A_53 = arith.addi %scan3A_51, %scan3A_52 : i32
    %scan3A_54 = arith.constant 1 : i32
    scf.for %scan3A_75 = %scan3A_51 to %scan3A_53 step %scan3A_54  : i32 {
      %mul3A_76 = arith.constant 2 : i32
      %mul3A_77 = arith.muli %mul3A_76, %scan3A_75 : i32
      %add3A_78 = arith.constant 2 : i32
      %add3A_79 = arith.addi %mul3A_77, %add3A_78 : i32
      %min3A = arith.constant 39 : i32
      %min3A_80 = arith.minsi %add3A_79, %min3A : i32
      %add3A_81 = arith.constant 3 : i32
      %add3A_82 = arith.addi %mul3A_77, %add3A_81 : i32
      %min3A_83 = arith.constant 39 : i32
      %min3A_84 = arith.minsi %add3A_82, %min3A_83 : i32
      %dma_wait3A_85 = arith.constant 0 : i32
      %dma_wait3A_86 = tpu.memref_slice %arg7[%mul3A_77, %dma_wait3A_85] : memref<40x128xi32, #tpu.memory_space<vmem>> -> memref<1x128xi32, #tpu.memory_space<vmem>>
      %dma_wait3A_87 = tpu.memref_squeeze %dma_wait3A_86 : memref<1x128xi32, #tpu.memory_space<vmem>> -> memref<128xi32, #tpu.memory_space<vmem>>
      %dma_wait3A_88 = arith.constant 0 : i32
      %dma_wait3A_89 = arith.constant 0 : i32
      %dma_wait3A_90 = tpu.memref_slice %arg2[%dma_wait3A_88, %dma_wait3A_89] : memref<10000x128xf32, #tpu.memory_space<hbm>> -> memref<10000x128xf32, #tpu.memory_space<hbm>>
      tpu.wait_indirect_dma semaphore(%arg12 : memref<!tpu.dma_semaphore, #tpu.memory_space<semaphore_mem>>) src(%dma_wait3A_90 : memref<10000x128xf32, #tpu.memory_space<hbm>>) dst(%arg9 : memref<128x128xf32, #tpu.memory_space<vmem>>)
      "tpu.region"() ({
        %run_scoped3A = tpu.sem_alloc : memref<!tpu.dma_semaphore, #tpu.memory_space<semaphore_mem>>
        %dma_start3A_113 = arith.constant 0 : i32
        %dma_start3A_114 = tpu.memref_slice %arg8[%mul3A_77, %dma_start3A_113] : memref<40x128xi32, #tpu.memory_space<vmem>> -> memref<1x128xi32, #tpu.memory_space<vmem>>
        %dma_start3A_115 = tpu.memref_squeeze %dma_start3A_114 : memref<1x128xi32, #tpu.memory_space<vmem>> -> memref<128xi32, #tpu.memory_space<vmem>>
        %dma_start3A_116 = arith.constant 0 : i32
        %dma_start3A_117 = arith.constant 0 : i32
        %dma_start3A_118 = tpu.memref_slice %arg11[%dma_start3A_116, %dma_start3A_117] : memref<10240x128xf32, #tpu.memory_space<vmem_shared>> -> memref<10240x128xf32, #tpu.memory_space<vmem_shared>>
        tpu.enqueue_indirect_dma source(%arg9 : memref<128x128xf32, #tpu.memory_space<vmem>>) target(%dma_start3A_118 : memref<10240x128xf32, #tpu.memory_space<vmem_shared>>) offsets(%dma_start3A_115 : memref<128xi32, #tpu.memory_space<vmem>>) semaphore(%run_scoped3A : memref<!tpu.dma_semaphore, #tpu.memory_space<semaphore_mem>>) {add = true}
        %dma_wait3A_119 = arith.constant 0 : i32
        %dma_wait3A_120 = tpu.memref_slice %arg8[%mul3A_77, %dma_wait3A_119] : memref<40x128xi32, #tpu.memory_space<vmem>> -> memref<1x128xi32, #tpu.memory_space<vmem>>
        %dma_wait3A_121 = tpu.memref_squeeze %dma_wait3A_120 : memref<1x128xi32, #tpu.memory_space<vmem>> -> memref<128xi32, #tpu.memory_space<vmem>>
        %dma_wait3A_122 = arith.constant 0 : i32
        %dma_wait3A_123 = arith.constant 0 : i32
        %dma_wait3A_124 = tpu.memref_slice %arg11[%dma_wait3A_122, %dma_wait3A_123] : memref<10240x128xf32, #tpu.memory_space<vmem_shared>> -> memref<10240x128xf32, #tpu.memory_space<vmem_shared>>
        tpu.wait_indirect_dma semaphore(%run_scoped3A : memref<!tpu.dma_semaphore, #tpu.memory_space<semaphore_mem>>) src(%arg9 : memref<128x128xf32, #tpu.memory_space<vmem>>) dst(%dma_wait3A_124 : memref<10240x128xf32, #tpu.memory_space<vmem_shared>>)
        tpu.yield
      }) : () -> ()
      %dma_start3A_91 = arith.constant 0 : i32
      %dma_start3A_92 = tpu.memref_slice %arg7[%min3A_80, %dma_start3A_91] : memref<40x128xi32, #tpu.memory_space<vmem>> -> memref<1x128xi32, #tpu.memory_space<vmem>>
      %dma_start3A_93 = tpu.memref_squeeze %dma_start3A_92 : memref<1x128xi32, #tpu.memory_space<vmem>> -> memref<128xi32, #tpu.memory_space<vmem>>
      %dma_start3A_94 = arith.constant 0 : i32
      %dma_start3A_95 = arith.constant 0 : i32
      %dma_start3A_96 = tpu.memref_slice %arg2[%dma_start3A_94, %dma_start3A_95] : memref<10000x128xf32, #tpu.memory_space<hbm>> -> memref<10000x128xf32, #tpu.memory_space<hbm>>
      tpu.enqueue_indirect_dma source(%dma_start3A_96 : memref<10000x128xf32, #tpu.memory_space<hbm>>) target(%arg9 : memref<128x128xf32, #tpu.memory_space<vmem>>) offsets(%dma_start3A_93 : memref<128xi32, #tpu.memory_space<vmem>>) semaphore(%arg12 : memref<!tpu.dma_semaphore, #tpu.memory_space<semaphore_mem>>)
      %add3A_97 = arith.constant 1 : i32
      %add3A_98 = arith.addi %mul3A_77, %add3A_97 : i32
      %dma_wait3A_99 = arith.constant 0 : i32
      %dma_wait3A_100 = tpu.memref_slice %arg7[%add3A_98, %dma_wait3A_99] : memref<40x128xi32, #tpu.memory_space<vmem>> -> memref<1x128xi32, #tpu.memory_space<vmem>>
      %dma_wait3A_101 = tpu.memref_squeeze %dma_wait3A_100 : memref<1x128xi32, #tpu.memory_space<vmem>> -> memref<128xi32, #tpu.memory_space<vmem>>
      %dma_wait3A_102 = arith.constant 0 : i32
      %dma_wait3A_103 = arith.constant 0 : i32
      %dma_wait3A_104 = tpu.memref_slice %arg2[%dma_wait3A_102, %dma_wait3A_103] : memref<10000x128xf32, #tpu.memory_space<hbm>> -> memref<10000x128xf32, #tpu.memory_space<hbm>>
      tpu.wait_indirect_dma semaphore(%arg13 : memref<!tpu.dma_semaphore, #tpu.memory_space<semaphore_mem>>) src(%dma_wait3A_104 : memref<10000x128xf32, #tpu.memory_space<hbm>>) dst(%arg10 : memref<128x128xf32, #tpu.memory_space<vmem>>)
      %add3A_105 = arith.constant 1 : i32
      %add3A_106 = arith.addi %mul3A_77, %add3A_105 : i32
      "tpu.region"() ({
        %run_scoped3A = tpu.sem_alloc : memref<!tpu.dma_semaphore, #tpu.memory_space<semaphore_mem>>
        %dma_start3A_113 = arith.constant 0 : i32
        %dma_start3A_114 = tpu.memref_slice %arg8[%add3A_106, %dma_start3A_113] : memref<40x128xi32, #tpu.memory_space<vmem>> -> memref<1x128xi32, #tpu.memory_space<vmem>>
        %dma_start3A_115 = tpu.memref_squeeze %dma_start3A_114 : memref<1x128xi32, #tpu.memory_space<vmem>> -> memref<128xi32, #tpu.memory_space<vmem>>
        %dma_start3A_116 = arith.constant 0 : i32
        %dma_start3A_117 = arith.constant 0 : i32
        %dma_start3A_118 = tpu.memref_slice %arg11[%dma_start3A_116, %dma_start3A_117] : memref<10240x128xf32, #tpu.memory_space<vmem_shared>> -> memref<10240x128xf32, #tpu.memory_space<vmem_shared>>
        tpu.enqueue_indirect_dma source(%arg10 : memref<128x128xf32, #tpu.memory_space<vmem>>) target(%dma_start3A_118 : memref<10240x128xf32, #tpu.memory_space<vmem_shared>>) offsets(%dma_start3A_115 : memref<128xi32, #tpu.memory_space<vmem>>) semaphore(%run_scoped3A : memref<!tpu.dma_semaphore, #tpu.memory_space<semaphore_mem>>) {add = true}
        %dma_wait3A_119 = arith.constant 0 : i32
        %dma_wait3A_120 = tpu.memref_slice %arg8[%add3A_106, %dma_wait3A_119] : memref<40x128xi32, #tpu.memory_space<vmem>> -> memref<1x128xi32, #tpu.memory_space<vmem>>
        %dma_wait3A_121 = tpu.memref_squeeze %dma_wait3A_120 : memref<1x128xi32, #tpu.memory_space<vmem>> -> memref<128xi32, #tpu.memory_space<vmem>>
        %dma_wait3A_122 = arith.constant 0 : i32
        %dma_wait3A_123 = arith.constant 0 : i32
        %dma_wait3A_124 = tpu.memref_slice %arg11[%dma_wait3A_122, %dma_wait3A_123] : memref<10240x128xf32, #tpu.memory_space<vmem_shared>> -> memref<10240x128xf32, #tpu.memory_space<vmem_shared>>
        tpu.wait_indirect_dma semaphore(%run_scoped3A : memref<!tpu.dma_semaphore, #tpu.memory_space<semaphore_mem>>) src(%arg10 : memref<128x128xf32, #tpu.memory_space<vmem>>) dst(%dma_wait3A_124 : memref<10240x128xf32, #tpu.memory_space<vmem_shared>>)
        tpu.yield
      }) : () -> ()
      %dma_start3A_107 = arith.constant 0 : i32
      %dma_start3A_108 = tpu.memref_slice %arg7[%min3A_84, %dma_start3A_107] : memref<40x128xi32, #tpu.memory_space<vmem>> -> memref<1x128xi32, #tpu.memory_space<vmem>>
      %dma_start3A_109 = tpu.memref_squeeze %dma_start3A_108 : memref<1x128xi32, #tpu.memory_space<vmem>> -> memref<128xi32, #tpu.memory_space<vmem>>
      %dma_start3A_110 = arith.constant 0 : i32
      %dma_start3A_111 = arith.constant 0 : i32
      %dma_start3A_112 = tpu.memref_slice %arg2[%dma_start3A_110, %dma_start3A_111] : memref<10000x128xf32, #tpu.memory_space<hbm>> -> memref<10000x128xf32, #tpu.memory_space<hbm>>
      tpu.enqueue_indirect_dma source(%dma_start3A_112 : memref<10000x128xf32, #tpu.memory_space<hbm>>) target(%arg10 : memref<128x128xf32, #tpu.memory_space<vmem>>) offsets(%dma_start3A_109 : memref<128xi32, #tpu.memory_space<vmem>>) semaphore(%arg13 : memref<!tpu.dma_semaphore, #tpu.memory_space<semaphore_mem>>)
    }
    %scan3A_55 = arith.constant 20 : i32
    %dma_wait3A_56 = arith.constant 39 : i32
    %dma_wait3A_57 = arith.constant 0 : i32
    %dma_wait3A_58 = tpu.memref_slice %arg7[%dma_wait3A_56, %dma_wait3A_57] : memref<40x128xi32, #tpu.memory_space<vmem>> -> memref<1x128xi32, #tpu.memory_space<vmem>>
    %dma_wait3A_59 = tpu.memref_squeeze %dma_wait3A_58 : memref<1x128xi32, #tpu.memory_space<vmem>> -> memref<128xi32, #tpu.memory_space<vmem>>
    %dma_wait3A_60 = arith.constant 0 : i32
    %dma_wait3A_61 = arith.constant 0 : i32
    %dma_wait3A_62 = tpu.memref_slice %arg2[%dma_wait3A_60, %dma_wait3A_61] : memref<10000x128xf32, #tpu.memory_space<hbm>> -> memref<10000x128xf32, #tpu.memory_space<hbm>>
    tpu.wait_indirect_dma semaphore(%arg12 : memref<!tpu.dma_semaphore, #tpu.memory_space<semaphore_mem>>) src(%dma_wait3A_62 : memref<10000x128xf32, #tpu.memory_space<hbm>>) dst(%arg9 : memref<128x128xf32, #tpu.memory_space<vmem>>)
    %dma_wait3A_63 = arith.constant 39 : i32
    %dma_wait3A_64 = arith.constant 0 : i32
    %dma_wait3A_65 = tpu.memref_slice %arg7[%dma_wait3A_63, %dma_wait3A_64] : memref<40x128xi32, #tpu.memory_space<vmem>> -> memref<1x128xi32, #tpu.memory_space<vmem>>
    %dma_wait3A_66 = tpu.memref_squeeze %dma_wait3A_65 : memref<1x128xi32, #tpu.memory_space<vmem>> -> memref<128xi32, #tpu.memory_space<vmem>>
    %dma_wait3A_67 = arith.constant 0 : i32
    %dma_wait3A_68 = arith.constant 0 : i32
    %dma_wait3A_69 = tpu.memref_slice %arg2[%dma_wait3A_67, %dma_wait3A_68] : memref<10000x128xf32, #tpu.memory_space<hbm>> -> memref<10000x128xf32, #tpu.memory_space<hbm>>
    tpu.wait_indirect_dma semaphore(%arg13 : memref<!tpu.dma_semaphore, #tpu.memory_space<semaphore_mem>>) src(%dma_wait3A_69 : memref<10000x128xf32, #tpu.memory_space<hbm>>) dst(%arg10 : memref<128x128xf32, #tpu.memory_space<vmem>>)
    %barrier3A_70 = arith.constant 0 : index
    tpu.barrier barrier_id(%barrier3A_70)
    %mul3A_71 = arith.constant 640 : i32
    %mul3A_72 = arith.muli %arg1, %mul3A_71 : i32
    %mul3A_73 = arith.constant 640 : i32
    %mul3A_74 = arith.muli %arg1, %mul3A_73 : i32
    "tpu.region"() ({
      %run_scoped3A = tpu.sem_alloc : memref<!tpu.dma_semaphore, #tpu.memory_space<semaphore_mem>>
      %dma_start3A_75 = arith.constant 0 : i32
      %dma_start3A_76 = tpu.memref_slice %arg6[%arg0, %mul3A_74, %dma_start3A_75] : memref<2x10240x128xf32, #tpu.memory_space<hbm>> -> memref<1x640x128xf32, #tpu.memory_space<hbm>>
      %dma_start3A_77 = tpu.memref_squeeze %dma_start3A_76 : memref<1x640x128xf32, #tpu.memory_space<hbm>> -> memref<640x128xf32, #tpu.memory_space<hbm>>
      %dma_start3A_78 = arith.constant 0 : i32
      %dma_start3A_79 = tpu.memref_slice %arg11[%mul3A_72, %dma_start3A_78] : memref<10240x128xf32, #tpu.memory_space<vmem_shared>> -> memref<640x128xf32, #tpu.memory_space<vmem_shared>>
      tpu.enqueue_dma source(%dma_start3A_79 : memref<640x128xf32, #tpu.memory_space<vmem_shared>>) target(%dma_start3A_77 : memref<640x128xf32, #tpu.memory_space<hbm>>) target_semaphore(%run_scoped3A : memref<!tpu.dma_semaphore, #tpu.memory_space<semaphore_mem>>)
      %dma_wait3A_80 = arith.constant 0 : i32
      %dma_wait3A_81 = tpu.memref_slice %arg6[%arg0, %mul3A_74, %dma_wait3A_80] : memref<2x10240x128xf32, #tpu.memory_space<hbm>> -> memref<1x640x128xf32, #tpu.memory_space<hbm>>
      %dma_wait3A_82 = tpu.memref_squeeze %dma_wait3A_81 : memref<1x640x128xf32, #tpu.memory_space<hbm>> -> memref<640x128xf32, #tpu.memory_space<hbm>>
      %dma_wait3A_83 = arith.constant 0 : i32
      %dma_wait3A_84 = tpu.memref_slice %arg11[%mul3A_72, %dma_wait3A_83] : memref<10240x128xf32, #tpu.memory_space<vmem_shared>> -> memref<640x128xf32, #tpu.memory_space<vmem_shared>>
      tpu.wait_dma2 semaphore(%run_scoped3A : memref<!tpu.dma_semaphore, #tpu.memory_space<semaphore_mem>>) src(%dma_wait3A_84 : memref<640x128xf32, #tpu.memory_space<vmem_shared>>) dst(%dma_wait3A_82 : memref<640x128xf32, #tpu.memory_space<hbm>>)
      tpu.yield
    }) : () -> ()
    return
  }
}

module attributes {stable_mosaic.version = 14 : i64} {
  func.func @_tc_dense(%arg0: memref<10000x128xf32, #tpu.memory_space<vmem>>, %arg1: memref<2x10240x128xf32, #tpu.memory_space<vmem>>, %arg2: memref<128x128xf32, #tpu.memory_space<vmem>>, %arg3: memref<1x128xf32, #tpu.memory_space<vmem>>, %arg4: memref<1x1xf32, #tpu.memory_space<vmem>>, %arg5: memref<1x128xf32, #tpu.memory_space<vmem>>, %arg6: memref<1x128xf32, #tpu.memory_space<vmem>>, %arg7: memref<1x128xf32, #tpu.memory_space<vmem>>, %arg8: memref<1x128xf32, #tpu.memory_space<vmem>>, %arg9: memref<10000x128xf32, #tpu.memory_space<vmem>>) attributes {dimension_semantics = [], scalar_prefetch = 0 : i64, scratch_operands = 0 : i64, tpu.core_type = #tpu.core_type<tc>} {
    %get3A = arith.constant 0 : index
    %get3A_0 = arith.constant 0 : index
    %get3A_1 = arith.constant 0 : index
    %get3A_2 = vector.load %arg1[%get3A, %get3A_0, %get3A_1] : memref<2x10240x128xf32, #tpu.memory_space<vmem>>, vector<1x10000x128xf32>
    %get3A_3 = vector.shape_cast %get3A_2 : vector<1x10000x128xf32> to vector<10000x128xf32>
    %get3A_4 = arith.constant 1 : index
    %get3A_5 = arith.constant 0 : index
    %get3A_6 = arith.constant 0 : index
    %get3A_7 = vector.load %arg1[%get3A_4, %get3A_5, %get3A_6] : memref<2x10240x128xf32, #tpu.memory_space<vmem>>, vector<1x10000x128xf32>
    %get3A_8 = vector.shape_cast %get3A_7 : vector<1x10000x128xf32> to vector<10000x128xf32>
    %add3A = arith.addf %get3A_3, %get3A_8 : vector<10000x128xf32>
    %get3A_9 = arith.constant 0 : index
    %get3A_10 = arith.constant 0 : index
    %get3A_11 = vector.load %arg4[%get3A_9, %get3A_10] : memref<1x1xf32, #tpu.memory_space<vmem>>, vector<1x1xf32>
    %get3A_12 = vector.extract %get3A_11[0, 0] : f32 from vector<1x1xf32>
    %add3A_13 = arith.constant 1.000000e+00 : f32
    %add3A_14 = arith.addf %add3A_13, %get3A_12 : f32
    %get3A_15 = arith.constant 0 : index
    %get3A_16 = arith.constant 0 : index
    %get3A_17 = vector.load %arg0[%get3A_15, %get3A_16] : memref<10000x128xf32, #tpu.memory_space<vmem>>, vector<10000x128xf32>
    %mul3A = vector.broadcast %add3A_14 : f32 to vector<10000x128xf32>
    %mul3A_18 = arith.mulf %mul3A, %get3A_17 : vector<10000x128xf32>
    %add3A_19 = arith.addf %mul3A_18, %add3A : vector<10000x128xf32>
    %get3A_20 = arith.constant 0 : index
    %get3A_21 = arith.constant 0 : index
    %get3A_22 = vector.load %arg2[%get3A_20, %get3A_21] : memref<128x128xf32, #tpu.memory_space<vmem>>, vector<128x128xf32>
    %dot_general3A = arith.constant dense<0.000000e+00> : vector<10000x128xf32>
    %dot_general3A_23 = tpu.matmul %add3A_19, %get3A_22, %dot_general3A {dimension_numbers = #tpu.dot_dimension_numbers<[1], [0], [0], [1], [0, 0, 1, 1], [], []>, transpose_lhs_hint = false} : vector<10000x128xf32>, vector<128x128xf32>, vector<10000x128xf32> -> vector<10000x128xf32>
    %get3A_24 = arith.constant 0 : index
    %get3A_25 = arith.constant 0 : index
    %get3A_26 = vector.load %arg3[%get3A_24, %get3A_25] : memref<1x128xf32, #tpu.memory_space<vmem>>, vector<1x128xf32>
    %add3A_27 = vector.broadcast %get3A_26 : vector<1x128xf32> to vector<10000x128xf32>
    %add3A_28 = arith.addf %dot_general3A_23, %add3A_27 : vector<10000x128xf32>
    %reduce_sum3A = arith.constant dense<0.000000e+00> : vector<128xf32>
    %reduce_sum3A_29 = vector.multi_reduction <add>, %add3A_28, %reduce_sum3A [0] : vector<10000x128xf32> to vector<128xf32>
    %broadcast_in_dim3A = vector.shape_cast %reduce_sum3A_29 : vector<128xf32> to vector<1x128xf32>
    %div3A = arith.constant 1.000000e+04 : f32
    %div3A_30 = vector.broadcast %div3A : f32 to vector<1x128xf32>
    %div3A_31 = arith.divf %broadcast_in_dim3A, %div3A_30 : vector<1x128xf32>
    %mul3A_32 = arith.mulf %add3A_28, %add3A_28 : vector<10000x128xf32>
    %reduce_sum3A_33 = arith.constant dense<0.000000e+00> : vector<128xf32>
    %reduce_sum3A_34 = vector.multi_reduction <add>, %mul3A_32, %reduce_sum3A_33 [0] : vector<10000x128xf32> to vector<128xf32>
    %broadcast_in_dim3A_35 = vector.shape_cast %reduce_sum3A_34 : vector<128xf32> to vector<1x128xf32>
    %div3A_36 = arith.constant 1.000000e+04 : f32
    %div3A_37 = vector.broadcast %div3A_36 : f32 to vector<1x128xf32>
    %div3A_38 = arith.divf %broadcast_in_dim3A_35, %div3A_37 : vector<1x128xf32>
    %mul3A_39 = arith.mulf %div3A_31, %div3A_31 : vector<1x128xf32>
    %sub3A = arith.subf %div3A_38, %mul3A_39 : vector<1x128xf32>
    %add3A_40 = arith.constant 9.99999974E-6 : f32
    %add3A_41 = vector.broadcast %add3A_40 : f32 to vector<1x128xf32>
    %add3A_42 = arith.addf %sub3A, %add3A_41 : vector<1x128xf32>
    %rsqrt3A = math.rsqrt %add3A_42 : vector<1x128xf32>
    %get3A_43 = arith.constant 0 : index
    %get3A_44 = arith.constant 0 : index
    %get3A_45 = vector.load %arg5[%get3A_43, %get3A_44] : memref<1x128xf32, #tpu.memory_space<vmem>>, vector<1x128xf32>
    %mul3A_46 = arith.mulf %rsqrt3A, %get3A_45 : vector<1x128xf32>
    %mul3A_47 = vector.broadcast %mul3A_46 : vector<1x128xf32> to vector<10000x128xf32>
    %mul3A_48 = arith.mulf %add3A_28, %mul3A_47 : vector<10000x128xf32>
    %get3A_49 = arith.constant 0 : index
    %get3A_50 = arith.constant 0 : index
    %get3A_51 = vector.load %arg6[%get3A_49, %get3A_50] : memref<1x128xf32, #tpu.memory_space<vmem>>, vector<1x128xf32>
    %mul3A_52 = arith.mulf %div3A_31, %mul3A_46 : vector<1x128xf32>
    %sub3A_53 = arith.subf %get3A_51, %mul3A_52 : vector<1x128xf32>
    %add3A_54 = vector.broadcast %sub3A_53 : vector<1x128xf32> to vector<10000x128xf32>
    %add3A_55 = arith.addf %mul3A_48, %add3A_54 : vector<10000x128xf32>
    %max3A = arith.constant 0.000000e+00 : f32
    %max3A_56 = vector.broadcast %max3A : f32 to vector<10000x128xf32>
    %max3A_57 = arith.maximumf %add3A_55, %max3A_56 : vector<10000x128xf32>
    %reduce_sum3A_58 = arith.constant dense<0.000000e+00> : vector<128xf32>
    %reduce_sum3A_59 = vector.multi_reduction <add>, %max3A_57, %reduce_sum3A_58 [0] : vector<10000x128xf32> to vector<128xf32>
    %broadcast_in_dim3A_60 = vector.shape_cast %reduce_sum3A_59 : vector<128xf32> to vector<1x128xf32>
    %div3A_61 = arith.constant 1.000000e+04 : f32
    %div3A_62 = vector.broadcast %div3A_61 : f32 to vector<1x128xf32>
    %div3A_63 = arith.divf %broadcast_in_dim3A_60, %div3A_62 : vector<1x128xf32>
    %mul3A_64 = arith.mulf %max3A_57, %max3A_57 : vector<10000x128xf32>
    %reduce_sum3A_65 = arith.constant dense<0.000000e+00> : vector<128xf32>
    %reduce_sum3A_66 = vector.multi_reduction <add>, %mul3A_64, %reduce_sum3A_65 [0] : vector<10000x128xf32> to vector<128xf32>
    %broadcast_in_dim3A_67 = vector.shape_cast %reduce_sum3A_66 : vector<128xf32> to vector<1x128xf32>
    %div3A_68 = arith.constant 1.000000e+04 : f32
    %div3A_69 = vector.broadcast %div3A_68 : f32 to vector<1x128xf32>
    %div3A_70 = arith.divf %broadcast_in_dim3A_67, %div3A_69 : vector<1x128xf32>
    %mul3A_71 = arith.mulf %div3A_63, %div3A_63 : vector<1x128xf32>
    %sub3A_72 = arith.subf %div3A_70, %mul3A_71 : vector<1x128xf32>
    %add3A_73 = arith.constant 9.99999974E-6 : f32
    %add3A_74 = vector.broadcast %add3A_73 : f32 to vector<1x128xf32>
    %add3A_75 = arith.addf %sub3A_72, %add3A_74 : vector<1x128xf32>
    %rsqrt3A_76 = math.rsqrt %add3A_75 : vector<1x128xf32>
    %get3A_77 = arith.constant 0 : index
    %get3A_78 = arith.constant 0 : index
    %get3A_79 = vector.load %arg7[%get3A_77, %get3A_78] : memref<1x128xf32, #tpu.memory_space<vmem>>, vector<1x128xf32>
    %mul3A_80 = arith.mulf %rsqrt3A_76, %get3A_79 : vector<1x128xf32>
    %mul3A_81 = vector.broadcast %mul3A_80 : vector<1x128xf32> to vector<10000x128xf32>
    %mul3A_82 = arith.mulf %max3A_57, %mul3A_81 : vector<10000x128xf32>
    %get3A_83 = arith.constant 0 : index
    %get3A_84 = arith.constant 0 : index
    %get3A_85 = vector.load %arg8[%get3A_83, %get3A_84] : memref<1x128xf32, #tpu.memory_space<vmem>>, vector<1x128xf32>
    %mul3A_86 = arith.mulf %div3A_63, %mul3A_80 : vector<1x128xf32>
    %sub3A_87 = arith.subf %get3A_85, %mul3A_86 : vector<1x128xf32>
    %add3A_88 = vector.broadcast %sub3A_87 : vector<1x128xf32> to vector<10000x128xf32>
    %add3A_89 = arith.addf %mul3A_82, %add3A_88 : vector<10000x128xf32>
    %max3A_90 = arith.constant 0.000000e+00 : f32
    %max3A_91 = vector.broadcast %max3A_90 : f32 to vector<10000x128xf32>
    %max3A_92 = arith.maximumf %add3A_89, %max3A_91 : vector<10000x128xf32>
    %swap3A = arith.constant 0 : index
    %swap3A_93 = arith.constant 0 : index
    %swap3A_94 = vector.load %arg9[%swap3A, %swap3A_93] : memref<10000x128xf32, #tpu.memory_space<vmem>>, vector<10000x128xf32>
    tpu.vector_store %arg9[%swap3A, %swap3A_93], %max3A_92 {strides = array<i32>} : memref<10000x128xf32, #tpu.memory_space<vmem>>, vector<10000x128xf32>,
    return
  }
}

module attributes {stable_mosaic.version = 14 : i64} {
  func.func @_tc_dense(%arg0: memref<10000x128xf32, #tpu.memory_space<vmem>>, %arg1: memref<2x10240x128xf32, #tpu.memory_space<vmem>>, %arg2: memref<128x128xf32, #tpu.memory_space<vmem>>, %arg3: memref<1x128xf32, #tpu.memory_space<vmem>>, %arg4: memref<1x1xf32, #tpu.memory_space<vmem>>, %arg5: memref<1x128xf32, #tpu.memory_space<vmem>>, %arg6: memref<1x128xf32, #tpu.memory_space<vmem>>, %arg7: memref<1x128xf32, #tpu.memory_space<vmem>>, %arg8: memref<1x128xf32, #tpu.memory_space<vmem>>, %arg9: memref<10000x128xf32, #tpu.memory_space<vmem>>) attributes {dimension_semantics = [], scalar_prefetch = 0 : i64, scratch_operands = 0 : i64, tpu.core_type = #tpu.core_type<tc>} {
    %get3A = arith.constant 0 : index
    %get3A_0 = arith.constant 0 : index
    %get3A_1 = arith.constant 0 : index
    %get3A_2 = vector.load %arg1[%get3A, %get3A_0, %get3A_1] : memref<2x10240x128xf32, #tpu.memory_space<vmem>>, vector<1x10000x128xf32>
    %get3A_3 = vector.shape_cast %get3A_2 : vector<1x10000x128xf32> to vector<10000x128xf32>
    %get3A_4 = arith.constant 1 : index
    %get3A_5 = arith.constant 0 : index
    %get3A_6 = arith.constant 0 : index
    %get3A_7 = vector.load %arg1[%get3A_4, %get3A_5, %get3A_6] : memref<2x10240x128xf32, #tpu.memory_space<vmem>>, vector<1x10000x128xf32>
    %get3A_8 = vector.shape_cast %get3A_7 : vector<1x10000x128xf32> to vector<10000x128xf32>
    %add3A = arith.addf %get3A_3, %get3A_8 : vector<10000x128xf32>
    %get3A_9 = arith.constant 0 : index
    %get3A_10 = arith.constant 0 : index
    %get3A_11 = vector.load %arg4[%get3A_9, %get3A_10] : memref<1x1xf32, #tpu.memory_space<vmem>>, vector<1x1xf32>
    %get3A_12 = vector.extract %get3A_11[0, 0] : f32 from vector<1x1xf32>
    %add3A_13 = arith.constant 1.000000e+00 : f32
    %add3A_14 = arith.addf %add3A_13, %get3A_12 : f32
    %get3A_15 = arith.constant 0 : index
    %get3A_16 = arith.constant 0 : index
    %get3A_17 = vector.load %arg0[%get3A_15, %get3A_16] : memref<10000x128xf32, #tpu.memory_space<vmem>>, vector<10000x128xf32>
    %mul3A = vector.broadcast %add3A_14 : f32 to vector<10000x128xf32>
    %mul3A_18 = arith.mulf %mul3A, %get3A_17 : vector<10000x128xf32>
    %add3A_19 = arith.addf %mul3A_18, %add3A : vector<10000x128xf32>
    %get3A_20 = arith.constant 0 : index
    %get3A_21 = arith.constant 0 : index
    %get3A_22 = vector.load %arg2[%get3A_20, %get3A_21] : memref<128x128xf32, #tpu.memory_space<vmem>>, vector<128x128xf32>
    %dot_general3A = arith.constant dense<0.000000e+00> : vector<10000x128xf32>
    %dot_general3A_23 = tpu.matmul %add3A_19, %get3A_22, %dot_general3A {dimension_numbers = #tpu.dot_dimension_numbers<[1], [0], [0], [1], [0, 0, 1, 1], [], []>, transpose_lhs_hint = false} : vector<10000x128xf32>, vector<128x128xf32>, vector<10000x128xf32> -> vector<10000x128xf32>
    %get3A_24 = arith.constant 0 : index
    %get3A_25 = arith.constant 0 : index
    %get3A_26 = vector.load %arg3[%get3A_24, %get3A_25] : memref<1x128xf32, #tpu.memory_space<vmem>>, vector<1x128xf32>
    %add3A_27 = vector.broadcast %get3A_26 : vector<1x128xf32> to vector<10000x128xf32>
    %add3A_28 = arith.addf %dot_general3A_23, %add3A_27 : vector<10000x128xf32>
    %reduce_sum3A = arith.constant dense<0.000000e+00> : vector<128xf32>
    %reduce_sum3A_29 = vector.multi_reduction <add>, %add3A_28, %reduce_sum3A [0] : vector<10000x128xf32> to vector<128xf32>
    %broadcast_in_dim3A = vector.shape_cast %reduce_sum3A_29 : vector<128xf32> to vector<1x128xf32>
    %div3A = arith.constant 1.000000e+04 : f32
    %div3A_30 = vector.broadcast %div3A : f32 to vector<1x128xf32>
    %div3A_31 = arith.divf %broadcast_in_dim3A, %div3A_30 : vector<1x128xf32>
    %mul3A_32 = arith.mulf %add3A_28, %add3A_28 : vector<10000x128xf32>
    %reduce_sum3A_33 = arith.constant dense<0.000000e+00> : vector<128xf32>
    %reduce_sum3A_34 = vector.multi_reduction <add>, %mul3A_32, %reduce_sum3A_33 [0] : vector<10000x128xf32> to vector<128xf32>
    %broadcast_in_dim3A_35 = vector.shape_cast %reduce_sum3A_34 : vector<128xf32> to vector<1x128xf32>
    %div3A_36 = arith.constant 1.000000e+04 : f32
    %div3A_37 = vector.broadcast %div3A_36 : f32 to vector<1x128xf32>
    %div3A_38 = arith.divf %broadcast_in_dim3A_35, %div3A_37 : vector<1x128xf32>
    %mul3A_39 = arith.mulf %div3A_31, %div3A_31 : vector<1x128xf32>
    %sub3A = arith.subf %div3A_38, %mul3A_39 : vector<1x128xf32>
    %add3A_40 = arith.constant 9.99999974E-6 : f32
    %add3A_41 = vector.broadcast %add3A_40 : f32 to vector<1x128xf32>
    %add3A_42 = arith.addf %sub3A, %add3A_41 : vector<1x128xf32>
    %rsqrt3A = math.rsqrt %add3A_42 : vector<1x128xf32>
    %get3A_43 = arith.constant 0 : index
    %get3A_44 = arith.constant 0 : index
    %get3A_45 = vector.load %arg5[%get3A_43, %get3A_44] : memref<1x128xf32, #tpu.memory_space<vmem>>, vector<1x128xf32>
    %mul3A_46 = arith.mulf %rsqrt3A, %get3A_45 : vector<1x128xf32>
    %mul3A_47 = vector.broadcast %mul3A_46 : vector<1x128xf32> to vector<10000x128xf32>
    %mul3A_48 = arith.mulf %add3A_28, %mul3A_47 : vector<10000x128xf32>
    %get3A_49 = arith.constant 0 : index
    %get3A_50 = arith.constant 0 : index
    %get3A_51 = vector.load %arg6[%get3A_49, %get3A_50] : memref<1x128xf32, #tpu.memory_space<vmem>>, vector<1x128xf32>
    %mul3A_52 = arith.mulf %div3A_31, %mul3A_46 : vector<1x128xf32>
    %sub3A_53 = arith.subf %get3A_51, %mul3A_52 : vector<1x128xf32>
    %add3A_54 = vector.broadcast %sub3A_53 : vector<1x128xf32> to vector<10000x128xf32>
    %add3A_55 = arith.addf %mul3A_48, %add3A_54 : vector<10000x128xf32>
    %max3A = arith.constant 0.000000e+00 : f32
    %max3A_56 = vector.broadcast %max3A : f32 to vector<10000x128xf32>
    %max3A_57 = arith.maximumf %add3A_55, %max3A_56 : vector<10000x128xf32>
    %reduce_sum3A_58 = arith.constant dense<0.000000e+00> : vector<128xf32>
    %reduce_sum3A_59 = vector.multi_reduction <add>, %max3A_57, %reduce_sum3A_58 [0] : vector<10000x128xf32> to vector<128xf32>
    %broadcast_in_dim3A_60 = vector.shape_cast %reduce_sum3A_59 : vector<128xf32> to vector<1x128xf32>
    %div3A_61 = arith.constant 1.000000e+04 : f32
    %div3A_62 = vector.broadcast %div3A_61 : f32 to vector<1x128xf32>
    %div3A_63 = arith.divf %broadcast_in_dim3A_60, %div3A_62 : vector<1x128xf32>
    %mul3A_64 = arith.mulf %max3A_57, %max3A_57 : vector<10000x128xf32>
    %reduce_sum3A_65 = arith.constant dense<0.000000e+00> : vector<128xf32>
    %reduce_sum3A_66 = vector.multi_reduction <add>, %mul3A_64, %reduce_sum3A_65 [0] : vector<10000x128xf32> to vector<128xf32>
    %broadcast_in_dim3A_67 = vector.shape_cast %reduce_sum3A_66 : vector<128xf32> to vector<1x128xf32>
    %div3A_68 = arith.constant 1.000000e+04 : f32
    %div3A_69 = vector.broadcast %div3A_68 : f32 to vector<1x128xf32>
    %div3A_70 = arith.divf %broadcast_in_dim3A_67, %div3A_69 : vector<1x128xf32>
    %mul3A_71 = arith.mulf %div3A_63, %div3A_63 : vector<1x128xf32>
    %sub3A_72 = arith.subf %div3A_70, %mul3A_71 : vector<1x128xf32>
    %add3A_73 = arith.constant 9.99999974E-6 : f32
    %add3A_74 = vector.broadcast %add3A_73 : f32 to vector<1x128xf32>
    %add3A_75 = arith.addf %sub3A_72, %add3A_74 : vector<1x128xf32>
    %rsqrt3A_76 = math.rsqrt %add3A_75 : vector<1x128xf32>
    %get3A_77 = arith.constant 0 : index
    %get3A_78 = arith.constant 0 : index
    %get3A_79 = vector.load %arg7[%get3A_77, %get3A_78] : memref<1x128xf32, #tpu.memory_space<vmem>>, vector<1x128xf32>
    %mul3A_80 = arith.mulf %rsqrt3A_76, %get3A_79 : vector<1x128xf32>
    %mul3A_81 = vector.broadcast %mul3A_80 : vector<1x128xf32> to vector<10000x128xf32>
    %mul3A_82 = arith.mulf %max3A_57, %mul3A_81 : vector<10000x128xf32>
    %get3A_83 = arith.constant 0 : index
    %get3A_84 = arith.constant 0 : index
    %get3A_85 = vector.load %arg8[%get3A_83, %get3A_84] : memref<1x128xf32, #tpu.memory_space<vmem>>, vector<1x128xf32>
    %mul3A_86 = arith.mulf %div3A_63, %mul3A_80 : vector<1x128xf32>
    %sub3A_87 = arith.subf %get3A_85, %mul3A_86 : vector<1x128xf32>
    %add3A_88 = vector.broadcast %sub3A_87 : vector<1x128xf32> to vector<10000x128xf32>
    %add3A_89 = arith.addf %mul3A_82, %add3A_88 : vector<10000x128xf32>
    %max3A_90 = arith.constant 0.000000e+00 : f32
    %max3A_91 = vector.broadcast %max3A_90 : f32 to vector<10000x128xf32>
    %max3A_92 = arith.maximumf %add3A_89, %max3A_91 : vector<10000x128xf32>
    %swap3A = arith.constant 0 : index
    %swap3A_93 = arith.constant 0 : index
    %swap3A_94 = vector.load %arg9[%swap3A, %swap3A_93] : memref<10000x128xf32, #tpu.memory_space<vmem>>, vector<10000x128xf32>
    tpu.vector_store %arg9[%swap3A, %swap3A_93], %max3A_92 {strides = array<i32>} : memref<10000x128xf32, #tpu.memory_space<vmem>>, vector<10000x128xf32>,
    return
  }
}

</mosaic_0001>

<sc_bundles>
// kernel: kernel.11.cloned.1.call-start
scs
__scs_entry_jumppad:
0x0: {  	(pc) =	sbr.rel $0x88, $3  }
0x1: {  	(tag) =	ssettag $0x0;
	lr =	simm.s32 $0x1  }
0x2: {  	[smem:$0x3F98] =	sst lr;
	_ =	strace $0xD0000000  }
0x3: {  	_ = 	snop  }
0x4: {  	_ = 	snop  }
0x5: {  	_ = 	snop  }
0x6: {  	_ = 	snop  }
0x7: {  	_ = 	snop  }
__scs_overlays_trampoline_lowered:
0x8: {  	[smem:$0x3FA7] =	sst s0  }
0x9: {  	[smem:$0x3FA8] =	sst s1  }
0xa: {  	[smem:$0x3FA9] =	sst s2  }
0xb: {  	[smem:$0x3FAA] =	sst s3  }
0xc: {  	[smem:$0x3FAB] =	sst s4  }
0xd: {  	[smem:$0x3FAC] =	sst s5  }
0xe: {  	[smem:$0x3FAD] =	sst s6  }
0xf: {  	[smem:$0x3FAE] =	sst s7  }
0x10: {  	[smem:$0x3FAF] =	sst s8  }
0x11: {  	[smem:$0x3FB0] =	sst s9;
	s0 =	simm.s32 @!p0 $0x0  }
0x12: {  	s1 =	sld [smem:$0x3F96];
	s0 =	simm.s32 @p0 $0x1  }
0x13: {  	[smem:$0x3FB1] =	sst s0;
	s0 =	simm.s32 @!p1 $0x0  }
0x14: {  	s2 =	sld [smem:$0x3F95];
	s0 =	simm.s32 @p1 $0x1  }
0x15: {  	[smem:$0x3FB2] =	sst s0;
	s0 =	simm.s32 @!p2 $0x0  }
0x16: {  	s3 =	sld [smem:$0x3FDB];
	s0 =	simm.s32 @p2 $0x1  }
0x17: {  	s4 =	simm.s32 $0x1BF5;
	[smem:$0x3FB4] =	sst s0  }
0x18: {  	s0 =	sld [smem:$0x3F97];
	_ =	swait.ge [sflag:s4], $0x0  }
0x19: {  	s7 =	sld [smem:$0x3F98]  }
0x1a: {  	s8 =	sadd.s32 $0xFFFFE003, lr  }
0x1b: {  	s9 =	sadd.s32 $0xFFFFFEF7, lr;
	s5 =	simm.s32 $0xFFFFFFFF;
	p2 =	slt.u32 s8, $0xFFFFF086  }
0x1c: {  	p1 =	slt.u32 s9, $0xF7A;
	s5 =	simm.s32 @!p2 $0x0  }
0x1d: {  	s5 =	simm.s32 @p1 $0x1;
	p0 =	seq.s32 s7, s2  }
0x1e: {  	s7 =	smul.u32 @!p0 $0xF7A, s2;
	p2 =	seq.s32 @!p0 s5, $0x0  }
0x1f: {  	s9 =	smul.u32 $0xF7A, s1;
	s8 =	simm.s32 @!p0 $0x1BF5;
	p2 =	por !p2, p0  }
0x20: {  	[sflag:s8] =	ssyncset.s32 @!p0 $0xFFFFF086;
	s6 =	sadd.s32 @!p0 s3, s7;
	s7 =	simm.s32 @!p0 $0x108  }
0x21: {  	s3 =	sadd.s32 s3, s9;
	s6 =	sadd.s32 @!p0 $0x88, s6;
	s7 =	simm.s32 @p2 $0x1082  }
0x22: {  	[simem:s7], [sflag:s8] =	dma.local @!p0 [hbm:s6], $0xF7A  }
0x23: {  	s9 =	sor.u32 $0xD0000000, s2;
	s6 =	simm.s32 $0x108;
	_ =	swait.ge @!p0 [sflag:s8], $0x0  }
0x24: {  	s3 =	sadd.s32 $0x88, s3;
	s6 =	simm.s32 @!p1 $0x1082;
	[sflag:s4] =	ssyncset.s32 $0xFFFFF086  }
0x25: {  	[simem:s6], [sflag:s4] =	dma.local [hbm:s3], $0xF7A  }
0x26: {  	[smem:$0x3F98] =	sst s1;
	(tag) =	ssettag s2;
	_ =	strace s9  }
0x27: {  	s1 =	sld [smem:$0x3FA8]  }
0x28: {  	s2 =	sld [smem:$0x3FA9]  }
0x29: {  	s4 =	sld [smem:$0x3FAB]  }
0x2a: {  	p0 =	seq.s32 s5, $0x0;
	s5 =	sld [smem:$0x3FAC]  }
0x2b: {  	s6 =	sld [smem:$0x3FAD]  }
0x2c: {  	s7 =	sld [smem:$0x3FAE]  }
0x2d: {  	s3 =	simm.s32 $0x108;
	s8 =	sld [smem:$0x3FAF]  }
0x2e: {  	s3 =	simm.s32 @!p0 $0x1082;
	s9 =	sld [smem:$0x3FB0]  }
0x2f: {  	lr =	sadd.s32 s0, s3;
	s0 =	sld [smem:$0x3FA7]  }
0x30: {  	s3 =	sld [smem:$0x3FAA]  }
0x31: {  	[smem:$0x3FB3] =	sst s10  }
0x32: {  	s10 =	sld [smem:$0x3FB1];
	_ =	sdelay $0x3  }
0x33: {  	p0 =	seq.s32 s10, $0x1;
	s10 =	sld [smem:$0x3FB3];
	_ =	sdelay $0x3  }
0x34: {  	[smem:$0x3FB3] =	sst s10  }
0x35: {  	s10 =	sld [smem:$0x3FB2];
	_ =	sdelay $0x3  }
0x36: {  	p1 =	seq.s32 s10, $0x1;
	s10 =	sld [smem:$0x3FB3];
	_ =	sdelay $0x3  }
0x37: {  	[smem:$0x3FB3] =	sst s10  }
0x38: {  	s10 =	sld [smem:$0x3FB4]  }
0x39: {  	_ = 	snop;
	(pc) =	sbr.ind lr, $3  }
0x3a: {  	_ = 	snop  }
0x3b: {  	_ = 	snop  }
0x3c: {  	p2 =	seq.s32 s10, $0x1;
	s10 =	sld [smem:$0x3FB3]  }
0x3d: {  	_ =	shalt  }
0x3e: {  	_ =	shalt  }
0x3f: {  	_ =	shalt  }
0x40: {  	_ =	shalt  }
0x41: {  	_ =	shalt  }
0x42: {  	_ =	shalt  }
0x43: {  	_ =	shalt  }
0x44: {  	_ =	shalt  }
0x45: {  	_ =	shalt  }
0x46: {  	_ =	shalt  }
0x47: {  	_ =	shalt  }
0x48: {  	_ =	shalt  }
0x49: {  	_ =	shalt  }
0x4a: {  	_ =	shalt  }
0x4b: {  	_ =	shalt  }
0x4c: {  	_ =	shalt  }
0x4d: {  	_ =	shalt  }
0x4e: {  	_ =	shalt  }
0x4f: {  	_ =	shalt  }
0x50: {  	_ =	shalt  }
0x51: {  	_ =	shalt  }
0x52: {  	_ =	shalt  }
0x53: {  	_ =	shalt  }
0x54: {  	_ =	shalt  }
0x55: {  	_ =	shalt  }
0x56: {  	_ =	shalt  }
0x57: {  	_ =	shalt  }
0x58: {  	_ =	shalt  }
0x59: {  	_ =	shalt  }
0x5a: {  	_ =	shalt  }
0x5b: {  	_ =	shalt  }
0x5c: {  	_ =	shalt  }
0x5d: {  	_ =	shalt  }
0x5e: {  	_ =	shalt  }
0x5f: {  	_ =	shalt  }
0x60: {  	_ =	shalt  }
0x61: {  	_ =	shalt  }
0x62: {  	_ =	shalt  }
0x63: {  	_ =	shalt  }
0x64: {  	_ =	shalt  }
0x65: {  	_ =	shalt  }
0x66: {  	_ =	shalt  }
0x67: {  	_ =	shalt  }
0x68: {  	_ =	shalt  }
0x69: {  	_ =	shalt  }
0x6a: {  	_ =	shalt  }
0x6b: {  	_ =	shalt  }
0x6c: {  	_ =	shalt  }
0x6d: {  	_ =	shalt  }
0x6e: {  	_ =	shalt  }
0x6f: {  	_ =	shalt  }
0x70: {  	_ =	shalt  }
0x71: {  	_ =	shalt  }
0x72: {  	_ =	shalt  }
0x73: {  	_ =	shalt  }
0x74: {  	_ =	shalt  }
0x75: {  	_ =	shalt  }
0x76: {  	_ =	shalt  }
0x77: {  	_ =	shalt  }
0x78: {  	_ =	shalt  }
0x79: {  	_ =	shalt  }
0x7a: {  	_ =	shalt  }
0x7b: {  	_ =	shalt  }
0x7c: {  	_ =	shalt  }
0x7d: {  	_ =	shalt  }
0x7e: {  	_ =	shalt  }
0x7f: {  	_ =	shalt  }
0x80: {  	_ =	shalt  }
0x81: {  	_ =	shalt  }
0x82: {  	_ =	shalt  }
0x83: {  	_ =	shalt  }
0x84: {  	_ =	shalt  }
0x85: {  	_ =	shalt  }
0x86: {  	_ =	shalt  }
0x87: {  	_ =	shalt  }
.Lfunc_end0:
.L_simem_size_0:
called_computation.1_lowered:
.L_overlay_start_0:
0x88: {  	s2 =	sld [smem:$0x3FD9]  }
0x89: {  	s3 =	sld [smem:$0x3FFE];
	_ =	sdelay $0x1  }
0x8a: {  	s1 =	srdreg.scid  }
0x8b: {  	s0 =	sand.u32 $0x1, s1  }
0x8c: {  	s17 =	sshll.u32 s0, $0xA;
	s2 =	sadd.s32 s3, s2  }
0x8d: {  	s2 =	sadd.s32 s2, s17  }
0x8e: {  	[smem:$0x3FBF] =	sst s2  }
0x8f: {  	_ = 	snop  }
0x90: {  	s2 =	sld [smem:$0x3FD0];
	(tm) =	ssettm $0x1  }
0x91: {  	s18 =	sld [smem:$0x3FFB];
	_ =	sdelay $0x3  }
0x92: {  	_ =	strace s18  }
0x93: {  	s3 =	sld [smem:$0x3FFC];
	_ =	sdelay $0x3  }
0x94: {  	_ =	strace s3  }
0x95: {  	s3 =	sld [smem:$0x3FFD];
	_ =	sdelay $0x3  }
0x96: {  	_ =	strace s3  }
0x97: {  	_ =	strace $0x8FFFFFFF  }
0x98: {  	s19 =	sld [smem:$0x3FDB];
	_ =	sdelay $0x1  }
0x99: {  	s4 =	simm.s32 $_scs_section_size  }
0x9a: {  	s5 =	simm.s32 $_size__tile_overlayer_lowered;
	s6 =	simm.s32 $_tile_overlayer_lowered  }
0x9b: {  	s22 =	simm.s32 $0x1BFF;
	s21 =	sshll.u32 s6, $0x1;
	s3 =	sadd.s32 s4, s19  }
0x9c: {  	s7 =	simm.s32 $0x0;
	s20 =	sshll.u32 s5, $0x1;
	s5 =	sadd.s32 s21, s3  }
0x9d: {  	[timem:s7], [sflag:s22] =	dma.local [hbm:s5], s20  }
0x9e: {  	_ =	swait.ge [sflag:s22], s20  }
0x9f: {  	s4 =	ssub.s32 $0x0, s20;
	[sflag:s22] =	ssyncset.done $0x0  }
0xa0: {  	[sflag:s22] =	ssyncadd.s32 s4;
	_ =	sdelay $0x1  }
0xa1: {  	s23 =	simm.s32 $0x1B8B  }
0xa2: {  	_ =	swait.ge [sflag:s23], $0x1  }
0xa3: {  	[sflag:s23] =	ssyncset.done $0x0  }
0xa4: {  	s25 =	simm.s32 $0x1B8E;
	s24 =	sld [smem:$0x3FFE];
	[sflag:s23] =	ssyncadd.s32 $0xFFFFFFFF  }
0xa5: {  	s26 =	simm.s32 $execute0_lowered;
	[smem:$0x3FD2] =	sst s25  }
0xa6: {  	s5 =	sshll.u32 s26, $0x1;
	_ =	strace $0x80000049;
	[dreg:$0x1] =	wrdreg $0xFFFFFFFF  }
0xa7: {  	s28 =	simm.s32 $_size_execute0_lowered;
	s3 =	sadd.s32 s3, s5;
	[dreg:$0x0] =	wrdreg $0x0  }
0xa8: {  	s5 =	sshll.u32 s28, $0x1;
	[dreg:$0x2] =	wrdreg s3  }
0xa9: {  	[dreg:$0x3] =	wrdreg s5  }
0xaa: {  	[dreg:$0x4] =	wrdreg $0xC0  }
0xab: {  	_ =	task [dreg:s7], $0x5FFFF  }
0xac: {  	[dreg:$0x1] =	wrdreg $0xFFFFFFFF  }
0xad: {  	[dreg:$0x0] =	wrdreg $0x60  }
0xae: {  	[dreg:$0x2] =	wrdreg s2  }
0xaf: {  	[dreg:$0x3] =	wrdreg s24  }
0xb0: {  	[dreg:$0x4] =	wrdreg $0xA8000  }
0xb1: {  	[dreg:$0x5] =	wrdreg $0x9  }
0xb2: {  	_ =	task.clear_ibuf [dreg:s7], $0x6FFFF;
	_ =	strace $0x90000049  }
0xb3: {  	s29 =	simm.s32 $0x9;
	_ =	strace $0x8000004B  }
0xb4: {  	_ =	swait.ge [sflag:s29], $0x1  }
0xb5: {  	[sflag:s29] =	ssyncadd.s32 $0xFFFFFFFF  }
0xb6: {  	_ =	strace $0x9000004B  }
0xb7: {  	_ =	sfence  }
0xb8: {  	s30 =	sld [smem:$0x0];
	_ =	sdelay $0x2  }
0xb9: {  	s31 =	sshll.u32 s1, $0xD;
	s1 =	sshrl.u32 s1, $0x2  }
0xba: {  	s3 =	sand.u32 $0x4000, s31;
	s1 =	sadd.s32 s1, s30  }
0xbb: {  	s0 =	sor.u32 s3, s0;
	s1 =	sshll.u32 s1, $0x11  }
0xbc: {  	s0 =	sor.u32 s1, s0  }
0xbd: {  	s0 =	sadd.s32 $0x8F2B, s0  }
0xbe: {  	[sflag:s0] =	ssyncadd.remote.s32 $0x1  }
0xbf: {  	_ =	sfence.sel $0xFFFF  }
0xc0: {  	[dreg:$0x0] =	wrdreg $0xFFFFFFFF;
	(pc) =	sbr.abs _section_cstart, $3  }
0xc1: {  	[dreg:$0x1] =	wrdreg $0xFFFFFFFF  }
0xc2: {  	_ =	task.clear_ibuf [dreg:s7], $0x2FFFF;
	_ =	strace $0x9FFFFFFF  }
0xc3: {  	(tm) =	ssettm $0x7FFFFFFF  }
tec
execute0_lowered:
.L_overlay_start_1:
0x0: {  	(tag) =	ssettag $0x1  }
0x1: {  	s1 =	rddreg [dreg:$0x0]  }
0x2: {  	s5 =	rddreg [dreg:$0x1]  }
0x3: {  	s3 =	rddreg [dreg:$0x2]  }
0x4: {  	s0 =	rddreg [dreg:$0x3];
	s4 =	simm.s32 $0x0;
	s2 =	stileid.u32  }
0x5: {  	s7 =	srdreg.scid;
	s15 =	simm.s32 $0x2800;
	s16 =	simm.s32 $0x6800  }
0x6: {  	s19 =	simm.s32 $0x1;
	s20 =	simm.s32 $0x2;
	s21 =	simm.s32 $0x2600  }
0x7: {  	s22 =	simm.s32 $0x1300;
	s23 =	simm.s32 $0x2680;
	s24 =	simm.s32 $0x1380  }
0x8: {  	s25 =	simm.s32 $0x2700;
	s28 =	simm.s32 $0x0;
	[smem:$0x7FF] =	sst s4  }
0x9: {  	s6 =	smul.u32 $0x14000, s2;
	s8 =	sadd.s32 $0x3400, s5;
	s7 =	sand.u32 $0x1, s7  }
0xa: {  	s11 =	sshll.u32 s2, $0x1;
	s12 =	sadd.s32 $0xD400, s5;
	s13 =	smul.u32 $0x50000, s2  }
0xb: {  	s17 =	sshll.u32 s2, $0x6;
	_ =	strace $0x8000004A;
	s10 =	smul.u32 $0x140000, s7  }
0xc: {  	s11 =	sor.u32 s7, s11;
	s7 =	ssub.s32 $0x2, s7;
	s17 =	sor.u32 $0x1C03, s17  }
0xd: {  	s9 =	sshrl.u32 s6, $0x3;
	s26 =	smul.u32 $0x2800, s11;
	s29 =	sshrl.u32 s7, $0x1  }
0xe: {  	s30 =	sshrl.u32 s13, $0x2;
	s13 =	simm.s32 $0x1400;
	s9 =	sadd.s32 s9, s5  }
0xf: {  	s6 =	sadd.s32 s6, s10;
	s11 =	ssub.s32 s7, s29;
	s18 =	sadd.s32 s30, s3  }
0x10: {  	s6 =	sshrl.u32 s6, $0x3;
	s10 =	sshrl.u32 s26, $0x3;
	s7 =	sadd.s32 $0x17400, s9  }
0x11: {  	s11 =	smax.u32 s11, $0x1;
	s18 =	sshrl.u32 s18, $0x3;
	s26 =	simm.s32 $0x2780  }
0x12: {  	s14 =	sadd.s32 s6, s5;
	s5 =	sadd.s32 s8, s10;
	s31 =	sadd.s32 $0x280, s10  }
0x13: {  	s6 =	sadd.s32 s12, s10;
	s8 =	sadd.s32 s8, s31;
	s9 =	sadd.s32 s12, s31  }
0x14: {  	s10 =	sadd.s32 $0x3F400, s14;
	s12 =	simm.s32 $0x3;
	s14 =	simm.s32 $0x80  }
.LBB2_1:
0x15: {  	[tilespmem:s4], [sflag:$0x3] =	stream.linear.gather [hbm4b:s5+s4], $0x1400, $0x38;
	[tilespmem:$0x1E800] =	vst v63  }
0x16: {  	_ =	swait.ge [sflag:s12], $0x1400  }
0x17: {  	[sflag:s12] =	ssyncset.done $0x0  }
0x18: {  	[sflag:s12] =	ssyncadd.s32 $0xFFFFEC00  }
0x19: {  	[tilespmem:s13], [sflag:$0x3] =	stream.linear.gather [hbm4b:s6+s4], $0x1400, $0x38;
	[tilespmem:$0x1E800] =	vst v63  }
0x1a: {  	_ =	swait.ge [sflag:s12], $0x1400  }
0x1b: {  	[sflag:s12] =	ssyncset.done $0x0  }
0x1c: {  	[sflag:s12] =	ssyncadd.s32 $0xFFFFEC00  }
0x1d: {  	[tilespmem:s15], [sflag:$0x1] =	stream.indirect.gather [hbm4b:s1+s14], $0x80, s4, s14, $0xb8;
	[tilespmem:$0x1E800] =	vst v63  }
0x1e: {  	_ = 	snop  }
0x1f: {  	[tilespmem:s16], [sflag:$0x2] =	stream.indirect.gather [hbm4b:s1+s14], $0x80, s14, s14, $0xb8;
	[tilespmem:$0x1E800] =	vst v63  }
0x20: {  	[spmem:s18], [sflag:s17] =	dma.local [hbm:s7], $0x2800  }
0x21: {  	_ =	swait.ge [sflag:s12], $0x2800  }
0x22: {  	[sflag:s12] =	ssyncset.done $0x0  }
0x23: {  	[sflag:s12] =	ssyncadd.s32 $0xFFFFD800  }
0x24: {  	[bflag:$0x0] =	sbarrier.arrive $0xFFFF  }
0x25: {  	_ =	swait.ge [sflag:s19], $0x4000  }
0x26: {  	[sflag:s19] =	ssyncset.done $0x0  }
0x27: {  	s29 =	simm.s32 $0x1400;
	[sflag:s19] =	ssyncadd.s32 $0xFFFFC000  }
0x28: {  	[spmem:s3] =	stream.indirect.scatter.add.f32 [tilespmem:s15], [sflag:$0x3], $0x80, s29, s14, $0xb8;
	[tilespmem:$0x1E800] =	vst v63  }
0x29: {  	_ =	swait.ge [sflag:s12], $0x4000  }
0x2a: {  	[sflag:s12] =	ssyncset.done $0x0  }
0x2b: {  	s29 =	simm.s32 $0x100;
	[sflag:s12] =	ssyncadd.s32 $0xFFFFC000  }
0x2c: {  	[tilespmem:s15], [sflag:$0x1] =	stream.indirect.gather [hbm4b:s1+s14], $0x80, s29, s14, $0xb8;
	[tilespmem:$0x1E800] =	vst v63  }
0x2d: {  	_ =	swait.ge [sflag:s20], $0x4000  }
0x2e: {  	[sflag:s20] =	ssyncset.done $0x0  }
0x2f: {  	s29 =	simm.s32 $0x1480;
	[sflag:s20] =	ssyncadd.s32 $0xFFFFC000  }
0x30: {  	[spmem:s3] =	stream.indirect.scatter.add.f32 [tilespmem:s16], [sflag:$0x3], $0x80, s29, s14, $0xb8;
	[tilespmem:$0x1E800] =	vst v63  }
0x31: {  	_ =	swait.ge [sflag:s12], $0x4000  }
0x32: {  	[sflag:s12] =	ssyncset.done $0x0  }
0x33: {  	s30 =	simm.s32 $0x180;
	s29 =	simm.s32 $0x400;
	[sflag:s12] =	ssyncadd.s32 $0xFFFFC000  }
.LBB2_2:
0x34: {  	[tilespmem:s16], [sflag:$0x2] =	stream.indirect.gather [hbm4b:s1+s14], $0x80, s30, s14, $0xb8;
	[tilespmem:$0x1E800] =	vst v63  }
0x35: {  	s30 =	smov.u32 s29  }
0x36: {  	p0 =	sne.s32 s29, $0x4400;
	s29 =	sadd.s32 $0x400, s29;
	_ =	swait.ge [sflag:s19], $0x4000  }
0x37: {  	s30 =	sshra.s32 s30, $0x2;
	[sflag:s19] =	ssyncset.done $0x0  }
0x38: {  	s31 =	sadd.s32 $0x1400, s30;
	[sflag:s19] =	ssyncadd.s32 $0xFFFFC000  }
0x39: {  	[spmem:s3] =	stream.indirect.scatter.add.f32 [tilespmem:s15], [sflag:$0x3], $0x80, s31, s14, $0xb8;
	[tilespmem:$0x1E800] =	vst v63  }
0x3a: {  	_ =	swait.ge [sflag:s12], $0x4000  }
0x3b: {  	[sflag:s12] =	ssyncset.done $0x0  }
0x3c: {  	s31 =	sadd.s32 $0x100, s30;
	[sflag:s12] =	ssyncadd.s32 $0xFFFFC000  }
0x3d: {  	[tilespmem:s15], [sflag:$0x1] =	stream.indirect.gather [hbm4b:s1+s14], $0x80, s31, s14, $0xb8;
	[tilespmem:$0x1E800] =	vst v63  }
0x3e: {  	_ =	swait.ge [sflag:s20], $0x4000  }
0x3f: {  	[sflag:s20] =	ssyncset.done $0x0  }
.Ltmp0:
0x40: {  	s31 =	sadd.s32 $0x1480, s30;
	[sflag:s20] =	ssyncadd.s32 $0xFFFFC000;
	(pc) =	sbr.rel @p0 .LBB2_2-.Ltmp0, $4  }
0x41: {  	[spmem:s3] =	stream.indirect.scatter.add.f32 [tilespmem:s16], [sflag:$0x3], $0x80, s31, s14, $0xb8;
	[tilespmem:$0x1E800] =	vst v63  }
0x42: {  	_ =	swait.ge [sflag:s12], $0x4000  }
0x43: {  	[sflag:s12] =	ssyncset.done $0x0  }
0x44: {  	s30 =	sadd.s32 $0x180, s30;
	[sflag:s12] =	ssyncadd.s32 $0xFFFFC000  }
0x45: {  	[tilespmem:s16], [sflag:$0x2] =	stream.indirect.gather [hbm4b:s1+s14], $0x80, s30, s14, $0xb8;
	[tilespmem:$0x1E800] =	vst v63  }
0x46: {  	_ =	swait.ge [sflag:s19], $0x4000  }
0x47: {  	[sflag:s19] =	ssyncset.done $0x0  }
0x48: {  	[sflag:s19] =	ssyncadd.s32 $0xFFFFC000  }
0x49: {  	[spmem:s3] =	stream.indirect.scatter.add.f32 [tilespmem:s15], [sflag:$0x3], $0x80, s21, s14, $0xb8;
	[tilespmem:$0x1E800] =	vst v63  }
0x4a: {  	_ =	swait.ge [sflag:s12], $0x4000  }
0x4b: {  	[sflag:s12] =	ssyncset.done $0x0  }
0x4c: {  	[sflag:s12] =	ssyncadd.s32 $0xFFFFC000  }
0x4d: {  	[tilespmem:s15], [sflag:$0x1] =	stream.indirect.gather [hbm4b:s1+s14], $0x80, s22, s14, $0xb8;
	[tilespmem:$0x1E800] =	vst v63  }
0x4e: {  	_ =	swait.ge [sflag:s20], $0x4000  }
0x4f: {  	[sflag:s20] =	ssyncset.done $0x0  }
0x50: {  	[sflag:s20] =	ssyncadd.s32 $0xFFFFC000  }
0x51: {  	[spmem:s3] =	stream.indirect.scatter.add.f32 [tilespmem:s16], [sflag:$0x3], $0x80, s23, s14, $0xb8;
	[tilespmem:$0x1E800] =	vst v63  }
0x52: {  	_ =	swait.ge [sflag:s12], $0x4000  }
0x53: {  	[sflag:s12] =	ssyncset.done $0x0  }
0x54: {  	[sflag:s12] =	ssyncadd.s32 $0xFFFFC000  }
0x55: {  	[tilespmem:s16], [sflag:$0x2] =	stream.indirect.gather [hbm4b:s1+s14], $0x80, s24, s14, $0xb8;
	[tilespmem:$0x1E800] =	vst v63  }
0x56: {  	_ =	swait.ge [sflag:s19], $0x4000  }
0x57: {  	[sflag:s19] =	ssyncset.done $0x0  }
0x58: {  	[sflag:s19] =	ssyncadd.s32 $0xFFFFC000  }
0x59: {  	[spmem:s3] =	stream.indirect.scatter.add.f32 [tilespmem:s15], [sflag:$0x3], $0x80, s25, s14, $0xb8;
	[tilespmem:$0x1E800] =	vst v63  }
0x5a: {  	_ =	swait.ge [sflag:s12], $0x4000  }
0x5b: {  	[sflag:s12] =	ssyncset.done $0x0  }
0x5c: {  	[sflag:s12] =	ssyncadd.s32 $0xFFFFC000  }
0x5d: {  	[tilespmem:s15], [sflag:$0x1] =	stream.indirect.gather [hbm4b:s1+s14], $0x80, s24, s14, $0xb8;
	[tilespmem:$0x1E800] =	vst v63  }
0x5e: {  	_ =	swait.ge [sflag:s20], $0x4000  }
0x5f: {  	[sflag:s20] =	ssyncset.done $0x0  }
0x60: {  	[sflag:s20] =	ssyncadd.s32 $0xFFFFC000  }
0x61: {  	[spmem:s3] =	stream.indirect.scatter.add.f32 [tilespmem:s16], [sflag:$0x3], $0x80, s26, s14, $0xb8;
	[tilespmem:$0x1E800] =	vst v63  }
0x62: {  	_ =	swait.ge [sflag:s12], $0x4000  }
0x63: {  	[sflag:s12] =	ssyncset.done $0x0  }
0x64: {  	[sflag:s12] =	ssyncadd.s32 $0xFFFFC000  }
0x65: {  	[tilespmem:s16], [sflag:$0x2] =	stream.indirect.gather [hbm4b:s1+s14], $0x80, s24, s14, $0xb8;
	[tilespmem:$0x1E800] =	vst v63  }
0x66: {  	_ =	swait.ge [sflag:s19], $0x4000  }
0x67: {  	[sflag:s19] =	ssyncset.done $0x0  }
0x68: {  	[sflag:s19] =	ssyncadd.s32 $0xFFFFC000  }
0x69: {  	_ =	swait.ge [sflag:s20], $0x4000  }
0x6a: {  	[sflag:s20] =	ssyncset.done $0x0  }
0x6b: {  	s29 =	simm.s32 $0x0;
	[sflag:s20] =	ssyncadd.s32 $0xFFFFC000  }
0x6c: {  	[tilespmem:s29], [sflag:$0x3] =	stream.linear.gather [hbm4b:s8+s29], $0x1400, $0x38;
	[tilespmem:$0x1E800] =	vst v63  }
0x6d: {  	_ =	swait.ge [sflag:s12], $0x1400  }
0x6e: {  	[sflag:s12] =	ssyncset.done $0x0  }
0x6f: {  	[sflag:s12] =	ssyncadd.s32 $0xFFFFEC00  }
0x70: {  	[tilespmem:s13], [sflag:$0x3] =	stream.linear.gather [hbm4b:s9+s29], $0x1400, $0x38;
	[tilespmem:$0x1E800] =	vst v63  }
0x71: {  	_ =	swait.ge [sflag:s12], $0x1400  }
0x72: {  	[sflag:s12] =	ssyncset.done $0x0  }
0x73: {  	[sflag:s12] =	ssyncadd.s32 $0xFFFFEC00  }
0x74: {  	[tilespmem:s15], [sflag:$0x1] =	stream.indirect.gather [hbm4b:s1+s14], $0x80, s29, s14, $0xb8;
	[tilespmem:$0x1E800] =	vst v63  }
0x75: {  	_ = 	snop  }
0x76: {  	[tilespmem:s16], [sflag:$0x2] =	stream.indirect.gather [hbm4b:s1+s14], $0x80, s14, s14, $0xb8;
	[tilespmem:$0x1E800] =	vst v63  }
0x77: {  	_ =	swait.ge [sflag:s19], $0x4000  }
0x78: {  	[sflag:s19] =	ssyncset.done $0x0  }
0x79: {  	s29 =	simm.s32 $0x1400;
	[sflag:s19] =	ssyncadd.s32 $0xFFFFC000  }
0x7a: {  	[spmem:s3] =	stream.indirect.scatter.add.f32 [tilespmem:s15], [sflag:$0x3], $0x80, s29, s14, $0xb8;
	[tilespmem:$0x1E800] =	vst v63  }
0x7b: {  	_ =	swait.ge [sflag:s12], $0x4000  }
0x7c: {  	[sflag:s12] =	ssyncset.done $0x0  }
0x7d: {  	s29 =	simm.s32 $0x100;
	[sflag:s12] =	ssyncadd.s32 $0xFFFFC000  }
0x7e: {  	[tilespmem:s15], [sflag:$0x1] =	stream.indirect.gather [hbm4b:s1+s14], $0x80, s29, s14, $0xb8;
	[tilespmem:$0x1E800] =	vst v63  }
0x7f: {  	_ =	swait.ge [sflag:s20], $0x4000  }
0x80: {  	[sflag:s20] =	ssyncset.done $0x0  }
0x81: {  	s29 =	simm.s32 $0x1480;
	[sflag:s20] =	ssyncadd.s32 $0xFFFFC000  }
0x82: {  	[spmem:s3] =	stream.indirect.scatter.add.f32 [tilespmem:s16], [sflag:$0x3], $0x80, s29, s14, $0xb8;
	[tilespmem:$0x1E800] =	vst v63  }
0x83: {  	_ =	swait.ge [sflag:s12], $0x4000  }
0x84: {  	[sflag:s12] =	ssyncset.done $0x0  }
0x85: {  	s30 =	simm.s32 $0x180;
	s29 =	simm.s32 $0x400;
	[sflag:s12] =	ssyncadd.s32 $0xFFFFC000  }
.LBB2_4:
0x86: {  	[tilespmem:s16], [sflag:$0x2] =	stream.indirect.gather [hbm4b:s1+s14], $0x80, s30, s14, $0xb8;
	[tilespmem:$0x1E800] =	vst v63  }
0x87: {  	s30 =	smov.u32 s29  }
0x88: {  	p0 =	sne.s32 s29, $0x4400;
	s29 =	sadd.s32 $0x400, s29;
	_ =	swait.ge [sflag:s19], $0x4000  }
0x89: {  	s30 =	sshra.s32 s30, $0x2;
	[sflag:s19] =	ssyncset.done $0x0  }
0x8a: {  	s31 =	sadd.s32 $0x1400, s30;
	[sflag:s19] =	ssyncadd.s32 $0xFFFFC000  }
0x8b: {  	[spmem:s3] =	stream.indirect.scatter.add.f32 [tilespmem:s15], [sflag:$0x3], $0x80, s31, s14, $0xb8;
	[tilespmem:$0x1E800] =	vst v63  }
0x8c: {  	_ =	swait.ge [sflag:s12], $0x4000  }
0x8d: {  	[sflag:s12] =	ssyncset.done $0x0  }
0x8e: {  	s31 =	sadd.s32 $0x100, s30;
	[sflag:s12] =	ssyncadd.s32 $0xFFFFC000  }
0x8f: {  	[tilespmem:s15], [sflag:$0x1] =	stream.indirect.gather [hbm4b:s1+s14], $0x80, s31, s14, $0xb8;
	[tilespmem:$0x1E800] =	vst v63  }
0x90: {  	_ =	swait.ge [sflag:s20], $0x4000  }
0x91: {  	[sflag:s20] =	ssyncset.done $0x0  }
.Ltmp1:
0x92: {  	s31 =	sadd.s32 $0x1480, s30;
	[sflag:s20] =	ssyncadd.s32 $0xFFFFC000;
	(pc) =	sbr.rel @p0 .LBB2_4-.Ltmp1, $4  }
0x93: {  	[spmem:s3] =	stream.indirect.scatter.add.f32 [tilespmem:s16], [sflag:$0x3], $0x80, s31, s14, $0xb8;
	[tilespmem:$0x1E800] =	vst v63  }
0x94: {  	_ =	swait.ge [sflag:s12], $0x4000  }
0x95: {  	[sflag:s12] =	ssyncset.done $0x0  }
0x96: {  	s30 =	sadd.s32 $0x180, s30;
	[sflag:s12] =	ssyncadd.s32 $0xFFFFC000  }
0x97: {  	[tilespmem:s16], [sflag:$0x2] =	stream.indirect.gather [hbm4b:s1+s14], $0x80, s30, s14, $0xb8;
	[tilespmem:$0x1E800] =	vst v63  }
0x98: {  	_ =	swait.ge [sflag:s19], $0x4000  }
0x99: {  	[sflag:s19] =	ssyncset.done $0x0  }
0x9a: {  	[sflag:s19] =	ssyncadd.s32 $0xFFFFC000  }
0x9b: {  	[spmem:s3] =	stream.indirect.scatter.add.f32 [tilespmem:s15], [sflag:$0x3], $0x80, s21, s14, $0xb8;
	[tilespmem:$0x1E800] =	vst v63  }
0x9c: {  	_ =	swait.ge [sflag:s12], $0x4000  }
0x9d: {  	[sflag:s12] =	ssyncset.done $0x0  }
0x9e: {  	[sflag:s12] =	ssyncadd.s32 $0xFFFFC000  }
0x9f: {  	[tilespmem:s15], [sflag:$0x1] =	stream.indirect.gather [hbm4b:s1+s14], $0x80, s22, s14, $0xb8;
	[tilespmem:$0x1E800] =	vst v63  }
0xa0: {  	_ =	swait.ge [sflag:s20], $0x4000  }
0xa1: {  	[sflag:s20] =	ssyncset.done $0x0  }
0xa2: {  	[sflag:s20] =	ssyncadd.s32 $0xFFFFC000  }
0xa3: {  	[spmem:s3] =	stream.indirect.scatter.add.f32 [tilespmem:s16], [sflag:$0x3], $0x80, s23, s14, $0xb8;
	[tilespmem:$0x1E800] =	vst v63  }
0xa4: {  	_ =	swait.ge [sflag:s12], $0x4000  }
0xa5: {  	[sflag:s12] =	ssyncset.done $0x0  }
0xa6: {  	[sflag:s12] =	ssyncadd.s32 $0xFFFFC000  }
0xa7: {  	[tilespmem:s16], [sflag:$0x2] =	stream.indirect.gather [hbm4b:s1+s14], $0x80, s24, s14, $0xb8;
	[tilespmem:$0x1E800] =	vst v63  }
0xa8: {  	_ =	swait.ge [sflag:s19], $0x4000  }
0xa9: {  	[sflag:s19] =	ssyncset.done $0x0  }
0xaa: {  	[sflag:s19] =	ssyncadd.s32 $0xFFFFC000  }
0xab: {  	[spmem:s3] =	stream.indirect.scatter.add.f32 [tilespmem:s15], [sflag:$0x3], $0x80, s25, s14, $0xb8;
	[tilespmem:$0x1E800] =	vst v63  }
0xac: {  	_ =	swait.ge [sflag:s12], $0x4000  }
0xad: {  	[sflag:s12] =	ssyncset.done $0x0  }
0xae: {  	[sflag:s12] =	ssyncadd.s32 $0xFFFFC000  }
0xaf: {  	[tilespmem:s15], [sflag:$0x1] =	stream.indirect.gather [hbm4b:s1+s14], $0x80, s24, s14, $0xb8;
	[tilespmem:$0x1E800] =	vst v63  }
0xb0: {  	_ =	swait.ge [sflag:s20], $0x4000  }
0xb1: {  	[sflag:s20] =	ssyncset.done $0x0  }
0xb2: {  	[sflag:s20] =	ssyncadd.s32 $0xFFFFC000  }
0xb3: {  	[spmem:s3] =	stream.indirect.scatter.add.f32 [tilespmem:s16], [sflag:$0x3], $0x80, s26, s14, $0xb8;
	[tilespmem:$0x1E800] =	vst v63  }
0xb4: {  	_ =	swait.ge [sflag:s12], $0x4000  }
0xb5: {  	[sflag:s12] =	ssyncset.done $0x0  }
0xb6: {  	[sflag:s12] =	ssyncadd.s32 $0xFFFFC000  }
0xb7: {  	[tilespmem:s16], [sflag:$0x2] =	stream.indirect.gather [hbm4b:s1+s14], $0x80, s24, s14, $0xb8;
	[tilespmem:$0x1E800] =	vst v63  }
0xb8: {  	_ =	swait.ge [sflag:s19], $0x4000  }
0xb9: {  	[sflag:s19] =	ssyncset.done $0x0  }
0xba: {  	[sflag:s19] =	ssyncadd.s32 $0xFFFFC000  }
0xbb: {  	_ =	swait.ge [sflag:s20], $0x4000  }
0xbc: {  	s28 =	sadd.s32 $0x1, s28;
	[sflag:s20] =	ssyncset.done $0x0  }
0xbd: {  	p0 =	sne.s32 s28, s11;
	[sflag:s20] =	ssyncadd.s32 $0xFFFFC000  }
.Ltmp2:
0xbe: {  	[bflag:$0x0] =	sbarrier.arrive $0xFFFF;
	(pc) =	sbr.rel @p0 .LBB2_1-.Ltmp2, $4  }
0xbf: {  	[hbm:s10], [sflag:s17] =	dma.local [spmem:s18], $0x2800  }
0xc0: {  	_ =	swait.ge [sflag:s12], $0x2800  }
0xc1: {  	[sflag:s12] =	ssyncset.done $0x0  }
0xc2: {  	[sflag:s12] =	ssyncadd.s32 $0xFFFFD800  }
0xc3: {  	_ =	sfence.sel $0x180000  }
0xc4: {  	[bflag:$0x0] =	sbarrier.arrive $0xFFFF  }
0xc5: {  	p0 =	sne.s32 s2, $0x0;
	_ =	strace $0x9000004A  }
0xc6: {  	s0 =	sadd.s32 @!p0 $0x100000, s0;
	[bflag:$0x2] =	sbarrier.arrive $0xFFFF  }
0xc7: {  	[sflag:s0] =	ssyncadd.tile.s32 @!p0 $0x1;
	_ =	shalt  }
.Lfunc_end2:
_tile_overlayer_lowered:
.L_overlay_start_2:
0xc8: {  	(tag) =	ssettag $0x2  }
0xc9: {  	s0 =	rddreg [dreg:$0x0];
	s2 =	stileid.u32  }
0xca: {  	s1 =	rddreg [dreg:$0x1];
	p0 =	sne.s32 s2, $0x0  }
0xcb: {  	s3 =	rddreg [dreg:$0x2];
	[bflag:$0x3] =	sbarrier.arrive $0xFFFF;
	s2 =	simm.s32 @!p0 $0x1C03  }
0xcc: {  	[timem:s3], [sflag:s2] =	dma.local @!p0 [hbm:s0], s1  }
0xcd: {  	s0 =	simm.s32 @!p0 $0x3  }
0xce: {  	_ =	swait.ge @!p0 [sflag:s0], s1  }
0xcf: {  	s1 =	ssub.s32 @!p0 $0x0, s1;
	[sflag:s0] =	ssyncset.done @!p0 $0x0  }
0xd0: {  	[sflag:s0] =	ssyncadd.s32 @!p0 s1  }
0xd1: {  	[bflag:$0x3] =	sbarrier.arrive $0xFFFF  }
0xd2: {  	_ =	shalt  }

// kernel: kernel.14.cloned.1.call-start
scs
__scs_entry_jumppad:
0x0: {  	(pc) =	sbr.rel $0x88, $3  }
0x1: {  	(tag) =	ssettag $0x0;
	lr =	simm.s32 $0x1  }
0x2: {  	[smem:$0x3F98] =	sst lr;
	_ =	strace $0xD0000000  }
0x3: {  	_ = 	snop  }
0x4: {  	_ = 	snop  }
0x5: {  	_ = 	snop  }
0x6: {  	_ = 	snop  }
0x7: {  	_ = 	snop  }
__scs_overlays_trampoline_lowered:
0x8: {  	[smem:$0x3FA7] =	sst s0  }
0x9: {  	[smem:$0x3FA8] =	sst s1  }
0xa: {  	[smem:$0x3FA9] =	sst s2  }
0xb: {  	[smem:$0x3FAA] =	sst s3  }
0xc: {  	[smem:$0x3FAB] =	sst s4  }
0xd: {  	[smem:$0x3FAC] =	sst s5  }
0xe: {  	[smem:$0x3FAD] =	sst s6  }
0xf: {  	[smem:$0x3FAE] =	sst s7  }
0x10: {  	[smem:$0x3FAF] =	sst s8  }
0x11: {  	[smem:$0x3FB0] =	sst s9;
	s0 =	simm.s32 @!p0 $0x0  }
0x12: {  	s1 =	sld [smem:$0x3F96];
	s0 =	simm.s32 @p0 $0x1  }
0x13: {  	[smem:$0x3FB1] =	sst s0;
	s0 =	simm.s32 @!p1 $0x0  }
0x14: {  	s2 =	sld [smem:$0x3F95];
	s0 =	simm.s32 @p1 $0x1  }
0x15: {  	[smem:$0x3FB2] =	sst s0;
	s0 =	simm.s32 @!p2 $0x0  }
0x16: {  	s3 =	sld [smem:$0x3FDB];
	s0 =	simm.s32 @p2 $0x1  }
0x17: {  	s4 =	simm.s32 $0x1BF5;
	[smem:$0x3FB4] =	sst s0  }
0x18: {  	s0 =	sld [smem:$0x3F97];
	_ =	swait.ge [sflag:s4], $0x0  }
0x19: {  	s7 =	sld [smem:$0x3F98]  }
0x1a: {  	s8 =	sadd.s32 $0xFFFFE003, lr  }
0x1b: {  	s9 =	sadd.s32 $0xFFFFFEF7, lr;
	s5 =	simm.s32 $0xFFFFFFFF;
	p2 =	slt.u32 s8, $0xFFFFF086  }
0x1c: {  	p1 =	slt.u32 s9, $0xF7A;
	s5 =	simm.s32 @!p2 $0x0  }
0x1d: {  	s5 =	simm.s32 @p1 $0x1;
	p0 =	seq.s32 s7, s2  }
0x1e: {  	s7 =	smul.u32 @!p0 $0xF7A, s2;
	p2 =	seq.s32 @!p0 s5, $0x0  }
0x1f: {  	s9 =	smul.u32 $0xF7A, s1;
	s8 =	simm.s32 @!p0 $0x1BF5;
	p2 =	por !p2, p0  }
0x20: {  	[sflag:s8] =	ssyncset.s32 @!p0 $0xFFFFF086;
	s6 =	sadd.s32 @!p0 s3, s7;
	s7 =	simm.s32 @!p0 $0x108  }
0x21: {  	s3 =	sadd.s32 s3, s9;
	s6 =	sadd.s32 @!p0 $0x88, s6;
	s7 =	simm.s32 @p2 $0x1082  }
0x22: {  	[simem:s7], [sflag:s8] =	dma.local @!p0 [hbm:s6], $0xF7A  }
0x23: {  	s9 =	sor.u32 $0xD0000000, s2;
	s6 =	simm.s32 $0x108;
	_ =	swait.ge @!p0 [sflag:s8], $0x0  }
0x24: {  	s3 =	sadd.s32 $0x88, s3;
	s6 =	simm.s32 @!p1 $0x1082;
	[sflag:s4] =	ssyncset.s32 $0xFFFFF086  }
0x25: {  	[simem:s6], [sflag:s4] =	dma.local [hbm:s3], $0xF7A  }
0x26: {  	[smem:$0x3F98] =	sst s1;
	(tag) =	ssettag s2;
	_ =	strace s9  }
0x27: {  	s1 =	sld [smem:$0x3FA8]  }
0x28: {  	s2 =	sld [smem:$0x3FA9]  }
0x29: {  	s4 =	sld [smem:$0x3FAB]  }
0x2a: {  	p0 =	seq.s32 s5, $0x0;
	s5 =	sld [smem:$0x3FAC]  }
0x2b: {  	s6 =	sld [smem:$0x3FAD]  }
0x2c: {  	s7 =	sld [smem:$0x3FAE]  }
0x2d: {  	s3 =	simm.s32 $0x108;
	s8 =	sld [smem:$0x3FAF]  }
0x2e: {  	s3 =	simm.s32 @!p0 $0x1082;
	s9 =	sld [smem:$0x3FB0]  }
0x2f: {  	lr =	sadd.s32 s0, s3;
	s0 =	sld [smem:$0x3FA7]  }
0x30: {  	s3 =	sld [smem:$0x3FAA]  }
0x31: {  	[smem:$0x3FB3] =	sst s10  }
0x32: {  	s10 =	sld [smem:$0x3FB1];
	_ =	sdelay $0x3  }
0x33: {  	p0 =	seq.s32 s10, $0x1;
	s10 =	sld [smem:$0x3FB3];
	_ =	sdelay $0x3  }
0x34: {  	[smem:$0x3FB3] =	sst s10  }
0x35: {  	s10 =	sld [smem:$0x3FB2];
	_ =	sdelay $0x3  }
0x36: {  	p1 =	seq.s32 s10, $0x1;
	s10 =	sld [smem:$0x3FB3];
	_ =	sdelay $0x3  }
0x37: {  	[smem:$0x3FB3] =	sst s10  }
0x38: {  	s10 =	sld [smem:$0x3FB4]  }
0x39: {  	_ = 	snop;
	(pc) =	sbr.ind lr, $3  }
0x3a: {  	_ = 	snop  }
0x3b: {  	_ = 	snop  }
0x3c: {  	p2 =	seq.s32 s10, $0x1;
	s10 =	sld [smem:$0x3FB3]  }
0x3d: {  	_ =	shalt  }
0x3e: {  	_ =	shalt  }
0x3f: {  	_ =	shalt  }
0x40: {  	_ =	shalt  }
0x41: {  	_ =	shalt  }
0x42: {  	_ =	shalt  }
0x43: {  	_ =	shalt  }
0x44: {  	_ =	shalt  }
0x45: {  	_ =	shalt  }
0x46: {  	_ =	shalt  }
0x47: {  	_ =	shalt  }
0x48: {  	_ =	shalt  }
0x49: {  	_ =	shalt  }
0x4a: {  	_ =	shalt  }
0x4b: {  	_ =	shalt  }
0x4c: {  	_ =	shalt  }
0x4d: {  	_ =	shalt  }
0x4e: {  	_ =	shalt  }
0x4f: {  	_ =	shalt  }
0x50: {  	_ =	shalt  }
0x51: {  	_ =	shalt  }
0x52: {  	_ =	shalt  }
0x53: {  	_ =	shalt  }
0x54: {  	_ =	shalt  }
0x55: {  	_ =	shalt  }
0x56: {  	_ =	shalt  }
0x57: {  	_ =	shalt  }
0x58: {  	_ =	shalt  }
0x59: {  	_ =	shalt  }
0x5a: {  	_ =	shalt  }
0x5b: {  	_ =	shalt  }
0x5c: {  	_ =	shalt  }
0x5d: {  	_ =	shalt  }
0x5e: {  	_ =	shalt  }
0x5f: {  	_ =	shalt  }
0x60: {  	_ =	shalt  }
0x61: {  	_ =	shalt  }
0x62: {  	_ =	shalt  }
0x63: {  	_ =	shalt  }
0x64: {  	_ =	shalt  }
0x65: {  	_ =	shalt  }
0x66: {  	_ =	shalt  }
0x67: {  	_ =	shalt  }
0x68: {  	_ =	shalt  }
0x69: {  	_ =	shalt  }
0x6a: {  	_ =	shalt  }
0x6b: {  	_ =	shalt  }
0x6c: {  	_ =	shalt  }
0x6d: {  	_ =	shalt  }
0x6e: {  	_ =	shalt  }
0x6f: {  	_ =	shalt  }
0x70: {  	_ =	shalt  }
0x71: {  	_ =	shalt  }
0x72: {  	_ =	shalt  }
0x73: {  	_ =	shalt  }
0x74: {  	_ =	shalt  }
0x75: {  	_ =	shalt  }
0x76: {  	_ =	shalt  }
0x77: {  	_ =	shalt  }
0x78: {  	_ =	shalt  }
0x79: {  	_ =	shalt  }
0x7a: {  	_ =	shalt  }
0x7b: {  	_ =	shalt  }
0x7c: {  	_ =	shalt  }
0x7d: {  	_ =	shalt  }
0x7e: {  	_ =	shalt  }
0x7f: {  	_ =	shalt  }
0x80: {  	_ =	shalt  }
0x81: {  	_ =	shalt  }
0x82: {  	_ =	shalt  }
0x83: {  	_ =	shalt  }
0x84: {  	_ =	shalt  }
0x85: {  	_ =	shalt  }
0x86: {  	_ =	shalt  }
0x87: {  	_ =	shalt  }
.Lfunc_end0:
.L_simem_size_0:
called_computation.2_lowered:
.L_overlay_start_0:
0x88: {  	s2 =	sld [smem:$0x3FD9]  }
0x89: {  	s3 =	sld [smem:$0x3FFE];
	_ =	sdelay $0x1  }
0x8a: {  	s1 =	srdreg.scid  }
0x8b: {  	s0 =	sand.u32 $0x1, s1  }
0x8c: {  	s17 =	sshll.u32 s0, $0xA;
	s2 =	sadd.s32 s3, s2  }
0x8d: {  	s2 =	sadd.s32 s2, s17  }
0x8e: {  	[smem:$0x3FBF] =	sst s2  }
0x8f: {  	_ = 	snop  }
0x90: {  	s2 =	sld [smem:$0x3FD0];
	(tm) =	ssettm $0x1  }
0x91: {  	s18 =	sld [smem:$0x3FFB];
	_ =	sdelay $0x3  }
0x92: {  	_ =	strace s18  }
0x93: {  	s3 =	sld [smem:$0x3FFC];
	_ =	sdelay $0x3  }
0x94: {  	_ =	strace s3  }
0x95: {  	s3 =	sld [smem:$0x3FFD];
	_ =	sdelay $0x3  }
0x96: {  	_ =	strace s3  }
0x97: {  	_ =	strace $0x8FFFFFFF  }
0x98: {  	s19 =	sld [smem:$0x3FDB];
	_ =	sdelay $0x1  }
0x99: {  	s4 =	simm.s32 $_scs_section_size  }
0x9a: {  	s5 =	simm.s32 $_size__tile_overlayer_lowered;
	s6 =	simm.s32 $_tile_overlayer_lowered  }
0x9b: {  	s22 =	simm.s32 $0x1BFF;
	s21 =	sshll.u32 s6, $0x1;
	s3 =	sadd.s32 s4, s19  }
0x9c: {  	s7 =	simm.s32 $0x0;
	s20 =	sshll.u32 s5, $0x1;
	s5 =	sadd.s32 s21, s3  }
0x9d: {  	[timem:s7], [sflag:s22] =	dma.local [hbm:s5], s20  }
0x9e: {  	_ =	swait.ge [sflag:s22], s20  }
0x9f: {  	s4 =	ssub.s32 $0x0, s20;
	[sflag:s22] =	ssyncset.done $0x0  }
0xa0: {  	[sflag:s22] =	ssyncadd.s32 s4;
	_ =	sdelay $0x1  }
0xa1: {  	s23 =	simm.s32 $0x1B8B  }
0xa2: {  	_ =	swait.ge [sflag:s23], $0x1  }
0xa3: {  	[sflag:s23] =	ssyncset.done $0x0  }
0xa4: {  	s25 =	simm.s32 $0x1B8E;
	s24 =	sld [smem:$0x3FFE];
	[sflag:s23] =	ssyncadd.s32 $0xFFFFFFFF  }
0xa5: {  	s26 =	simm.s32 $execute0_lowered;
	[smem:$0x3FD2] =	sst s25  }
0xa6: {  	s5 =	sshll.u32 s26, $0x1;
	_ =	strace $0x8000004C;
	[dreg:$0x1] =	wrdreg $0xFFFFFFFF  }
0xa7: {  	s28 =	simm.s32 $_size_execute0_lowered;
	s3 =	sadd.s32 s3, s5;
	[dreg:$0x0] =	wrdreg $0x0  }
0xa8: {  	s5 =	sshll.u32 s28, $0x1;
	[dreg:$0x2] =	wrdreg s3  }
0xa9: {  	[dreg:$0x3] =	wrdreg s5  }
0xaa: {  	[dreg:$0x4] =	wrdreg $0xC0  }
0xab: {  	_ =	task [dreg:s7], $0x5FFFF  }
0xac: {  	[dreg:$0x1] =	wrdreg $0xFFFFFFFF  }
0xad: {  	[dreg:$0x0] =	wrdreg $0x60  }
0xae: {  	[dreg:$0x2] =	wrdreg s2  }
0xaf: {  	[dreg:$0x3] =	wrdreg s24  }
0xb0: {  	[dreg:$0x4] =	wrdreg $0xA8000  }
0xb1: {  	[dreg:$0x5] =	wrdreg $0x9  }
0xb2: {  	_ =	task.clear_ibuf [dreg:s7], $0x6FFFF;
	_ =	strace $0x9000004C  }
0xb3: {  	s29 =	simm.s32 $0x9;
	_ =	strace $0x8000004E  }
0xb4: {  	_ =	swait.ge [sflag:s29], $0x1  }
0xb5: {  	[sflag:s29] =	ssyncadd.s32 $0xFFFFFFFF  }
0xb6: {  	_ =	strace $0x9000004E  }
0xb7: {  	_ =	sfence  }
0xb8: {  	s30 =	sld [smem:$0x0];
	_ =	sdelay $0x2  }
0xb9: {  	s31 =	sshll.u32 s1, $0xD;
	s1 =	sshrl.u32 s1, $0x2  }
0xba: {  	s3 =	sand.u32 $0x4000, s31;
	s1 =	sadd.s32 s1, s30  }
0xbb: {  	s0 =	sor.u32 s3, s0;
	s1 =	sshll.u32 s1, $0x11  }
0xbc: {  	s0 =	sor.u32 s1, s0  }
0xbd: {  	s0 =	sadd.s32 $0x8F2B, s0  }
0xbe: {  	[sflag:s0] =	ssyncadd.remote.s32 $0x1  }
0xbf: {  	_ =	sfence.sel $0xFFFF  }
0xc0: {  	[dreg:$0x0] =	wrdreg $0xFFFFFFFF;
	(pc) =	sbr.abs _section_cstart, $3  }
0xc1: {  	[dreg:$0x1] =	wrdreg $0xFFFFFFFF  }
0xc2: {  	_ =	task.clear_ibuf [dreg:s7], $0x2FFFF;
	_ =	strace $0x9FFFFFFF  }
0xc3: {  	(tm) =	ssettm $0x7FFFFFFF  }
tec
execute0_lowered:
.L_overlay_start_1:
0x0: {  	(tag) =	ssettag $0x1  }
0x1: {  	s1 =	rddreg [dreg:$0x0]  }
0x2: {  	s5 =	rddreg [dreg:$0x1]  }
0x3: {  	s3 =	rddreg [dreg:$0x2]  }
0x4: {  	s0 =	rddreg [dreg:$0x3];
	s4 =	simm.s32 $0x0;
	s2 =	stileid.u32  }
0x5: {  	s7 =	srdreg.scid;
	s15 =	simm.s32 $0x2800;
	s16 =	simm.s32 $0x6800  }
0x6: {  	s19 =	simm.s32 $0x1;
	s20 =	simm.s32 $0x2;
	s21 =	simm.s32 $0x2600  }
0x7: {  	s22 =	simm.s32 $0x1300;
	s23 =	simm.s32 $0x2680;
	s24 =	simm.s32 $0x1380  }
0x8: {  	s25 =	simm.s32 $0x2700;
	s28 =	simm.s32 $0x0;
	[smem:$0x7FF] =	sst s4  }
0x9: {  	s6 =	smul.u32 $0x14000, s2;
	s8 =	sadd.s32 $0x3400, s5;
	s7 =	sand.u32 $0x1, s7  }
0xa: {  	s11 =	sshll.u32 s2, $0x1;
	s12 =	sadd.s32 $0xD400, s5;
	s13 =	smul.u32 $0x50000, s2  }
0xb: {  	s17 =	sshll.u32 s2, $0x6;
	_ =	strace $0x8000004D;
	s10 =	smul.u32 $0x140000, s7  }
0xc: {  	s11 =	sor.u32 s7, s11;
	s7 =	ssub.s32 $0x2, s7;
	s17 =	sor.u32 $0x1C03, s17  }
0xd: {  	s9 =	sshrl.u32 s6, $0x3;
	s26 =	smul.u32 $0x2800, s11;
	s29 =	sshrl.u32 s7, $0x1  }
0xe: {  	s30 =	sshrl.u32 s13, $0x2;
	s13 =	simm.s32 $0x1400;
	s9 =	sadd.s32 s9, s5  }
0xf: {  	s6 =	sadd.s32 s6, s10;
	s11 =	ssub.s32 s7, s29;
	s18 =	sadd.s32 s30, s3  }
0x10: {  	s6 =	sshrl.u32 s6, $0x3;
	s10 =	sshrl.u32 s26, $0x3;
	s7 =	sadd.s32 $0x17400, s9  }
0x11: {  	s11 =	smax.u32 s11, $0x1;
	s18 =	sshrl.u32 s18, $0x3;
	s26 =	simm.s32 $0x2780  }
0x12: {  	s14 =	sadd.s32 s6, s5;
	s5 =	sadd.s32 s8, s10;
	s31 =	sadd.s32 $0x280, s10  }
0x13: {  	s6 =	sadd.s32 s12, s10;
	s8 =	sadd.s32 s8, s31;
	s9 =	sadd.s32 s12, s31  }
0x14: {  	s10 =	sadd.s32 $0x3F400, s14;
	s12 =	simm.s32 $0x3;
	s14 =	simm.s32 $0x80  }
.LBB2_1:
0x15: {  	[tilespmem:s4], [sflag:$0x3] =	stream.linear.gather [hbm4b:s5+s4], $0x1400, $0x38;
	[tilespmem:$0x1E800] =	vst v63  }
0x16: {  	_ =	swait.ge [sflag:s12], $0x1400  }
0x17: {  	[sflag:s12] =	ssyncset.done $0x0  }
0x18: {  	[sflag:s12] =	ssyncadd.s32 $0xFFFFEC00  }
0x19: {  	[tilespmem:s13], [sflag:$0x3] =	stream.linear.gather [hbm4b:s6+s4], $0x1400, $0x38;
	[tilespmem:$0x1E800] =	vst v63  }
0x1a: {  	_ =	swait.ge [sflag:s12], $0x1400  }
0x1b: {  	[sflag:s12] =	ssyncset.done $0x0  }
0x1c: {  	[sflag:s12] =	ssyncadd.s32 $0xFFFFEC00  }
0x1d: {  	[tilespmem:s15], [sflag:$0x1] =	stream.indirect.gather [hbm4b:s1+s14], $0x80, s4, s14, $0xb8;
	[tilespmem:$0x1E800] =	vst v63  }
0x1e: {  	_ = 	snop  }
0x1f: {  	[tilespmem:s16], [sflag:$0x2] =	stream.indirect.gather [hbm4b:s1+s14], $0x80, s14, s14, $0xb8;
	[tilespmem:$0x1E800] =	vst v63  }
0x20: {  	[spmem:s18], [sflag:s17] =	dma.local [hbm:s7], $0x2800  }
0x21: {  	_ =	swait.ge [sflag:s12], $0x2800  }
0x22: {  	[sflag:s12] =	ssyncset.done $0x0  }
0x23: {  	[sflag:s12] =	ssyncadd.s32 $0xFFFFD800  }
0x24: {  	[bflag:$0x0] =	sbarrier.arrive $0xFFFF  }
0x25: {  	_ =	swait.ge [sflag:s19], $0x4000  }
0x26: {  	[sflag:s19] =	ssyncset.done $0x0  }
0x27: {  	s29 =	simm.s32 $0x1400;
	[sflag:s19] =	ssyncadd.s32 $0xFFFFC000  }
0x28: {  	[spmem:s3] =	stream.indirect.scatter.add.f32 [tilespmem:s15], [sflag:$0x3], $0x80, s29, s14, $0xb8;
	[tilespmem:$0x1E800] =	vst v63  }
0x29: {  	_ =	swait.ge [sflag:s12], $0x4000  }
0x2a: {  	[sflag:s12] =	ssyncset.done $0x0  }
0x2b: {  	s29 =	simm.s32 $0x100;
	[sflag:s12] =	ssyncadd.s32 $0xFFFFC000  }
0x2c: {  	[tilespmem:s15], [sflag:$0x1] =	stream.indirect.gather [hbm4b:s1+s14], $0x80, s29, s14, $0xb8;
	[tilespmem:$0x1E800] =	vst v63  }
0x2d: {  	_ =	swait.ge [sflag:s20], $0x4000  }
0x2e: {  	[sflag:s20] =	ssyncset.done $0x0  }
0x2f: {  	s29 =	simm.s32 $0x1480;
	[sflag:s20] =	ssyncadd.s32 $0xFFFFC000  }
0x30: {  	[spmem:s3] =	stream.indirect.scatter.add.f32 [tilespmem:s16], [sflag:$0x3], $0x80, s29, s14, $0xb8;
	[tilespmem:$0x1E800] =	vst v63  }
0x31: {  	_ =	swait.ge [sflag:s12], $0x4000  }
0x32: {  	[sflag:s12] =	ssyncset.done $0x0  }
0x33: {  	s30 =	simm.s32 $0x180;
	s29 =	simm.s32 $0x400;
	[sflag:s12] =	ssyncadd.s32 $0xFFFFC000  }
.LBB2_2:
0x34: {  	[tilespmem:s16], [sflag:$0x2] =	stream.indirect.gather [hbm4b:s1+s14], $0x80, s30, s14, $0xb8;
	[tilespmem:$0x1E800] =	vst v63  }
0x35: {  	s30 =	smov.u32 s29  }
0x36: {  	p0 =	sne.s32 s29, $0x4400;
	s29 =	sadd.s32 $0x400, s29;
	_ =	swait.ge [sflag:s19], $0x4000  }
0x37: {  	s30 =	sshra.s32 s30, $0x2;
	[sflag:s19] =	ssyncset.done $0x0  }
0x38: {  	s31 =	sadd.s32 $0x1400, s30;
	[sflag:s19] =	ssyncadd.s32 $0xFFFFC000  }
0x39: {  	[spmem:s3] =	stream.indirect.scatter.add.f32 [tilespmem:s15], [sflag:$0x3], $0x80, s31, s14, $0xb8;
	[tilespmem:$0x1E800] =	vst v63  }
0x3a: {  	_ =	swait.ge [sflag:s12], $0x4000  }
0x3b: {  	[sflag:s12] =	ssyncset.done $0x0  }
0x3c: {  	s31 =	sadd.s32 $0x100, s30;
	[sflag:s12] =	ssyncadd.s32 $0xFFFFC000  }
0x3d: {  	[tilespmem:s15], [sflag:$0x1] =	stream.indirect.gather [hbm4b:s1+s14], $0x80, s31, s14, $0xb8;
	[tilespmem:$0x1E800] =	vst v63  }
0x3e: {  	_ =	swait.ge [sflag:s20], $0x4000  }
0x3f: {  	[sflag:s20] =	ssyncset.done $0x0  }
.Ltmp0:
0x40: {  	s31 =	sadd.s32 $0x1480, s30;
	[sflag:s20] =	ssyncadd.s32 $0xFFFFC000;
	(pc) =	sbr.rel @p0 .LBB2_2-.Ltmp0, $4  }
0x41: {  	[spmem:s3] =	stream.indirect.scatter.add.f32 [tilespmem:s16], [sflag:$0x3], $0x80, s31, s14, $0xb8;
	[tilespmem:$0x1E800] =	vst v63  }
0x42: {  	_ =	swait.ge [sflag:s12], $0x4000  }
0x43: {  	[sflag:s12] =	ssyncset.done $0x0  }
0x44: {  	s30 =	sadd.s32 $0x180, s30;
	[sflag:s12] =	ssyncadd.s32 $0xFFFFC000  }
0x45: {  	[tilespmem:s16], [sflag:$0x2] =	stream.indirect.gather [hbm4b:s1+s14], $0x80, s30, s14, $0xb8;
	[tilespmem:$0x1E800] =	vst v63  }
0x46: {  	_ =	swait.ge [sflag:s19], $0x4000  }
0x47: {  	[sflag:s19] =	ssyncset.done $0x0  }
0x48: {  	[sflag:s19] =	ssyncadd.s32 $0xFFFFC000  }
0x49: {  	[spmem:s3] =	stream.indirect.scatter.add.f32 [tilespmem:s15], [sflag:$0x3], $0x80, s21, s14, $0xb8;
	[tilespmem:$0x1E800] =	vst v63  }
0x4a: {  	_ =	swait.ge [sflag:s12], $0x4000  }
0x4b: {  	[sflag:s12] =	ssyncset.done $0x0  }
0x4c: {  	[sflag:s12] =	ssyncadd.s32 $0xFFFFC000  }
0x4d: {  	[tilespmem:s15], [sflag:$0x1] =	stream.indirect.gather [hbm4b:s1+s14], $0x80, s22, s14, $0xb8;
	[tilespmem:$0x1E800] =	vst v63  }
0x4e: {  	_ =	swait.ge [sflag:s20], $0x4000  }
0x4f: {  	[sflag:s20] =	ssyncset.done $0x0  }
0x50: {  	[sflag:s20] =	ssyncadd.s32 $0xFFFFC000  }
0x51: {  	[spmem:s3] =	stream.indirect.scatter.add.f32 [tilespmem:s16], [sflag:$0x3], $0x80, s23, s14, $0xb8;
	[tilespmem:$0x1E800] =	vst v63  }
0x52: {  	_ =	swait.ge [sflag:s12], $0x4000  }
0x53: {  	[sflag:s12] =	ssyncset.done $0x0  }
0x54: {  	[sflag:s12] =	ssyncadd.s32 $0xFFFFC000  }
0x55: {  	[tilespmem:s16], [sflag:$0x2] =	stream.indirect.gather [hbm4b:s1+s14], $0x80, s24, s14, $0xb8;
	[tilespmem:$0x1E800] =	vst v63  }
0x56: {  	_ =	swait.ge [sflag:s19], $0x4000  }
0x57: {  	[sflag:s19] =	ssyncset.done $0x0  }
0x58: {  	[sflag:s19] =	ssyncadd.s32 $0xFFFFC000  }
0x59: {  	[spmem:s3] =	stream.indirect.scatter.add.f32 [tilespmem:s15], [sflag:$0x3], $0x80, s25, s14, $0xb8;
	[tilespmem:$0x1E800] =	vst v63  }
0x5a: {  	_ =	swait.ge [sflag:s12], $0x4000  }
0x5b: {  	[sflag:s12] =	ssyncset.done $0x0  }
0x5c: {  	[sflag:s12] =	ssyncadd.s32 $0xFFFFC000  }
0x5d: {  	[tilespmem:s15], [sflag:$0x1] =	stream.indirect.gather [hbm4b:s1+s14], $0x80, s24, s14, $0xb8;
	[tilespmem:$0x1E800] =	vst v63  }
0x5e: {  	_ =	swait.ge [sflag:s20], $0x4000  }
0x5f: {  	[sflag:s20] =	ssyncset.done $0x0  }
0x60: {  	[sflag:s20] =	ssyncadd.s32 $0xFFFFC000  }
0x61: {  	[spmem:s3] =	stream.indirect.scatter.add.f32 [tilespmem:s16], [sflag:$0x3], $0x80, s26, s14, $0xb8;
	[tilespmem:$0x1E800] =	vst v63  }
0x62: {  	_ =	swait.ge [sflag:s12], $0x4000  }
0x63: {  	[sflag:s12] =	ssyncset.done $0x0  }
0x64: {  	[sflag:s12] =	ssyncadd.s32 $0xFFFFC000  }
0x65: {  	[tilespmem:s16], [sflag:$0x2] =	stream.indirect.gather [hbm4b:s1+s14], $0x80, s24, s14, $0xb8;
	[tilespmem:$0x1E800] =	vst v63  }
0x66: {  	_ =	swait.ge [sflag:s19], $0x4000  }
0x67: {  	[sflag:s19] =	ssyncset.done $0x0  }
0x68: {  	[sflag:s19] =	ssyncadd.s32 $0xFFFFC000  }
0x69: {  	_ =	swait.ge [sflag:s20], $0x4000  }
0x6a: {  	[sflag:s20] =	ssyncset.done $0x0  }
0x6b: {  	s29 =	simm.s32 $0x0;
	[sflag:s20] =	ssyncadd.s32 $0xFFFFC000  }
0x6c: {  	[tilespmem:s29], [sflag:$0x3] =	stream.linear.gather [hbm4b:s8+s29], $0x1400, $0x38;
	[tilespmem:$0x1E800] =	vst v63  }
0x6d: {  	_ =	swait.ge [sflag:s12], $0x1400  }
0x6e: {  	[sflag:s12] =	ssyncset.done $0x0  }
0x6f: {  	[sflag:s12] =	ssyncadd.s32 $0xFFFFEC00  }
0x70: {  	[tilespmem:s13], [sflag:$0x3] =	stream.linear.gather [hbm4b:s9+s29], $0x1400, $0x38;
	[tilespmem:$0x1E800] =	vst v63  }
0x71: {  	_ =	swait.ge [sflag:s12], $0x1400  }
0x72: {  	[sflag:s12] =	ssyncset.done $0x0  }
0x73: {  	[sflag:s12] =	ssyncadd.s32 $0xFFFFEC00  }
0x74: {  	[tilespmem:s15], [sflag:$0x1] =	stream.indirect.gather [hbm4b:s1+s14], $0x80, s29, s14, $0xb8;
	[tilespmem:$0x1E800] =	vst v63  }
0x75: {  	_ = 	snop  }
0x76: {  	[tilespmem:s16], [sflag:$0x2] =	stream.indirect.gather [hbm4b:s1+s14], $0x80, s14, s14, $0xb8;
	[tilespmem:$0x1E800] =	vst v63  }
0x77: {  	_ =	swait.ge [sflag:s19], $0x4000  }
0x78: {  	[sflag:s19] =	ssyncset.done $0x0  }
0x79: {  	s29 =	simm.s32 $0x1400;
	[sflag:s19] =	ssyncadd.s32 $0xFFFFC000  }
0x7a: {  	[spmem:s3] =	stream.indirect.scatter.add.f32 [tilespmem:s15], [sflag:$0x3], $0x80, s29, s14, $0xb8;
	[tilespmem:$0x1E800] =	vst v63  }
0x7b: {  	_ =	swait.ge [sflag:s12], $0x4000  }
0x7c: {  	[sflag:s12] =	ssyncset.done $0x0  }
0x7d: {  	s29 =	simm.s32 $0x100;
	[sflag:s12] =	ssyncadd.s32 $0xFFFFC000  }
0x7e: {  	[tilespmem:s15], [sflag:$0x1] =	stream.indirect.gather [hbm4b:s1+s14], $0x80, s29, s14, $0xb8;
	[tilespmem:$0x1E800] =	vst v63  }
0x7f: {  	_ =	swait.ge [sflag:s20], $0x4000  }
0x80: {  	[sflag:s20] =	ssyncset.done $0x0  }
0x81: {  	s29 =	simm.s32 $0x1480;
	[sflag:s20] =	ssyncadd.s32 $0xFFFFC000  }
0x82: {  	[spmem:s3] =	stream.indirect.scatter.add.f32 [tilespmem:s16], [sflag:$0x3], $0x80, s29, s14, $0xb8;
	[tilespmem:$0x1E800] =	vst v63  }
0x83: {  	_ =	swait.ge [sflag:s12], $0x4000  }
0x84: {  	[sflag:s12] =	ssyncset.done $0x0  }
0x85: {  	s30 =	simm.s32 $0x180;
	s29 =	simm.s32 $0x400;
	[sflag:s12] =	ssyncadd.s32 $0xFFFFC000  }
.LBB2_4:
0x86: {  	[tilespmem:s16], [sflag:$0x2] =	stream.indirect.gather [hbm4b:s1+s14], $0x80, s30, s14, $0xb8;
	[tilespmem:$0x1E800] =	vst v63  }
0x87: {  	s30 =	smov.u32 s29  }
0x88: {  	p0 =	sne.s32 s29, $0x4400;
	s29 =	sadd.s32 $0x400, s29;
	_ =	swait.ge [sflag:s19], $0x4000  }
0x89: {  	s30 =	sshra.s32 s30, $0x2;
	[sflag:s19] =	ssyncset.done $0x0  }
0x8a: {  	s31 =	sadd.s32 $0x1400, s30;
	[sflag:s19] =	ssyncadd.s32 $0xFFFFC000  }
0x8b: {  	[spmem:s3] =	stream.indirect.scatter.add.f32 [tilespmem:s15], [sflag:$0x3], $0x80, s31, s14, $0xb8;
	[tilespmem:$0x1E800] =	vst v63  }
0x8c: {  	_ =	swait.ge [sflag:s12], $0x4000  }
0x8d: {  	[sflag:s12] =	ssyncset.done $0x0  }
0x8e: {  	s31 =	sadd.s32 $0x100, s30;
	[sflag:s12] =	ssyncadd.s32 $0xFFFFC000  }
0x8f: {  	[tilespmem:s15], [sflag:$0x1] =	stream.indirect.gather [hbm4b:s1+s14], $0x80, s31, s14, $0xb8;
	[tilespmem:$0x1E800] =	vst v63  }
0x90: {  	_ =	swait.ge [sflag:s20], $0x4000  }
0x91: {  	[sflag:s20] =	ssyncset.done $0x0  }
.Ltmp1:
0x92: {  	s31 =	sadd.s32 $0x1480, s30;
	[sflag:s20] =	ssyncadd.s32 $0xFFFFC000;
	(pc) =	sbr.rel @p0 .LBB2_4-.Ltmp1, $4  }
0x93: {  	[spmem:s3] =	stream.indirect.scatter.add.f32 [tilespmem:s16], [sflag:$0x3], $0x80, s31, s14, $0xb8;
	[tilespmem:$0x1E800] =	vst v63  }
0x94: {  	_ =	swait.ge [sflag:s12], $0x4000  }
0x95: {  	[sflag:s12] =	ssyncset.done $0x0  }
0x96: {  	s30 =	sadd.s32 $0x180, s30;
	[sflag:s12] =	ssyncadd.s32 $0xFFFFC000  }
0x97: {  	[tilespmem:s16], [sflag:$0x2] =	stream.indirect.gather [hbm4b:s1+s14], $0x80, s30, s14, $0xb8;
	[tilespmem:$0x1E800] =	vst v63  }
0x98: {  	_ =	swait.ge [sflag:s19], $0x4000  }
0x99: {  	[sflag:s19] =	ssyncset.done $0x0  }
0x9a: {  	[sflag:s19] =	ssyncadd.s32 $0xFFFFC000  }
0x9b: {  	[spmem:s3] =	stream.indirect.scatter.add.f32 [tilespmem:s15], [sflag:$0x3], $0x80, s21, s14, $0xb8;
	[tilespmem:$0x1E800] =	vst v63  }
0x9c: {  	_ =	swait.ge [sflag:s12], $0x4000  }
0x9d: {  	[sflag:s12] =	ssyncset.done $0x0  }
0x9e: {  	[sflag:s12] =	ssyncadd.s32 $0xFFFFC000  }
0x9f: {  	[tilespmem:s15], [sflag:$0x1] =	stream.indirect.gather [hbm4b:s1+s14], $0x80, s22, s14, $0xb8;
	[tilespmem:$0x1E800] =	vst v63  }
0xa0: {  	_ =	swait.ge [sflag:s20], $0x4000  }
0xa1: {  	[sflag:s20] =	ssyncset.done $0x0  }
0xa2: {  	[sflag:s20] =	ssyncadd.s32 $0xFFFFC000  }
0xa3: {  	[spmem:s3] =	stream.indirect.scatter.add.f32 [tilespmem:s16], [sflag:$0x3], $0x80, s23, s14, $0xb8;
	[tilespmem:$0x1E800] =	vst v63  }
0xa4: {  	_ =	swait.ge [sflag:s12], $0x4000  }
0xa5: {  	[sflag:s12] =	ssyncset.done $0x0  }
0xa6: {  	[sflag:s12] =	ssyncadd.s32 $0xFFFFC000  }
0xa7: {  	[tilespmem:s16], [sflag:$0x2] =	stream.indirect.gather [hbm4b:s1+s14], $0x80, s24, s14, $0xb8;
	[tilespmem:$0x1E800] =	vst v63  }
0xa8: {  	_ =	swait.ge [sflag:s19], $0x4000  }
0xa9: {  	[sflag:s19] =	ssyncset.done $0x0  }
0xaa: {  	[sflag:s19] =	ssyncadd.s32 $0xFFFFC000  }
0xab: {  	[spmem:s3] =	stream.indirect.scatter.add.f32 [tilespmem:s15], [sflag:$0x3], $0x80, s25, s14, $0xb8;
	[tilespmem:$0x1E800] =	vst v63  }
0xac: {  	_ =	swait.ge [sflag:s12], $0x4000  }
0xad: {  	[sflag:s12] =	ssyncset.done $0x0  }
0xae: {  	[sflag:s12] =	ssyncadd.s32 $0xFFFFC000  }
0xaf: {  	[tilespmem:s15], [sflag:$0x1] =	stream.indirect.gather [hbm4b:s1+s14], $0x80, s24, s14, $0xb8;
	[tilespmem:$0x1E800] =	vst v63  }
0xb0: {  	_ =	swait.ge [sflag:s20], $0x4000  }
0xb1: {  	[sflag:s20] =	ssyncset.done $0x0  }
0xb2: {  	[sflag:s20] =	ssyncadd.s32 $0xFFFFC000  }
0xb3: {  	[spmem:s3] =	stream.indirect.scatter.add.f32 [tilespmem:s16], [sflag:$0x3], $0x80, s26, s14, $0xb8;
	[tilespmem:$0x1E800] =	vst v63  }
0xb4: {  	_ =	swait.ge [sflag:s12], $0x4000  }
0xb5: {  	[sflag:s12] =	ssyncset.done $0x0  }
0xb6: {  	[sflag:s12] =	ssyncadd.s32 $0xFFFFC000  }
0xb7: {  	[tilespmem:s16], [sflag:$0x2] =	stream.indirect.gather [hbm4b:s1+s14], $0x80, s24, s14, $0xb8;
	[tilespmem:$0x1E800] =	vst v63  }
0xb8: {  	_ =	swait.ge [sflag:s19], $0x4000  }
0xb9: {  	[sflag:s19] =	ssyncset.done $0x0  }
0xba: {  	[sflag:s19] =	ssyncadd.s32 $0xFFFFC000  }
0xbb: {  	_ =	swait.ge [sflag:s20], $0x4000  }
0xbc: {  	s28 =	sadd.s32 $0x1, s28;
	[sflag:s20] =	ssyncset.done $0x0  }
0xbd: {  	p0 =	sne.s32 s28, s11;
	[sflag:s20] =	ssyncadd.s32 $0xFFFFC000  }
.Ltmp2:
0xbe: {  	[bflag:$0x0] =	sbarrier.arrive $0xFFFF;
	(pc) =	sbr.rel @p0 .LBB2_1-.Ltmp2, $4  }
0xbf: {  	[hbm:s10], [sflag:s17] =	dma.local [spmem:s18], $0x2800  }
0xc0: {  	_ =	swait.ge [sflag:s12], $0x2800  }
0xc1: {  	[sflag:s12] =	ssyncset.done $0x0  }
0xc2: {  	[sflag:s12] =	ssyncadd.s32 $0xFFFFD800  }
0xc3: {  	_ =	sfence.sel $0x180000  }
0xc4: {  	[bflag:$0x0] =	sbarrier.arrive $0xFFFF  }
0xc5: {  	p0 =	sne.s32 s2, $0x0;
	_ =	strace $0x9000004D  }
0xc6: {  	s0 =	sadd.s32 @!p0 $0x100000, s0;
	[bflag:$0x2] =	sbarrier.arrive $0xFFFF  }
0xc7: {  	[sflag:s0] =	ssyncadd.tile.s32 @!p0 $0x1;
	_ =	shalt  }
.Lfunc_end2:
_tile_overlayer_lowered:
.L_overlay_start_2:
0xc8: {  	(tag) =	ssettag $0x2  }
0xc9: {  	s0 =	rddreg [dreg:$0x0];
	s2 =	stileid.u32  }
0xca: {  	s1 =	rddreg [dreg:$0x1];
	p0 =	sne.s32 s2, $0x0  }
0xcb: {  	s3 =	rddreg [dreg:$0x2];
	[bflag:$0x3] =	sbarrier.arrive $0xFFFF;
	s2 =	simm.s32 @!p0 $0x1C03  }
0xcc: {  	[timem:s3], [sflag:s2] =	dma.local @!p0 [hbm:s0], s1  }
0xcd: {  	s0 =	simm.s32 @!p0 $0x3  }
0xce: {  	_ =	swait.ge @!p0 [sflag:s0], s1  }
0xcf: {  	s1 =	ssub.s32 @!p0 $0x0, s1;
	[sflag:s0] =	ssyncset.done @!p0 $0x0  }
0xd0: {  	[sflag:s0] =	ssyncadd.s32 @!p0 s1  }
0xd1: {  	[bflag:$0x3] =	sbarrier.arrive $0xFFFF  }
0xd2: {  	_ =	shalt  }

// kernel: kernel.8.cloned.1.call-start
scs
__scs_entry_jumppad:
0x0: {  	(pc) =	sbr.rel $0x88, $3  }
0x1: {  	(tag) =	ssettag $0x0;
	lr =	simm.s32 $0x1  }
0x2: {  	[smem:$0x3F98] =	sst lr;
	_ =	strace $0xD0000000  }
0x3: {  	_ = 	snop  }
0x4: {  	_ = 	snop  }
0x5: {  	_ = 	snop  }
0x6: {  	_ = 	snop  }
0x7: {  	_ = 	snop  }
__scs_overlays_trampoline_lowered:
0x8: {  	[smem:$0x3FA7] =	sst s0  }
0x9: {  	[smem:$0x3FA8] =	sst s1  }
0xa: {  	[smem:$0x3FA9] =	sst s2  }
0xb: {  	[smem:$0x3FAA] =	sst s3  }
0xc: {  	[smem:$0x3FAB] =	sst s4  }
0xd: {  	[smem:$0x3FAC] =	sst s5  }
0xe: {  	[smem:$0x3FAD] =	sst s6  }
0xf: {  	[smem:$0x3FAE] =	sst s7  }
0x10: {  	[smem:$0x3FAF] =	sst s8  }
0x11: {  	[smem:$0x3FB0] =	sst s9;
	s0 =	simm.s32 @!p0 $0x0  }
0x12: {  	s1 =	sld [smem:$0x3F96];
	s0 =	simm.s32 @p0 $0x1  }
0x13: {  	[smem:$0x3FB1] =	sst s0;
	s0 =	simm.s32 @!p1 $0x0  }
0x14: {  	s2 =	sld [smem:$0x3F95];
	s0 =	simm.s32 @p1 $0x1  }
0x15: {  	[smem:$0x3FB2] =	sst s0;
	s0 =	simm.s32 @!p2 $0x0  }
0x16: {  	s3 =	sld [smem:$0x3FDB];
	s0 =	simm.s32 @p2 $0x1  }
0x17: {  	s4 =	simm.s32 $0x1BF5;
	[smem:$0x3FB4] =	sst s0  }
0x18: {  	s0 =	sld [smem:$0x3F97];
	_ =	swait.ge [sflag:s4], $0x0  }
0x19: {  	s7 =	sld [smem:$0x3F98]  }
0x1a: {  	s8 =	sadd.s32 $0xFFFFE003, lr  }
0x1b: {  	s9 =	sadd.s32 $0xFFFFFEF7, lr;
	s5 =	simm.s32 $0xFFFFFFFF;
	p2 =	slt.u32 s8, $0xFFFFF086  }
0x1c: {  	p1 =	slt.u32 s9, $0xF7A;
	s5 =	simm.s32 @!p2 $0x0  }
0x1d: {  	s5 =	simm.s32 @p1 $0x1;
	p0 =	seq.s32 s7, s2  }
0x1e: {  	s7 =	smul.u32 @!p0 $0xF7A, s2;
	p2 =	seq.s32 @!p0 s5, $0x0  }
0x1f: {  	s9 =	smul.u32 $0xF7A, s1;
	s8 =	simm.s32 @!p0 $0x1BF5;
	p2 =	por !p2, p0  }
0x20: {  	[sflag:s8] =	ssyncset.s32 @!p0 $0xFFFFF086;
	s6 =	sadd.s32 @!p0 s3, s7;
	s7 =	simm.s32 @!p0 $0x108  }
0x21: {  	s3 =	sadd.s32 s3, s9;
	s6 =	sadd.s32 @!p0 $0x88, s6;
	s7 =	simm.s32 @p2 $0x1082  }
0x22: {  	[simem:s7], [sflag:s8] =	dma.local @!p0 [hbm:s6], $0xF7A  }
0x23: {  	s9 =	sor.u32 $0xD0000000, s2;
	s6 =	simm.s32 $0x108;
	_ =	swait.ge @!p0 [sflag:s8], $0x0  }
0x24: {  	s3 =	sadd.s32 $0x88, s3;
	s6 =	simm.s32 @!p1 $0x1082;
	[sflag:s4] =	ssyncset.s32 $0xFFFFF086  }
0x25: {  	[simem:s6], [sflag:s4] =	dma.local [hbm:s3], $0xF7A  }
0x26: {  	[smem:$0x3F98] =	sst s1;
	(tag) =	ssettag s2;
	_ =	strace s9  }
0x27: {  	s1 =	sld [smem:$0x3FA8]  }
0x28: {  	s2 =	sld [smem:$0x3FA9]  }
0x29: {  	s4 =	sld [smem:$0x3FAB]  }
0x2a: {  	p0 =	seq.s32 s5, $0x0;
	s5 =	sld [smem:$0x3FAC]  }
0x2b: {  	s6 =	sld [smem:$0x3FAD]  }
0x2c: {  	s7 =	sld [smem:$0x3FAE]  }
0x2d: {  	s3 =	simm.s32 $0x108;
	s8 =	sld [smem:$0x3FAF]  }
0x2e: {  	s3 =	simm.s32 @!p0 $0x1082;
	s9 =	sld [smem:$0x3FB0]  }
0x2f: {  	lr =	sadd.s32 s0, s3;
	s0 =	sld [smem:$0x3FA7]  }
0x30: {  	s3 =	sld [smem:$0x3FAA]  }
0x31: {  	[smem:$0x3FB3] =	sst s10  }
0x32: {  	s10 =	sld [smem:$0x3FB1];
	_ =	sdelay $0x3  }
0x33: {  	p0 =	seq.s32 s10, $0x1;
	s10 =	sld [smem:$0x3FB3];
	_ =	sdelay $0x3  }
0x34: {  	[smem:$0x3FB3] =	sst s10  }
0x35: {  	s10 =	sld [smem:$0x3FB2];
	_ =	sdelay $0x3  }
0x36: {  	p1 =	seq.s32 s10, $0x1;
	s10 =	sld [smem:$0x3FB3];
	_ =	sdelay $0x3  }
0x37: {  	[smem:$0x3FB3] =	sst s10  }
0x38: {  	s10 =	sld [smem:$0x3FB4]  }
0x39: {  	_ = 	snop;
	(pc) =	sbr.ind lr, $3  }
0x3a: {  	_ = 	snop  }
0x3b: {  	_ = 	snop  }
0x3c: {  	p2 =	seq.s32 s10, $0x1;
	s10 =	sld [smem:$0x3FB3]  }
0x3d: {  	_ =	shalt  }
0x3e: {  	_ =	shalt  }
0x3f: {  	_ =	shalt  }
0x40: {  	_ =	shalt  }
0x41: {  	_ =	shalt  }
0x42: {  	_ =	shalt  }
0x43: {  	_ =	shalt  }
0x44: {  	_ =	shalt  }
0x45: {  	_ =	shalt  }
0x46: {  	_ =	shalt  }
0x47: {  	_ =	shalt  }
0x48: {  	_ =	shalt  }
0x49: {  	_ =	shalt  }
0x4a: {  	_ =	shalt  }
0x4b: {  	_ =	shalt  }
0x4c: {  	_ =	shalt  }
0x4d: {  	_ =	shalt  }
0x4e: {  	_ =	shalt  }
0x4f: {  	_ =	shalt  }
0x50: {  	_ =	shalt  }
0x51: {  	_ =	shalt  }
0x52: {  	_ =	shalt  }
0x53: {  	_ =	shalt  }
0x54: {  	_ =	shalt  }
0x55: {  	_ =	shalt  }
0x56: {  	_ =	shalt  }
0x57: {  	_ =	shalt  }
0x58: {  	_ =	shalt  }
0x59: {  	_ =	shalt  }
0x5a: {  	_ =	shalt  }
0x5b: {  	_ =	shalt  }
0x5c: {  	_ =	shalt  }
0x5d: {  	_ =	shalt  }
0x5e: {  	_ =	shalt  }
0x5f: {  	_ =	shalt  }
0x60: {  	_ =	shalt  }
0x61: {  	_ =	shalt  }
0x62: {  	_ =	shalt  }
0x63: {  	_ =	shalt  }
0x64: {  	_ =	shalt  }
0x65: {  	_ =	shalt  }
0x66: {  	_ =	shalt  }
0x67: {  	_ =	shalt  }
0x68: {  	_ =	shalt  }
0x69: {  	_ =	shalt  }
0x6a: {  	_ =	shalt  }
0x6b: {  	_ =	shalt  }
0x6c: {  	_ =	shalt  }
0x6d: {  	_ =	shalt  }
0x6e: {  	_ =	shalt  }
0x6f: {  	_ =	shalt  }
0x70: {  	_ =	shalt  }
0x71: {  	_ =	shalt  }
0x72: {  	_ =	shalt  }
0x73: {  	_ =	shalt  }
0x74: {  	_ =	shalt  }
0x75: {  	_ =	shalt  }
0x76: {  	_ =	shalt  }
0x77: {  	_ =	shalt  }
0x78: {  	_ =	shalt  }
0x79: {  	_ =	shalt  }
0x7a: {  	_ =	shalt  }
0x7b: {  	_ =	shalt  }
0x7c: {  	_ =	shalt  }
0x7d: {  	_ =	shalt  }
0x7e: {  	_ =	shalt  }
0x7f: {  	_ =	shalt  }
0x80: {  	_ =	shalt  }
0x81: {  	_ =	shalt  }
0x82: {  	_ =	shalt  }
0x83: {  	_ =	shalt  }
0x84: {  	_ =	shalt  }
0x85: {  	_ =	shalt  }
0x86: {  	_ =	shalt  }
0x87: {  	_ =	shalt  }
.Lfunc_end0:
.L_simem_size_0:
called_computation_lowered:
.L_overlay_start_0:
0x88: {  	s2 =	sld [smem:$0x3FD9]  }
0x89: {  	s3 =	sld [smem:$0x3FFE];
	_ =	sdelay $0x1  }
0x8a: {  	s1 =	srdreg.scid  }
0x8b: {  	s0 =	sand.u32 $0x1, s1  }
0x8c: {  	s17 =	sshll.u32 s0, $0xA;
	s2 =	sadd.s32 s3, s2  }
0x8d: {  	s2 =	sadd.s32 s2, s17  }
0x8e: {  	[smem:$0x3FBF] =	sst s2  }
0x8f: {  	_ = 	snop  }
0x90: {  	s2 =	sld [smem:$0x3FC9];
	(tm) =	ssettm $0x1  }
0x91: {  	s18 =	sld [smem:$0x3FFB];
	_ =	sdelay $0x3  }
0x92: {  	_ =	strace s18  }
0x93: {  	s3 =	sld [smem:$0x3FFC];
	_ =	sdelay $0x3  }
0x94: {  	_ =	strace s3  }
0x95: {  	s3 =	sld [smem:$0x3FFD];
	_ =	sdelay $0x3  }
0x96: {  	_ =	strace s3  }
0x97: {  	_ =	strace $0x8FFFFFFF  }
0x98: {  	s19 =	sld [smem:$0x3FDB];
	_ =	sdelay $0x1  }
0x99: {  	s4 =	simm.s32 $_scs_section_size  }
0x9a: {  	s5 =	simm.s32 $_size__tile_overlayer_lowered;
	s6 =	simm.s32 $_tile_overlayer_lowered  }
0x9b: {  	s22 =	simm.s32 $0x1BFF;
	s21 =	sshll.u32 s6, $0x1;
	s3 =	sadd.s32 s4, s19  }
0x9c: {  	s7 =	simm.s32 $0x0;
	s20 =	sshll.u32 s5, $0x1;
	s5 =	sadd.s32 s21, s3  }
0x9d: {  	[timem:s7], [sflag:s22] =	dma.local [hbm:s5], s20  }
0x9e: {  	_ =	swait.ge [sflag:s22], s20  }
0x9f: {  	s4 =	ssub.s32 $0x0, s20;
	[sflag:s22] =	ssyncset.done $0x0  }
0xa0: {  	[sflag:s22] =	ssyncadd.s32 s4;
	_ =	sdelay $0x1  }
0xa1: {  	s23 =	simm.s32 $0x1B8B  }
0xa2: {  	_ =	swait.ge [sflag:s23], $0x1  }
0xa3: {  	[sflag:s23] =	ssyncset.done $0x0  }
0xa4: {  	s25 =	simm.s32 $0x1B8E;
	s24 =	sld [smem:$0x3FFE];
	[sflag:s23] =	ssyncadd.s32 $0xFFFFFFFF  }
0xa5: {  	s26 =	simm.s32 $execute0_lowered;
	[smem:$0x3FD2] =	sst s25  }
0xa6: {  	s5 =	sshll.u32 s26, $0x1;
	_ =	strace $0x80000046;
	[dreg:$0x1] =	wrdreg $0xFFFFFFFF  }
0xa7: {  	s28 =	simm.s32 $_size_execute0_lowered;
	s3 =	sadd.s32 s3, s5;
	[dreg:$0x0] =	wrdreg $0x0  }
0xa8: {  	s5 =	sshll.u32 s28, $0x1;
	[dreg:$0x2] =	wrdreg s3  }
0xa9: {  	[dreg:$0x3] =	wrdreg s5  }
0xaa: {  	[dreg:$0x4] =	wrdreg $0xC0  }
0xab: {  	_ =	task [dreg:s7], $0x5FFFF  }
0xac: {  	[dreg:$0x1] =	wrdreg $0xFFFFFFFF  }
0xad: {  	[dreg:$0x0] =	wrdreg $0x60  }
0xae: {  	[dreg:$0x2] =	wrdreg s2  }
0xaf: {  	[dreg:$0x3] =	wrdreg s24  }
0xb0: {  	[dreg:$0x4] =	wrdreg $0xA8000  }
0xb1: {  	[dreg:$0x5] =	wrdreg $0x9  }
0xb2: {  	_ =	task.clear_ibuf [dreg:s7], $0x6FFFF;
	_ =	strace $0x90000046  }
0xb3: {  	s29 =	simm.s32 $0x9;
	_ =	strace $0x80000048  }
0xb4: {  	_ =	swait.ge [sflag:s29], $0x1  }
0xb5: {  	[sflag:s29] =	ssyncadd.s32 $0xFFFFFFFF  }
0xb6: {  	_ =	strace $0x90000048  }
0xb7: {  	_ =	sfence  }
0xb8: {  	s30 =	sld [smem:$0x0];
	_ =	sdelay $0x2  }
0xb9: {  	s31 =	sshll.u32 s1, $0xD;
	s1 =	sshrl.u32 s1, $0x2  }
0xba: {  	s3 =	sand.u32 $0x4000, s31;
	s1 =	sadd.s32 s1, s30  }
0xbb: {  	s0 =	sor.u32 s3, s0;
	s1 =	sshll.u32 s1, $0x11  }
0xbc: {  	s0 =	sor.u32 s1, s0  }
0xbd: {  	s0 =	sadd.s32 $0x8F2B, s0  }
0xbe: {  	[sflag:s0] =	ssyncadd.remote.s32 $0x1  }
0xbf: {  	_ =	sfence.sel $0xFFFF  }
0xc0: {  	[dreg:$0x0] =	wrdreg $0xFFFFFFFF;
	(pc) =	sbr.abs _section_cstart, $3  }
0xc1: {  	[dreg:$0x1] =	wrdreg $0xFFFFFFFF  }
0xc2: {  	_ =	task.clear_ibuf [dreg:s7], $0x2FFFF;
	_ =	strace $0x9FFFFFFF  }
0xc3: {  	(tm) =	ssettm $0x7FFFFFFF  }
tec
execute0_lowered:
.L_overlay_start_1:
0x0: {  	(tag) =	ssettag $0x1  }
0x1: {  	s1 =	rddreg [dreg:$0x0]  }
0x2: {  	s5 =	rddreg [dreg:$0x1]  }
0x3: {  	s3 =	rddreg [dreg:$0x2]  }
0x4: {  	s0 =	rddreg [dreg:$0x3];
	s4 =	simm.s32 $0x0;
	s2 =	stileid.u32  }
0x5: {  	s7 =	srdreg.scid;
	s15 =	simm.s32 $0x2800;
	s16 =	simm.s32 $0x6800  }
0x6: {  	s19 =	simm.s32 $0x1;
	s20 =	simm.s32 $0x2;
	s21 =	simm.s32 $0x2600  }
0x7: {  	s22 =	simm.s32 $0x1300;
	s23 =	simm.s32 $0x2680;
	s24 =	simm.s32 $0x1380  }
0x8: {  	s25 =	simm.s32 $0x2700;
	s28 =	simm.s32 $0x0;
	[smem:$0x7FF] =	sst s4  }
0x9: {  	s6 =	smul.u32 $0x14000, s2;
	s8 =	sadd.s32 $0x3400, s5;
	s7 =	sand.u32 $0x1, s7  }
0xa: {  	s11 =	sshll.u32 s2, $0x1;
	s12 =	sadd.s32 $0xD400, s5;
	s13 =	smul.u32 $0x50000, s2  }
0xb: {  	s17 =	sshll.u32 s2, $0x6;
	_ =	strace $0x80000047;
	s10 =	smul.u32 $0x140000, s7  }
0xc: {  	s11 =	sor.u32 s7, s11;
	s7 =	ssub.s32 $0x2, s7;
	s17 =	sor.u32 $0x1C03, s17  }
0xd: {  	s9 =	sshrl.u32 s6, $0x3;
	s26 =	smul.u32 $0x2800, s11;
	s29 =	sshrl.u32 s7, $0x1  }
0xe: {  	s30 =	sshrl.u32 s13, $0x2;
	s13 =	simm.s32 $0x1400;
	s9 =	sadd.s32 s9, s5  }
0xf: {  	s6 =	sadd.s32 s6, s10;
	s11 =	ssub.s32 s7, s29;
	s18 =	sadd.s32 s30, s3  }
0x10: {  	s6 =	sshrl.u32 s6, $0x3;
	s10 =	sshrl.u32 s26, $0x3;
	s7 =	sadd.s32 $0x17400, s9  }
0x11: {  	s11 =	smax.u32 s11, $0x1;
	s18 =	sshrl.u32 s18, $0x3;
	s26 =	simm.s32 $0x2780  }
0x12: {  	s14 =	sadd.s32 s6, s5;
	s5 =	sadd.s32 s8, s10;
	s31 =	sadd.s32 $0x280, s10  }
0x13: {  	s6 =	sadd.s32 s12, s10;
	s8 =	sadd.s32 s8, s31;
	s9 =	sadd.s32 s12, s31  }
0x14: {  	s10 =	sadd.s32 $0x3F400, s14;
	s12 =	simm.s32 $0x3;
	s14 =	simm.s32 $0x80  }
.LBB2_1:
0x15: {  	[tilespmem:s4], [sflag:$0x3] =	stream.linear.gather [hbm4b:s5+s4], $0x1400, $0x38;
	[tilespmem:$0x1E800] =	vst v63  }
0x16: {  	_ =	swait.ge [sflag:s12], $0x1400  }
0x17: {  	[sflag:s12] =	ssyncset.done $0x0  }
0x18: {  	[sflag:s12] =	ssyncadd.s32 $0xFFFFEC00  }
0x19: {  	[tilespmem:s13], [sflag:$0x3] =	stream.linear.gather [hbm4b:s6+s4], $0x1400, $0x38;
	[tilespmem:$0x1E800] =	vst v63  }
0x1a: {  	_ =	swait.ge [sflag:s12], $0x1400  }
0x1b: {  	[sflag:s12] =	ssyncset.done $0x0  }
0x1c: {  	[sflag:s12] =	ssyncadd.s32 $0xFFFFEC00  }
0x1d: {  	[tilespmem:s15], [sflag:$0x1] =	stream.indirect.gather [hbm4b:s1+s14], $0x80, s4, s14, $0xb8;
	[tilespmem:$0x1E800] =	vst v63  }
0x1e: {  	_ = 	snop  }
0x1f: {  	[tilespmem:s16], [sflag:$0x2] =	stream.indirect.gather [hbm4b:s1+s14], $0x80, s14, s14, $0xb8;
	[tilespmem:$0x1E800] =	vst v63  }
0x20: {  	[spmem:s18], [sflag:s17] =	dma.local [hbm:s7], $0x2800  }
0x21: {  	_ =	swait.ge [sflag:s12], $0x2800  }
0x22: {  	[sflag:s12] =	ssyncset.done $0x0  }
0x23: {  	[sflag:s12] =	ssyncadd.s32 $0xFFFFD800  }
0x24: {  	[bflag:$0x0] =	sbarrier.arrive $0xFFFF  }
0x25: {  	_ =	swait.ge [sflag:s19], $0x4000  }
0x26: {  	[sflag:s19] =	ssyncset.done $0x0  }
0x27: {  	s29 =	simm.s32 $0x1400;
	[sflag:s19] =	ssyncadd.s32 $0xFFFFC000  }
0x28: {  	[spmem:s3] =	stream.indirect.scatter.add.f32 [tilespmem:s15], [sflag:$0x3], $0x80, s29, s14, $0xb8;
	[tilespmem:$0x1E800] =	vst v63  }
0x29: {  	_ =	swait.ge [sflag:s12], $0x4000  }
0x2a: {  	[sflag:s12] =	ssyncset.done $0x0  }
0x2b: {  	s29 =	simm.s32 $0x100;
	[sflag:s12] =	ssyncadd.s32 $0xFFFFC000  }
0x2c: {  	[tilespmem:s15], [sflag:$0x1] =	stream.indirect.gather [hbm4b:s1+s14], $0x80, s29, s14, $0xb8;
	[tilespmem:$0x1E800] =	vst v63  }
0x2d: {  	_ =	swait.ge [sflag:s20], $0x4000  }
0x2e: {  	[sflag:s20] =	ssyncset.done $0x0  }
0x2f: {  	s29 =	simm.s32 $0x1480;
	[sflag:s20] =	ssyncadd.s32 $0xFFFFC000  }
0x30: {  	[spmem:s3] =	stream.indirect.scatter.add.f32 [tilespmem:s16], [sflag:$0x3], $0x80, s29, s14, $0xb8;
	[tilespmem:$0x1E800] =	vst v63  }
0x31: {  	_ =	swait.ge [sflag:s12], $0x4000  }
0x32: {  	[sflag:s12] =	ssyncset.done $0x0  }
0x33: {  	s30 =	simm.s32 $0x180;
	s29 =	simm.s32 $0x400;
	[sflag:s12] =	ssyncadd.s32 $0xFFFFC000  }
.LBB2_2:
0x34: {  	[tilespmem:s16], [sflag:$0x2] =	stream.indirect.gather [hbm4b:s1+s14], $0x80, s30, s14, $0xb8;
	[tilespmem:$0x1E800] =	vst v63  }
0x35: {  	s30 =	smov.u32 s29  }
0x36: {  	p0 =	sne.s32 s29, $0x4400;
	s29 =	sadd.s32 $0x400, s29;
	_ =	swait.ge [sflag:s19], $0x4000  }
0x37: {  	s30 =	sshra.s32 s30, $0x2;
	[sflag:s19] =	ssyncset.done $0x0  }
0x38: {  	s31 =	sadd.s32 $0x1400, s30;
	[sflag:s19] =	ssyncadd.s32 $0xFFFFC000  }
0x39: {  	[spmem:s3] =	stream.indirect.scatter.add.f32 [tilespmem:s15], [sflag:$0x3], $0x80, s31, s14, $0xb8;
	[tilespmem:$0x1E800] =	vst v63  }
0x3a: {  	_ =	swait.ge [sflag:s12], $0x4000  }
0x3b: {  	[sflag:s12] =	ssyncset.done $0x0  }
0x3c: {  	s31 =	sadd.s32 $0x100, s30;
	[sflag:s12] =	ssyncadd.s32 $0xFFFFC000  }
0x3d: {  	[tilespmem:s15], [sflag:$0x1] =	stream.indirect.gather [hbm4b:s1+s14], $0x80, s31, s14, $0xb8;
	[tilespmem:$0x1E800] =	vst v63  }
0x3e: {  	_ =	swait.ge [sflag:s20], $0x4000  }
0x3f: {  	[sflag:s20] =	ssyncset.done $0x0  }
.Ltmp0:
0x40: {  	s31 =	sadd.s32 $0x1480, s30;
	[sflag:s20] =	ssyncadd.s32 $0xFFFFC000;
	(pc) =	sbr.rel @p0 .LBB2_2-.Ltmp0, $4  }
0x41: {  	[spmem:s3] =	stream.indirect.scatter.add.f32 [tilespmem:s16], [sflag:$0x3], $0x80, s31, s14, $0xb8;
	[tilespmem:$0x1E800] =	vst v63  }
0x42: {  	_ =	swait.ge [sflag:s12], $0x4000  }
0x43: {  	[sflag:s12] =	ssyncset.done $0x0  }
0x44: {  	s30 =	sadd.s32 $0x180, s30;
	[sflag:s12] =	ssyncadd.s32 $0xFFFFC000  }
0x45: {  	[tilespmem:s16], [sflag:$0x2] =	stream.indirect.gather [hbm4b:s1+s14], $0x80, s30, s14, $0xb8;
	[tilespmem:$0x1E800] =	vst v63  }
0x46: {  	_ =	swait.ge [sflag:s19], $0x4000  }
0x47: {  	[sflag:s19] =	ssyncset.done $0x0  }
0x48: {  	[sflag:s19] =	ssyncadd.s32 $0xFFFFC000  }
0x49: {  	[spmem:s3] =	stream.indirect.scatter.add.f32 [tilespmem:s15], [sflag:$0x3], $0x80, s21, s14, $0xb8;
	[tilespmem:$0x1E800] =	vst v63  }
0x4a: {  	_ =	swait.ge [sflag:s12], $0x4000  }
0x4b: {  	[sflag:s12] =	ssyncset.done $0x0  }
0x4c: {  	[sflag:s12] =	ssyncadd.s32 $0xFFFFC000  }
0x4d: {  	[tilespmem:s15], [sflag:$0x1] =	stream.indirect.gather [hbm4b:s1+s14], $0x80, s22, s14, $0xb8;
	[tilespmem:$0x1E800] =	vst v63  }
0x4e: {  	_ =	swait.ge [sflag:s20], $0x4000  }
0x4f: {  	[sflag:s20] =	ssyncset.done $0x0  }
0x50: {  	[sflag:s20] =	ssyncadd.s32 $0xFFFFC000  }
0x51: {  	[spmem:s3] =	stream.indirect.scatter.add.f32 [tilespmem:s16], [sflag:$0x3], $0x80, s23, s14, $0xb8;
	[tilespmem:$0x1E800] =	vst v63  }
0x52: {  	_ =	swait.ge [sflag:s12], $0x4000  }
0x53: {  	[sflag:s12] =	ssyncset.done $0x0  }
0x54: {  	[sflag:s12] =	ssyncadd.s32 $0xFFFFC000  }
0x55: {  	[tilespmem:s16], [sflag:$0x2] =	stream.indirect.gather [hbm4b:s1+s14], $0x80, s24, s14, $0xb8;
	[tilespmem:$0x1E800] =	vst v63  }
0x56: {  	_ =	swait.ge [sflag:s19], $0x4000  }
0x57: {  	[sflag:s19] =	ssyncset.done $0x0  }
0x58: {  	[sflag:s19] =	ssyncadd.s32 $0xFFFFC000  }
0x59: {  	[spmem:s3] =	stream.indirect.scatter.add.f32 [tilespmem:s15], [sflag:$0x3], $0x80, s25, s14, $0xb8;
	[tilespmem:$0x1E800] =	vst v63  }
0x5a: {  	_ =	swait.ge [sflag:s12], $0x4000  }
0x5b: {  	[sflag:s12] =	ssyncset.done $0x0  }
0x5c: {  	[sflag:s12] =	ssyncadd.s32 $0xFFFFC000  }
0x5d: {  	[tilespmem:s15], [sflag:$0x1] =	stream.indirect.gather [hbm4b:s1+s14], $0x80, s24, s14, $0xb8;
	[tilespmem:$0x1E800] =	vst v63  }
0x5e: {  	_ =	swait.ge [sflag:s20], $0x4000  }
0x5f: {  	[sflag:s20] =	ssyncset.done $0x0  }
0x60: {  	[sflag:s20] =	ssyncadd.s32 $0xFFFFC000  }
0x61: {  	[spmem:s3] =	stream.indirect.scatter.add.f32 [tilespmem:s16], [sflag:$0x3], $0x80, s26, s14, $0xb8;
	[tilespmem:$0x1E800] =	vst v63  }
0x62: {  	_ =	swait.ge [sflag:s12], $0x4000  }
0x63: {  	[sflag:s12] =	ssyncset.done $0x0  }
0x64: {  	[sflag:s12] =	ssyncadd.s32 $0xFFFFC000  }
0x65: {  	[tilespmem:s16], [sflag:$0x2] =	stream.indirect.gather [hbm4b:s1+s14], $0x80, s24, s14, $0xb8;
	[tilespmem:$0x1E800] =	vst v63  }
0x66: {  	_ =	swait.ge [sflag:s19], $0x4000  }
0x67: {  	[sflag:s19] =	ssyncset.done $0x0  }
0x68: {  	[sflag:s19] =	ssyncadd.s32 $0xFFFFC000  }
0x69: {  	_ =	swait.ge [sflag:s20], $0x4000  }
0x6a: {  	[sflag:s20] =	ssyncset.done $0x0  }
0x6b: {  	s29 =	simm.s32 $0x0;
	[sflag:s20] =	ssyncadd.s32 $0xFFFFC000  }
0x6c: {  	[tilespmem:s29], [sflag:$0x3] =	stream.linear.gather [hbm4b:s8+s29], $0x1400, $0x38;
	[tilespmem:$0x1E800] =	vst v63  }
0x6d: {  	_ =	swait.ge [sflag:s12], $0x1400  }
0x6e: {  	[sflag:s12] =	ssyncset.done $0x0  }
0x6f: {  	[sflag:s12] =	ssyncadd.s32 $0xFFFFEC00  }
0x70: {  	[tilespmem:s13], [sflag:$0x3] =	stream.linear.gather [hbm4b:s9+s29], $0x1400, $0x38;
	[tilespmem:$0x1E800] =	vst v63  }
0x71: {  	_ =	swait.ge [sflag:s12], $0x1400  }
0x72: {  	[sflag:s12] =	ssyncset.done $0x0  }
0x73: {  	[sflag:s12] =	ssyncadd.s32 $0xFFFFEC00  }
0x74: {  	[tilespmem:s15], [sflag:$0x1] =	stream.indirect.gather [hbm4b:s1+s14], $0x80, s29, s14, $0xb8;
	[tilespmem:$0x1E800] =	vst v63  }
0x75: {  	_ = 	snop  }
0x76: {  	[tilespmem:s16], [sflag:$0x2] =	stream.indirect.gather [hbm4b:s1+s14], $0x80, s14, s14, $0xb8;
	[tilespmem:$0x1E800] =	vst v63  }
0x77: {  	_ =	swait.ge [sflag:s19], $0x4000  }
0x78: {  	[sflag:s19] =	ssyncset.done $0x0  }
0x79: {  	s29 =	simm.s32 $0x1400;
	[sflag:s19] =	ssyncadd.s32 $0xFFFFC000  }
0x7a: {  	[spmem:s3] =	stream.indirect.scatter.add.f32 [tilespmem:s15], [sflag:$0x3], $0x80, s29, s14, $0xb8;
	[tilespmem:$0x1E800] =	vst v63  }
0x7b: {  	_ =	swait.ge [sflag:s12], $0x4000  }
0x7c: {  	[sflag:s12] =	ssyncset.done $0x0  }
0x7d: {  	s29 =	simm.s32 $0x100;
	[sflag:s12] =	ssyncadd.s32 $0xFFFFC000  }
0x7e: {  	[tilespmem:s15], [sflag:$0x1] =	stream.indirect.gather [hbm4b:s1+s14], $0x80, s29, s14, $0xb8;
	[tilespmem:$0x1E800] =	vst v63  }
0x7f: {  	_ =	swait.ge [sflag:s20], $0x4000  }
0x80: {  	[sflag:s20] =	ssyncset.done $0x0  }
0x81: {  	s29 =	simm.s32 $0x1480;
	[sflag:s20] =	ssyncadd.s32 $0xFFFFC000  }
0x82: {  	[spmem:s3] =	stream.indirect.scatter.add.f32 [tilespmem:s16], [sflag:$0x3], $0x80, s29, s14, $0xb8;
	[tilespmem:$0x1E800] =	vst v63  }
0x83: {  	_ =	swait.ge [sflag:s12], $0x4000  }
0x84: {  	[sflag:s12] =	ssyncset.done $0x0  }
0x85: {  	s30 =	simm.s32 $0x180;
	s29 =	simm.s32 $0x400;
	[sflag:s12] =	ssyncadd.s32 $0xFFFFC000  }
.LBB2_4:
0x86: {  	[tilespmem:s16], [sflag:$0x2] =	stream.indirect.gather [hbm4b:s1+s14], $0x80, s30, s14, $0xb8;
	[tilespmem:$0x1E800] =	vst v63  }
0x87: {  	s30 =	smov.u32 s29  }
0x88: {  	p0 =	sne.s32 s29, $0x4400;
	s29 =	sadd.s32 $0x400, s29;
	_ =	swait.ge [sflag:s19], $0x4000  }
0x89: {  	s30 =	sshra.s32 s30, $0x2;
	[sflag:s19] =	ssyncset.done $0x0  }
0x8a: {  	s31 =	sadd.s32 $0x1400, s30;
	[sflag:s19] =	ssyncadd.s32 $0xFFFFC000  }
0x8b: {  	[spmem:s3] =	stream.indirect.scatter.add.f32 [tilespmem:s15], [sflag:$0x3], $0x80, s31, s14, $0xb8;
	[tilespmem:$0x1E800] =	vst v63  }
0x8c: {  	_ =	swait.ge [sflag:s12], $0x4000  }
0x8d: {  	[sflag:s12] =	ssyncset.done $0x0  }
0x8e: {  	s31 =	sadd.s32 $0x100, s30;
	[sflag:s12] =	ssyncadd.s32 $0xFFFFC000  }
0x8f: {  	[tilespmem:s15], [sflag:$0x1] =	stream.indirect.gather [hbm4b:s1+s14], $0x80, s31, s14, $0xb8;
	[tilespmem:$0x1E800] =	vst v63  }
0x90: {  	_ =	swait.ge [sflag:s20], $0x4000  }
0x91: {  	[sflag:s20] =	ssyncset.done $0x0  }
.Ltmp1:
0x92: {  	s31 =	sadd.s32 $0x1480, s30;
	[sflag:s20] =	ssyncadd.s32 $0xFFFFC000;
	(pc) =	sbr.rel @p0 .LBB2_4-.Ltmp1, $4  }
0x93: {  	[spmem:s3] =	stream.indirect.scatter.add.f32 [tilespmem:s16], [sflag:$0x3], $0x80, s31, s14, $0xb8;
	[tilespmem:$0x1E800] =	vst v63  }
0x94: {  	_ =	swait.ge [sflag:s12], $0x4000  }
0x95: {  	[sflag:s12] =	ssyncset.done $0x0  }
0x96: {  	s30 =	sadd.s32 $0x180, s30;
	[sflag:s12] =	ssyncadd.s32 $0xFFFFC000  }
0x97: {  	[tilespmem:s16], [sflag:$0x2] =	stream.indirect.gather [hbm4b:s1+s14], $0x80, s30, s14, $0xb8;
	[tilespmem:$0x1E800] =	vst v63  }
0x98: {  	_ =	swait.ge [sflag:s19], $0x4000  }
0x99: {  	[sflag:s19] =	ssyncset.done $0x0  }
0x9a: {  	[sflag:s19] =	ssyncadd.s32 $0xFFFFC000  }
0x9b: {  	[spmem:s3] =	stream.indirect.scatter.add.f32 [tilespmem:s15], [sflag:$0x3], $0x80, s21, s14, $0xb8;
	[tilespmem:$0x1E800] =	vst v63  }
0x9c: {  	_ =	swait.ge [sflag:s12], $0x4000  }
0x9d: {  	[sflag:s12] =	ssyncset.done $0x0  }
0x9e: {  	[sflag:s12] =	ssyncadd.s32 $0xFFFFC000  }
0x9f: {  	[tilespmem:s15], [sflag:$0x1] =	stream.indirect.gather [hbm4b:s1+s14], $0x80, s22, s14, $0xb8;
	[tilespmem:$0x1E800] =	vst v63  }
0xa0: {  	_ =	swait.ge [sflag:s20], $0x4000  }
0xa1: {  	[sflag:s20] =	ssyncset.done $0x0  }
0xa2: {  	[sflag:s20] =	ssyncadd.s32 $0xFFFFC000  }
0xa3: {  	[spmem:s3] =	stream.indirect.scatter.add.f32 [tilespmem:s16], [sflag:$0x3], $0x80, s23, s14, $0xb8;
	[tilespmem:$0x1E800] =	vst v63  }
0xa4: {  	_ =	swait.ge [sflag:s12], $0x4000  }
0xa5: {  	[sflag:s12] =	ssyncset.done $0x0  }
0xa6: {  	[sflag:s12] =	ssyncadd.s32 $0xFFFFC000  }
0xa7: {  	[tilespmem:s16], [sflag:$0x2] =	stream.indirect.gather [hbm4b:s1+s14], $0x80, s24, s14, $0xb8;
	[tilespmem:$0x1E800] =	vst v63  }
0xa8: {  	_ =	swait.ge [sflag:s19], $0x4000  }
0xa9: {  	[sflag:s19] =	ssyncset.done $0x0  }
0xaa: {  	[sflag:s19] =	ssyncadd.s32 $0xFFFFC000  }
0xab: {  	[spmem:s3] =	stream.indirect.scatter.add.f32 [tilespmem:s15], [sflag:$0x3], $0x80, s25, s14, $0xb8;
	[tilespmem:$0x1E800] =	vst v63  }
0xac: {  	_ =	swait.ge [sflag:s12], $0x4000  }
0xad: {  	[sflag:s12] =	ssyncset.done $0x0  }
0xae: {  	[sflag:s12] =	ssyncadd.s32 $0xFFFFC000  }
0xaf: {  	[tilespmem:s15], [sflag:$0x1] =	stream.indirect.gather [hbm4b:s1+s14], $0x80, s24, s14, $0xb8;
	[tilespmem:$0x1E800] =	vst v63  }
0xb0: {  	_ =	swait.ge [sflag:s20], $0x4000  }
0xb1: {  	[sflag:s20] =	ssyncset.done $0x0  }
0xb2: {  	[sflag:s20] =	ssyncadd.s32 $0xFFFFC000  }
0xb3: {  	[spmem:s3] =	stream.indirect.scatter.add.f32 [tilespmem:s16], [sflag:$0x3], $0x80, s26, s14, $0xb8;
	[tilespmem:$0x1E800] =	vst v63  }
0xb4: {  	_ =	swait.ge [sflag:s12], $0x4000  }
0xb5: {  	[sflag:s12] =	ssyncset.done $0x0  }
0xb6: {  	[sflag:s12] =	ssyncadd.s32 $0xFFFFC000  }
0xb7: {  	[tilespmem:s16], [sflag:$0x2] =	stream.indirect.gather [hbm4b:s1+s14], $0x80, s24, s14, $0xb8;
	[tilespmem:$0x1E800] =	vst v63  }
0xb8: {  	_ =	swait.ge [sflag:s19], $0x4000  }
0xb9: {  	[sflag:s19] =	ssyncset.done $0x0  }
0xba: {  	[sflag:s19] =	ssyncadd.s32 $0xFFFFC000  }
0xbb: {  	_ =	swait.ge [sflag:s20], $0x4000  }
0xbc: {  	s28 =	sadd.s32 $0x1, s28;
	[sflag:s20] =	ssyncset.done $0x0  }
0xbd: {  	p0 =	sne.s32 s28, s11;
	[sflag:s20] =	ssyncadd.s32 $0xFFFFC000  }
.Ltmp2:
0xbe: {  	[bflag:$0x0] =	sbarrier.arrive $0xFFFF;
	(pc) =	sbr.rel @p0 .LBB2_1-.Ltmp2, $4  }
0xbf: {  	[hbm:s10], [sflag:s17] =	dma.local [spmem:s18], $0x2800  }
0xc0: {  	_ =	swait.ge [sflag:s12], $0x2800  }
0xc1: {  	[sflag:s12] =	ssyncset.done $0x0  }
0xc2: {  	[sflag:s12] =	ssyncadd.s32 $0xFFFFD800  }
0xc3: {  	_ =	sfence.sel $0x180000  }
0xc4: {  	[bflag:$0x0] =	sbarrier.arrive $0xFFFF  }
0xc5: {  	p0 =	sne.s32 s2, $0x0;
	_ =	strace $0x90000047  }
0xc6: {  	s0 =	sadd.s32 @!p0 $0x100000, s0;
	[bflag:$0x2] =	sbarrier.arrive $0xFFFF  }
0xc7: {  	[sflag:s0] =	ssyncadd.tile.s32 @!p0 $0x1;
	_ =	shalt  }
.Lfunc_end2:
_tile_overlayer_lowered:
.L_overlay_start_2:
0xc8: {  	(tag) =	ssettag $0x2  }
0xc9: {  	s0 =	rddreg [dreg:$0x0];
	s2 =	stileid.u32  }
0xca: {  	s1 =	rddreg [dreg:$0x1];
	p0 =	sne.s32 s2, $0x0  }
0xcb: {  	s3 =	rddreg [dreg:$0x2];
	[bflag:$0x3] =	sbarrier.arrive $0xFFFF;
	s2 =	simm.s32 @!p0 $0x1C03  }
0xcc: {  	[timem:s3], [sflag:s2] =	dma.local @!p0 [hbm:s0], s1  }
0xcd: {  	s0 =	simm.s32 @!p0 $0x3  }
0xce: {  	_ =	swait.ge @!p0 [sflag:s0], s1  }
0xcf: {  	s1 =	ssub.s32 @!p0 $0x0, s1;
	[sflag:s0] =	ssyncset.done @!p0 $0x0  }
0xd0: {  	[sflag:s0] =	ssyncadd.s32 @!p0 s1  }
0xd1: {  	[bflag:$0x3] =	sbarrier.arrive $0xFFFF  }
0xd2: {  	_ =	shalt  }

</sc_bundles>
